<compile_context>
chip_gen: v7x
topology: tpu7x:2x2x1
jax: 0.10.2.dev20260603
libtpu: 0.0.44.dev20260713+nightly
codegen_flags: <defaults>
</compile_context>

<pallas_src>
import functools

import jax
import jax.numpy as jnp
from jax import lax
from jax.experimental import pallas as pl
from jax.experimental.pallas import tpu as pltpu
from jax.experimental.pallas import tpu_sc as plsc

N = 10000
E = 320000
D = 128
H1 = 32
H2 = 16
C = 7

NC = 2
NS = 16
NW = NC * NS
K = 128
NCHUNKS = E // K
CA = 80
CB = 76
SLAB = CA + 4
NROW = N // NS
CP = 8


def _sc_mesh():
    return plsc.VectorSubcoreMesh(
        core_axis_name="c", subcore_axis_name="s",
        num_cores=NC, num_subcores=NS,
    )


def _sc_params(n_in):
    return pltpu.CompilerParams(
        needs_layout_passes=False,
        use_tc_tiling_on_sc=False,
        allow_input_fusion=[True] * n_in,
    )


_SC_PARAMS = _sc_params(4)


def _agg_split(c, s):
    is0 = c == 0
    count = jnp.where(is0, CA + 4 * (s == 0).astype(jnp.int32), CB)
    start = jnp.where(
        is0,
        jnp.where(s == 0, 0, 4 + s * CA),
        16 * CA + 4 + s * CB,
    )
    dma_start = jnp.minimum(start, NCHUNKS - SLAB)
    return count, dma_start, start - dma_start


def _deg_split(wid):
    count = 78 + (wid < 4).astype(jnp.int32)
    start = wid * 78 + jnp.minimum(wid, 4)
    dma_start = jnp.minimum(start, NCHUNKS - 79)
    return count, dma_start, start - dma_start


@functools.partial(
    pl.kernel,
    out_type=jax.ShapeDtypeStruct((NW, N), jnp.float32),
    mesh=_sc_mesh(),
    compiler_params=_sc_params(2),
    scratch_types=[
        pltpu.VMEM((79, K), jnp.int32),
        pltpu.VMEM((N,), jnp.float32),
    ],
)
def _deg_kernel(ei_hbm, zeros_hbm, out_hbm, dst_v, deg_v):
    c = lax.axis_index("c")
    s = lax.axis_index("s")
    wid = s * NC + c
    count, dma_start, off = _deg_split(wid)
    pltpu.sync_copy(zeros_hbm, deg_v)
    pltpu.sync_copy(ei_hbm.at[1].at[pl.ds(dma_start, 79)], dst_v)
    ones = jnp.full((16,), 1.0, dtype=jnp.float32)

    def body(j, carry):
        row = dst_v.at[off + j]
        for g in range(K // 16):
            idx = row[pl.ds(g * 16, 16)]
            plsc.addupdate_scatter(deg_v, [idx], ones)
        return carry

    lax.fori_loop(0, count, body, 0)
    pltpu.sync_copy(deg_v, out_hbm.at[wid])


def _make_agg(H):
    @functools.partial(
        pl.kernel,
        out_type=jax.ShapeDtypeStruct((NC, N, H), jnp.float32),
        mesh=_sc_mesh(),
        compiler_params=_SC_PARAMS,
        scratch_types=[
            pltpu.VMEM((SLAB, K), jnp.int32),
            pltpu.VMEM((SLAB, K), jnp.int32),
            pltpu.VMEM((K, H), jnp.float32),
            pltpu.VMEM((K, H), jnp.float32),
            pltpu.VMEM((K, H), jnp.float32),
            pltpu.VMEM((K, H), jnp.float32),
            pltpu.VMEM_SHARED((N, H), jnp.float32),
            pltpu.SemaphoreType.DMA,
            pltpu.SemaphoreType.DMA,
            pltpu.SemaphoreType.DMA,
            pltpu.SemaphoreType.DMA,
        ],
    )
    def agg(hs_hbm, ei_hbm, zeros_hbm, out_hbm, src_v, dst_v,
            rows0, rows1, rows2, rows3, acc, sem0, sem1, sem2, sem3):
        c = lax.axis_index("c")
        s = lax.axis_index("s")
        count, dma_start, off = _agg_split(c, s)
        rows = (rows0, rows1, rows2, rows3)
        sems = (sem0, sem1, sem2, sem3)

        pltpu.sync_copy(zeros_hbm.at[pl.ds(s * NROW, NROW)],
                        acc.at[pl.ds(s * NROW, NROW)])
        pltpu.sync_copy(ei_hbm.at[0].at[pl.ds(dma_start, SLAB)], src_v)
        pltpu.sync_copy(ei_hbm.at[1].at[pl.ds(dma_start, SLAB)], dst_v)
        plsc.subcore_barrier()

        for q in range(4):
            pltpu.async_copy(hs_hbm.at[src_v.at[off + q]], rows[q], sems[q])

        def body(i, carry):
            j = off + 4 * i
            for q in range(4):
                jq = j + q
                pltpu.make_async_copy(hs_hbm.at[src_v.at[jq]], rows[q],
                                      sems[q]).wait()
                pltpu.sync_copy(rows[q], acc.at[dst_v.at[jq]], add=True)
                jn = jnp.minimum(jq + 4, off + count - 1)
                pltpu.async_copy(hs_hbm.at[src_v.at[jn]], rows[q], sems[q])
            return carry

        lax.fori_loop(0, count // 4, body, 0)
        for q in range(4):
            pltpu.make_async_copy(hs_hbm.at[src_v.at[0]], rows[q],
                                  sems[q]).wait()

        plsc.subcore_barrier()
        pltpu.sync_copy(acc.at[pl.ds(s * NROW, NROW)],
                        out_hbm.at[c].at[pl.ds(s * NROW, NROW)])

    return agg


_agg_h1 = _make_agg(H1)
_agg_h2 = _make_agg(H2)


_DEG_DOT = (((0,), (0,)), ((), ()))


def _dinv_col(degp_block):
    ones = jnp.ones((NW, 1), dtype=jnp.float32)
    deg = lax.dot_general(degp_block, ones, _DEG_DOT,
                          preferred_element_type=jnp.float32)
    return lax.rsqrt(deg + 1.0)


def _dense1_body(x_ref, w_ref, degp_ref, hs_ref):
    dinv = _dinv_col(degp_ref[...])
    h = jnp.dot(x_ref[...], w_ref[...], preferred_element_type=jnp.float32)
    hs_ref[...] = h * dinv


def _dense1(x, W1, degp):
    return pl.pallas_call(
        _dense1_body,
        compiler_params=pltpu.CompilerParams(
            allow_input_fusion=[True] * 3),
        out_shape=jax.ShapeDtypeStruct((N, H1), jnp.float32),
    )(x, W1, degp)


def _dense2_body(p_ref, hs_ref, degp_ref, b_ref, w_ref, out_ref):
    a = p_ref[...]
    dinv = _dinv_col(degp_ref[...])
    t = (a[0] + a[1] + hs_ref[...]) * dinv + b_ref[...]
    t = jnp.maximum(t, 0.0)
    hh = jnp.dot(t, w_ref[...], preferred_element_type=jnp.float32)
    out_ref[...] = hh * dinv


def _dense2(P, hs1, degp, b1r, W2):
    return pl.pallas_call(
        _dense2_body,
        compiler_params=pltpu.CompilerParams(
            allow_input_fusion=[True] * 5),
        out_shape=jax.ShapeDtypeStruct((N, H2), jnp.float32),
    )(P, hs1, degp, b1r, W2)


def _dense3_body(q_ref, hs_ref, degp_ref, b_ref, w_ref, bfc_ref, out_ref):
    a = q_ref[...]
    dinv = _dinv_col(degp_ref[...])
    t = (a[0] + a[1] + hs_ref[...]) * dinv + b_ref[...]
    t = jnp.maximum(t, 0.0)
    logits = jnp.dot(t, w_ref[...], preferred_element_type=jnp.float32)
    logits = logits + bfc_ref[...]
    m = jnp.max(logits, axis=1, keepdims=True)
    e = jnp.exp(logits - m)
    out_ref[...] = e / jnp.sum(e, axis=1, keepdims=True)


def _dense3(Q, hs2, degp, b2r, Wfcp, bfcp):
    return pl.pallas_call(
        _dense3_body,
        compiler_params=pltpu.CompilerParams(
            allow_input_fusion=[True] * 6),
        out_shape=jax.ShapeDtypeStruct((N, CP), jnp.float32),
    )(Q, hs2, degp, b2r, Wfcp, bfcp)


def kernel(x, edge_index, W1, b1, W2, b2, Wfc, bfc):
    ei3 = edge_index.reshape(2, NCHUNKS, K)

    zeros_deg = jnp.zeros((N,), jnp.float32)
    degp = _deg_kernel(ei3, zeros_deg)

    hs1 = _dense1(x, W1, degp)

    zeros1 = jnp.zeros((N, H1), jnp.float32)
    P = _agg_h1(hs1, ei3, zeros1)

    hs2 = _dense2(P, hs1, degp, b1.reshape(1, H1), W2)

    zeros2 = jnp.zeros((N, H2), jnp.float32)
    Q = _agg_h2(hs2, ei3, zeros2)

    Wfcp = jnp.concatenate([Wfc, jnp.zeros((H2, CP - C), jnp.float32)], axis=1)
    bfcp = jnp.concatenate([bfc, jnp.full((CP - C,), -1e30, jnp.float32)])
    out = _dense3(Q, hs2, degp, b2.reshape(1, H2), Wfcp, bfcp.reshape(1, CP))
    return out[:, :C]

# --- scband reference (transcript-rebuilt; emitter-appended) ---
"""Pipeline reference for scband-net-66571993088772 (READ-ONLY COPY).

The authoritative reference and input builder live on the scoring server;
editing this copy changes nothing except your own understanding.
"""

import jax, jax.numpy as jnp
import numpy as np

N = 10000
E = 320000
D = 128
H1 = 32
H2 = 16
C = 7


def _gcn_conv(x, src, dst, W, b, num_nodes):
    # linear transform
    h = x @ W
    # add self loops
    loop = jnp.arange(num_nodes, dtype=src.dtype)
    s = jnp.concatenate([src, loop])
    d = jnp.concatenate([dst, loop])
    # symmetric normalization deg^-1/2[src] * deg^-1/2[dst]
    deg = jnp.zeros((num_nodes,), dtype=h.dtype).at[d].add(1.0)
    dinv = jnp.where(deg > 0, 1.0 / jnp.sqrt(deg), 0.0)
    norm = dinv[s] * dinv[d]
    msg = h[s] * norm[:, None]
    out = jnp.zeros((num_nodes, h.shape[1]), dtype=h.dtype).at[d].add(msg)
    return out + b


def setup_inputs(seed: int = 0) -> dict:
    key = jax.random.key(seed)
    ks = jax.random.split(key, 8)
    x = jax.random.normal(ks[0], (N, D), dtype=jnp.float32)
    edge_index = jax.random.randint(ks[1], (2, E), 0, N, dtype=jnp.int32)
    W1 = jax.random.normal(ks[2], (D, H1), dtype=jnp.float32) * (1.0 / np.sqrt(D))
    b1 = jnp.zeros((H1,), dtype=jnp.float32)
    W2 = jax.random.normal(ks[3], (H1, H2), dtype=jnp.float32) * (1.0 / np.sqrt(H1))
    b2 = jnp.zeros((H2,), dtype=jnp.float32)
    Wfc = jax.random.normal(ks[4], (H2, C), dtype=jnp.float32) * (1.0 / np.sqrt(H2))
    bfc = jnp.zeros((C,), dtype=jnp.float32)
    return {"x": x, "edge_index": edge_index, "W1": W1, "b1": b1, "W2": W2, "b2": b2, "Wfc": Wfc, "bfc": bfc}


def reference(x, edge_index, W1, b1, W2, b2, Wfc, bfc):
    src = edge_index[0]
    dst = edge_index[1]
    h = jax.nn.relu(_gcn_conv(x, src, dst, W1, b1, N))
    # dropout is identity in eval mode (training=False)
    h = jax.nn.relu(_gcn_conv(h, src, dst, W2, b2, N))
    out = h @ Wfc + bfc
    return jax.nn.softmax(out, axis=1)

if __name__ == "__main__":
    import jax
    _d = setup_inputs()
    print(jax.jit(kernel)(*tuple(_d.values())))

</pallas_src>

<mosaic_0001>
#map = affine_map<(d0, d1) -> (0, 0, 0)>
#map1 = affine_map<(d0, d1) -> (0)>
#map2 = affine_map<(d0, d1) -> (0, 0)>
module attributes {stable_mosaic.version = 14 : i64} {
  func.func @_deg_kernel(%arg0: i32, %arg1: i32, %arg2: memref<2x2500x128xi32, #tpu.memory_space<hbm>>, %arg3: memref<10000xf32, #tpu.memory_space<hbm>>, %arg4: memref<32x10000xf32, #tpu.memory_space<hbm>>, %arg5: memref<79x128xi32, #tpu.memory_space<vmem>>, %arg6: memref<10000xf32, #tpu.memory_space<vmem>>) attributes {dimension_semantics = [#tpu.dimension_semantics<core_parallel>, #tpu.dimension_semantics<subcore_parallel>], iteration_bounds = array<i64: 2, 16>, scalar_prefetch = 0 : i64, scratch_operands = 2 : i64, tpu.core_type = #tpu.core_type<sc_vector_subcore>, window_params = [{transform_indices = #map}, {transform_indices = #map1}, {transform_indices = #map2}]} {
    %mul3A = arith.constant 2 : i32
    %mul3A_0 = arith.muli %arg1, %mul3A : i32
    %add3A = arith.addi %mul3A_0, %arg0 : i32
    %lt3A = arith.constant 4 : i32
    %lt3A_1 = arith.cmpi slt, %add3A, %lt3A : i32
    %convert_element_type3A = arith.extui %lt3A_1 : i1 to i32
    %add3A_2 = arith.constant 78 : i32
    %add3A_3 = arith.addi %add3A_2, %convert_element_type3A : i32
    %mul3A_4 = arith.constant 78 : i32
    %mul3A_5 = arith.muli %add3A, %mul3A_4 : i32
    %min3A = arith.constant 4 : i32
    %min3A_6 = arith.minsi %add3A, %min3A : i32
    %add3A_7 = arith.addi %mul3A_5, %min3A_6 : i32
    %min3A_8 = arith.constant 2421 : i32
    %min3A_9 = arith.minsi %add3A_7, %min3A_8 : i32
    %sub3A = arith.subi %add3A_7, %min3A_9 : i32
    "tpu.region"() ({
      %run_scoped3A_20 = tpu.sem_alloc : memref<!tpu.dma_semaphore, #tpu.memory_space<semaphore_mem>>
      tpu.enqueue_dma source(%arg3 : memref<10000xf32, #tpu.memory_space<hbm>>) target(%arg6 : memref<10000xf32, #tpu.memory_space<vmem>>) target_semaphore(%run_scoped3A_20 : memref<!tpu.dma_semaphore, #tpu.memory_space<semaphore_mem>>)
      tpu.wait_dma2 semaphore(%run_scoped3A_20 : memref<!tpu.dma_semaphore, #tpu.memory_space<semaphore_mem>>) src(%arg3 : memref<10000xf32, #tpu.memory_space<hbm>>) dst(%arg6 : memref<10000xf32, #tpu.memory_space<vmem>>)
      tpu.yield
    }) : () -> ()
    %run_scoped3A = arith.constant 1 : i32
    "tpu.region"() ({
      %run_scoped3A_20 = tpu.sem_alloc : memref<!tpu.dma_semaphore, #tpu.memory_space<semaphore_mem>>
      %dma_start3A = arith.constant 0 : i32
      %dma_start3A_21 = arith.constant 0 : i32
      %dma_start3A_22 = tpu.memref_slice %arg2[%run_scoped3A, %dma_start3A, %dma_start3A_21] : memref<2x2500x128xi32, #tpu.memory_space<hbm>> -> memref<1x2500x128xi32, #tpu.memory_space<hbm>>
      %dma_start3A_23 = tpu.memref_squeeze %dma_start3A_22 : memref<1x2500x128xi32, #tpu.memory_space<hbm>> -> memref<2500x128xi32, #tpu.memory_space<hbm>>
      %dma_start3A_24 = arith.constant 0 : i32
      %dma_start3A_25 = tpu.memref_slice %dma_start3A_23[%min3A_9, %dma_start3A_24] : memref<2500x128xi32, #tpu.memory_space<hbm>> -> memref<79x128xi32, #tpu.memory_space<hbm>>
      %dma_start3A_26 = arith.constant 0 : i32
      %dma_start3A_27 = arith.constant 0 : i32
      %dma_start3A_28 = tpu.memref_slice %arg2[%run_scoped3A, %dma_start3A_26, %dma_start3A_27] : memref<2x2500x128xi32, #tpu.memory_space<hbm>> -> memref<1x2500x128xi32, #tpu.memory_space<hbm>>
      %dma_start3A_29 = tpu.memref_squeeze %dma_start3A_28 : memref<1x2500x128xi32, #tpu.memory_space<hbm>> -> memref<2500x128xi32, #tpu.memory_space<hbm>>
      %dma_start3A_30 = arith.constant 0 : i32
      %dma_start3A_31 = tpu.memref_slice %dma_start3A_29[%min3A_9, %dma_start3A_30] : memref<2500x128xi32, #tpu.memory_space<hbm>> -> memref<79x128xi32, #tpu.memory_space<hbm>>
      tpu.enqueue_dma source(%dma_start3A_31 : memref<79x128xi32, #tpu.memory_space<hbm>>) target(%arg5 : memref<79x128xi32, #tpu.memory_space<vmem>>) target_semaphore(%run_scoped3A_20 : memref<!tpu.dma_semaphore, #tpu.memory_space<semaphore_mem>>)
      %dma_wait3A = arith.constant 0 : i32
      %dma_wait3A_32 = arith.constant 0 : i32
      %dma_wait3A_33 = tpu.memref_slice %arg2[%run_scoped3A, %dma_wait3A, %dma_wait3A_32] : memref<2x2500x128xi32, #tpu.memory_space<hbm>> -> memref<1x2500x128xi32, #tpu.memory_space<hbm>>
      %dma_wait3A_34 = tpu.memref_squeeze %dma_wait3A_33 : memref<1x2500x128xi32, #tpu.memory_space<hbm>> -> memref<2500x128xi32, #tpu.memory_space<hbm>>
      %dma_wait3A_35 = arith.constant 0 : i32
      %dma_wait3A_36 = tpu.memref_slice %dma_wait3A_34[%min3A_9, %dma_wait3A_35] : memref<2500x128xi32, #tpu.memory_space<hbm>> -> memref<79x128xi32, #tpu.memory_space<hbm>>
      %dma_wait3A_37 = arith.constant 0 : i32
      %dma_wait3A_38 = arith.constant 0 : i32
      %dma_wait3A_39 = tpu.memref_slice %arg2[%run_scoped3A, %dma_wait3A_37, %dma_wait3A_38] : memref<2x2500x128xi32, #tpu.memory_space<hbm>> -> memref<1x2500x128xi32, #tpu.memory_space<hbm>>
      %dma_wait3A_40 = tpu.memref_squeeze %dma_wait3A_39 : memref<1x2500x128xi32, #tpu.memory_space<hbm>> -> memref<2500x128xi32, #tpu.memory_space<hbm>>
      %dma_wait3A_41 = arith.constant 0 : i32
      %dma_wait3A_42 = tpu.memref_slice %dma_wait3A_40[%min3A_9, %dma_wait3A_41] : memref<2500x128xi32, #tpu.memory_space<hbm>> -> memref<79x128xi32, #tpu.memory_space<hbm>>
      tpu.wait_dma2 semaphore(%run_scoped3A_20 : memref<!tpu.dma_semaphore, #tpu.memory_space<semaphore_mem>>) src(%dma_wait3A_42 : memref<79x128xi32, #tpu.memory_space<hbm>>) dst(%arg5 : memref<79x128xi32, #tpu.memory_space<vmem>>)
      tpu.yield
    }) : () -> ()
    %broadcast_in_dim3A = arith.constant 1.000000e+00 : f32
    %broadcast_in_dim3A_10 = vector.broadcast %broadcast_in_dim3A : f32 to vector<16xf32>
    %while3A = arith.constant 0 : i32
    %while3A_11 = arith.constant 0 : i32
    %while3A_12 = arith.subi %add3A_3, %while3A_11 : i32
    %while3A_13 = arith.addi %while3A_11, %while3A_12 : i32
    %while3A_14 = arith.constant 1 : i32
    %while3A_15 = arith.divsi %while3A_12, %while3A_14 : i32
    %while3A_16 = arith.muli %while3A_15, %while3A_14 : i32
    %while3A_17 = arith.addi %while3A_11, %while3A_16 : i32
    %while3A_18 = arith.constant 1 : i32
    scf.for %while3A_20 = %while3A_11 to %while3A_17 step %while3A_18  : i32 {
      %add3A_21 = arith.addi %sub3A, %while3A_20 : i32
      %get3A = arith.constant 0 : i32
      %get3A_22 = tpu.memref_slice %arg5[%add3A_21, %get3A] : memref<79x128xi32, #tpu.memory_space<vmem>> -> memref<1x128xi32, #tpu.memory_space<vmem>>
      %get3A_23 = tpu.memref_squeeze %get3A_22 : memref<1x128xi32, #tpu.memory_space<vmem>> -> memref<128xi32, #tpu.memory_space<vmem>>
      %get3A_24 = arith.constant 0 : index
      %get3A_25 = tpu.vector_load %get3A_23[%get3A_24] {strides = array<i32>} : memref<128xi32, #tpu.memory_space<vmem>>, vector<16xi32>,
      tpu.vector_store_idx %arg6[%get3A_25], %broadcast_in_dim3A_10 {add = true} : memref<10000xf32, #tpu.memory_space<vmem>>[vector<16xi32>], vector<16xf32>,
      %get3A_26 = arith.constant 0 : i32
      %get3A_27 = tpu.memref_slice %arg5[%add3A_21, %get3A_26] : memref<79x128xi32, #tpu.memory_space<vmem>> -> memref<1x128xi32, #tpu.memory_space<vmem>>
      %get3A_28 = tpu.memref_squeeze %get3A_27 : memref<1x128xi32, #tpu.memory_space<vmem>> -> memref<128xi32, #tpu.memory_space<vmem>>
      %get3A_29 = arith.constant 16 : index
      %get3A_30 = tpu.vector_load %get3A_28[%get3A_29] {strides = array<i32>} : memref<128xi32, #tpu.memory_space<vmem>>, vector<16xi32>,
      tpu.vector_store_idx %arg6[%get3A_30], %broadcast_in_dim3A_10 {add = true} : memref<10000xf32, #tpu.memory_space<vmem>>[vector<16xi32>], vector<16xf32>,
      %get3A_31 = arith.constant 0 : i32
      %get3A_32 = tpu.memref_slice %arg5[%add3A_21, %get3A_31] : memref<79x128xi32, #tpu.memory_space<vmem>> -> memref<1x128xi32, #tpu.memory_space<vmem>>
      %get3A_33 = tpu.memref_squeeze %get3A_32 : memref<1x128xi32, #tpu.memory_space<vmem>> -> memref<128xi32, #tpu.memory_space<vmem>>
      %get3A_34 = arith.constant 32 : index
      %get3A_35 = tpu.vector_load %get3A_33[%get3A_34] {strides = array<i32>} : memref<128xi32, #tpu.memory_space<vmem>>, vector<16xi32>,
      tpu.vector_store_idx %arg6[%get3A_35], %broadcast_in_dim3A_10 {add = true} : memref<10000xf32, #tpu.memory_space<vmem>>[vector<16xi32>], vector<16xf32>,
      %get3A_36 = arith.constant 0 : i32
      %get3A_37 = tpu.memref_slice %arg5[%add3A_21, %get3A_36] : memref<79x128xi32, #tpu.memory_space<vmem>> -> memref<1x128xi32, #tpu.memory_space<vmem>>
      %get3A_38 = tpu.memref_squeeze %get3A_37 : memref<1x128xi32, #tpu.memory_space<vmem>> -> memref<128xi32, #tpu.memory_space<vmem>>
      %get3A_39 = arith.constant 48 : index
      %get3A_40 = tpu.vector_load %get3A_38[%get3A_39] {strides = array<i32>} : memref<128xi32, #tpu.memory_space<vmem>>, vector<16xi32>,
      tpu.vector_store_idx %arg6[%get3A_40], %broadcast_in_dim3A_10 {add = true} : memref<10000xf32, #tpu.memory_space<vmem>>[vector<16xi32>], vector<16xf32>,
      %get3A_41 = arith.constant 0 : i32
      %get3A_42 = tpu.memref_slice %arg5[%add3A_21, %get3A_41] : memref<79x128xi32, #tpu.memory_space<vmem>> -> memref<1x128xi32, #tpu.memory_space<vmem>>
      %get3A_43 = tpu.memref_squeeze %get3A_42 : memref<1x128xi32, #tpu.memory_space<vmem>> -> memref<128xi32, #tpu.memory_space<vmem>>
      %get3A_44 = arith.constant 64 : index
      %get3A_45 = tpu.vector_load %get3A_43[%get3A_44] {strides = array<i32>} : memref<128xi32, #tpu.memory_space<vmem>>, vector<16xi32>,
      tpu.vector_store_idx %arg6[%get3A_45], %broadcast_in_dim3A_10 {add = true} : memref<10000xf32, #tpu.memory_space<vmem>>[vector<16xi32>], vector<16xf32>,
      %get3A_46 = arith.constant 0 : i32
      %get3A_47 = tpu.memref_slice %arg5[%add3A_21, %get3A_46] : memref<79x128xi32, #tpu.memory_space<vmem>> -> memref<1x128xi32, #tpu.memory_space<vmem>>
      %get3A_48 = tpu.memref_squeeze %get3A_47 : memref<1x128xi32, #tpu.memory_space<vmem>> -> memref<128xi32, #tpu.memory_space<vmem>>
      %get3A_49 = arith.constant 80 : index
      %get3A_50 = tpu.vector_load %get3A_48[%get3A_49] {strides = array<i32>} : memref<128xi32, #tpu.memory_space<vmem>>, vector<16xi32>,
      tpu.vector_store_idx %arg6[%get3A_50], %broadcast_in_dim3A_10 {add = true} : memref<10000xf32, #tpu.memory_space<vmem>>[vector<16xi32>], vector<16xf32>,
      %get3A_51 = arith.constant 0 : i32
      %get3A_52 = tpu.memref_slice %arg5[%add3A_21, %get3A_51] : memref<79x128xi32, #tpu.memory_space<vmem>> -> memref<1x128xi32, #tpu.memory_space<vmem>>
      %get3A_53 = tpu.memref_squeeze %get3A_52 : memref<1x128xi32, #tpu.memory_space<vmem>> -> memref<128xi32, #tpu.memory_space<vmem>>
      %get3A_54 = arith.constant 96 : index
      %get3A_55 = tpu.vector_load %get3A_53[%get3A_54] {strides = array<i32>} : memref<128xi32, #tpu.memory_space<vmem>>, vector<16xi32>,
      tpu.vector_store_idx %arg6[%get3A_55], %broadcast_in_dim3A_10 {add = true} : memref<10000xf32, #tpu.memory_space<vmem>>[vector<16xi32>], vector<16xf32>,
      %get3A_56 = arith.constant 0 : i32
      %get3A_57 = tpu.memref_slice %arg5[%add3A_21, %get3A_56] : memref<79x128xi32, #tpu.memory_space<vmem>> -> memref<1x128xi32, #tpu.memory_space<vmem>>
      %get3A_58 = tpu.memref_squeeze %get3A_57 : memref<1x128xi32, #tpu.memory_space<vmem>> -> memref<128xi32, #tpu.memory_space<vmem>>
      %get3A_59 = arith.constant 112 : index
      %get3A_60 = tpu.vector_load %get3A_58[%get3A_59] {strides = array<i32>} : memref<128xi32, #tpu.memory_space<vmem>>, vector<16xi32>,
      tpu.vector_store_idx %arg6[%get3A_60], %broadcast_in_dim3A_10 {add = true} : memref<10000xf32, #tpu.memory_space<vmem>>[vector<16xi32>], vector<16xf32>,
    }
    %while3A_19 = arith.constant 1 : i32
    scf.for %while3A_20 = %while3A_17 to %while3A_13 step %while3A_19  : i32 {
      %add3A_21 = arith.addi %sub3A, %while3A_20 : i32
      %get3A = arith.constant 0 : i32
      %get3A_22 = tpu.memref_slice %arg5[%add3A_21, %get3A] : memref<79x128xi32, #tpu.memory_space<vmem>> -> memref<1x128xi32, #tpu.memory_space<vmem>>
      %get3A_23 = tpu.memref_squeeze %get3A_22 : memref<1x128xi32, #tpu.memory_space<vmem>> -> memref<128xi32, #tpu.memory_space<vmem>>
      %get3A_24 = arith.constant 0 : index
      %get3A_25 = tpu.vector_load %get3A_23[%get3A_24] {strides = array<i32>} : memref<128xi32, #tpu.memory_space<vmem>>, vector<16xi32>,
      tpu.vector_store_idx %arg6[%get3A_25], %broadcast_in_dim3A_10 {add = true} : memref<10000xf32, #tpu.memory_space<vmem>>[vector<16xi32>], vector<16xf32>,
      %get3A_26 = arith.constant 0 : i32
      %get3A_27 = tpu.memref_slice %arg5[%add3A_21, %get3A_26] : memref<79x128xi32, #tpu.memory_space<vmem>> -> memref<1x128xi32, #tpu.memory_space<vmem>>
      %get3A_28 = tpu.memref_squeeze %get3A_27 : memref<1x128xi32, #tpu.memory_space<vmem>> -> memref<128xi32, #tpu.memory_space<vmem>>
      %get3A_29 = arith.constant 16 : index
      %get3A_30 = tpu.vector_load %get3A_28[%get3A_29] {strides = array<i32>} : memref<128xi32, #tpu.memory_space<vmem>>, vector<16xi32>,
      tpu.vector_store_idx %arg6[%get3A_30], %broadcast_in_dim3A_10 {add = true} : memref<10000xf32, #tpu.memory_space<vmem>>[vector<16xi32>], vector<16xf32>,
      %get3A_31 = arith.constant 0 : i32
      %get3A_32 = tpu.memref_slice %arg5[%add3A_21, %get3A_31] : memref<79x128xi32, #tpu.memory_space<vmem>> -> memref<1x128xi32, #tpu.memory_space<vmem>>
      %get3A_33 = tpu.memref_squeeze %get3A_32 : memref<1x128xi32, #tpu.memory_space<vmem>> -> memref<128xi32, #tpu.memory_space<vmem>>
      %get3A_34 = arith.constant 32 : index
      %get3A_35 = tpu.vector_load %get3A_33[%get3A_34] {strides = array<i32>} : memref<128xi32, #tpu.memory_space<vmem>>, vector<16xi32>,
      tpu.vector_store_idx %arg6[%get3A_35], %broadcast_in_dim3A_10 {add = true} : memref<10000xf32, #tpu.memory_space<vmem>>[vector<16xi32>], vector<16xf32>,
      %get3A_36 = arith.constant 0 : i32
      %get3A_37 = tpu.memref_slice %arg5[%add3A_21, %get3A_36] : memref<79x128xi32, #tpu.memory_space<vmem>> -> memref<1x128xi32, #tpu.memory_space<vmem>>
      %get3A_38 = tpu.memref_squeeze %get3A_37 : memref<1x128xi32, #tpu.memory_space<vmem>> -> memref<128xi32, #tpu.memory_space<vmem>>
      %get3A_39 = arith.constant 48 : index
      %get3A_40 = tpu.vector_load %get3A_38[%get3A_39] {strides = array<i32>} : memref<128xi32, #tpu.memory_space<vmem>>, vector<16xi32>,
      tpu.vector_store_idx %arg6[%get3A_40], %broadcast_in_dim3A_10 {add = true} : memref<10000xf32, #tpu.memory_space<vmem>>[vector<16xi32>], vector<16xf32>,
      %get3A_41 = arith.constant 0 : i32
      %get3A_42 = tpu.memref_slice %arg5[%add3A_21, %get3A_41] : memref<79x128xi32, #tpu.memory_space<vmem>> -> memref<1x128xi32, #tpu.memory_space<vmem>>
      %get3A_43 = tpu.memref_squeeze %get3A_42 : memref<1x128xi32, #tpu.memory_space<vmem>> -> memref<128xi32, #tpu.memory_space<vmem>>
      %get3A_44 = arith.constant 64 : index
      %get3A_45 = tpu.vector_load %get3A_43[%get3A_44] {strides = array<i32>} : memref<128xi32, #tpu.memory_space<vmem>>, vector<16xi32>,
      tpu.vector_store_idx %arg6[%get3A_45], %broadcast_in_dim3A_10 {add = true} : memref<10000xf32, #tpu.memory_space<vmem>>[vector<16xi32>], vector<16xf32>,
      %get3A_46 = arith.constant 0 : i32
      %get3A_47 = tpu.memref_slice %arg5[%add3A_21, %get3A_46] : memref<79x128xi32, #tpu.memory_space<vmem>> -> memref<1x128xi32, #tpu.memory_space<vmem>>
      %get3A_48 = tpu.memref_squeeze %get3A_47 : memref<1x128xi32, #tpu.memory_space<vmem>> -> memref<128xi32, #tpu.memory_space<vmem>>
      %get3A_49 = arith.constant 80 : index
      %get3A_50 = tpu.vector_load %get3A_48[%get3A_49] {strides = array<i32>} : memref<128xi32, #tpu.memory_space<vmem>>, vector<16xi32>,
      tpu.vector_store_idx %arg6[%get3A_50], %broadcast_in_dim3A_10 {add = true} : memref<10000xf32, #tpu.memory_space<vmem>>[vector<16xi32>], vector<16xf32>,
      %get3A_51 = arith.constant 0 : i32
      %get3A_52 = tpu.memref_slice %arg5[%add3A_21, %get3A_51] : memref<79x128xi32, #tpu.memory_space<vmem>> -> memref<1x128xi32, #tpu.memory_space<vmem>>
      %get3A_53 = tpu.memref_squeeze %get3A_52 : memref<1x128xi32, #tpu.memory_space<vmem>> -> memref<128xi32, #tpu.memory_space<vmem>>
      %get3A_54 = arith.constant 96 : index
      %get3A_55 = tpu.vector_load %get3A_53[%get3A_54] {strides = array<i32>} : memref<128xi32, #tpu.memory_space<vmem>>, vector<16xi32>,
      tpu.vector_store_idx %arg6[%get3A_55], %broadcast_in_dim3A_10 {add = true} : memref<10000xf32, #tpu.memory_space<vmem>>[vector<16xi32>], vector<16xf32>,
      %get3A_56 = arith.constant 0 : i32
      %get3A_57 = tpu.memref_slice %arg5[%add3A_21, %get3A_56] : memref<79x128xi32, #tpu.memory_space<vmem>> -> memref<1x128xi32, #tpu.memory_space<vmem>>
      %get3A_58 = tpu.memref_squeeze %get3A_57 : memref<1x128xi32, #tpu.memory_space<vmem>> -> memref<128xi32, #tpu.memory_space<vmem>>
      %get3A_59 = arith.constant 112 : index
      %get3A_60 = tpu.vector_load %get3A_58[%get3A_59] {strides = array<i32>} : memref<128xi32, #tpu.memory_space<vmem>>, vector<16xi32>,
      tpu.vector_store_idx %arg6[%get3A_60], %broadcast_in_dim3A_10 {add = true} : memref<10000xf32, #tpu.memory_space<vmem>>[vector<16xi32>], vector<16xf32>,
    }
    "tpu.region"() ({
      %run_scoped3A_20 = tpu.sem_alloc : memref<!tpu.dma_semaphore, #tpu.memory_space<semaphore_mem>>
      %dma_start3A = arith.constant 0 : i32
      %dma_start3A_21 = tpu.memref_slice %arg4[%add3A, %dma_start3A] : memref<32x10000xf32, #tpu.memory_space<hbm>> -> memref<1x10000xf32, #tpu.memory_space<hbm>>
      %dma_start3A_22 = tpu.memref_squeeze %dma_start3A_21 : memref<1x10000xf32, #tpu.memory_space<hbm>> -> memref<10000xf32, #tpu.memory_space<hbm>>
      %dma_start3A_23 = arith.constant 0 : i32
      %dma_start3A_24 = tpu.memref_slice %arg4[%add3A, %dma_start3A_23] : memref<32x10000xf32, #tpu.memory_space<hbm>> -> memref<1x10000xf32, #tpu.memory_space<hbm>>
      %dma_start3A_25 = tpu.memref_squeeze %dma_start3A_24 : memref<1x10000xf32, #tpu.memory_space<hbm>> -> memref<10000xf32, #tpu.memory_space<hbm>>
      tpu.enqueue_dma source(%arg6 : memref<10000xf32, #tpu.memory_space<vmem>>) target(%dma_start3A_25 : memref<10000xf32, #tpu.memory_space<hbm>>) target_semaphore(%run_scoped3A_20 : memref<!tpu.dma_semaphore, #tpu.memory_space<semaphore_mem>>)
      %dma_wait3A = arith.constant 0 : i32
      %dma_wait3A_26 = tpu.memref_slice %arg4[%add3A, %dma_wait3A] : memref<32x10000xf32, #tpu.memory_space<hbm>> -> memref<1x10000xf32, #tpu.memory_space<hbm>>
      %dma_wait3A_27 = tpu.memref_squeeze %dma_wait3A_26 : memref<1x10000xf32, #tpu.memory_space<hbm>> -> memref<10000xf32, #tpu.memory_space<hbm>>
      %dma_wait3A_28 = arith.constant 0 : i32
      %dma_wait3A_29 = tpu.memref_slice %arg4[%add3A, %dma_wait3A_28] : memref<32x10000xf32, #tpu.memory_space<hbm>> -> memref<1x10000xf32, #tpu.memory_space<hbm>>
      %dma_wait3A_30 = tpu.memref_squeeze %dma_wait3A_29 : memref<1x10000xf32, #tpu.memory_space<hbm>> -> memref<10000xf32, #tpu.memory_space<hbm>>
      tpu.wait_dma2 semaphore(%run_scoped3A_20 : memref<!tpu.dma_semaphore, #tpu.memory_space<semaphore_mem>>) src(%arg6 : memref<10000xf32, #tpu.memory_space<vmem>>) dst(%dma_wait3A_30 : memref<10000xf32, #tpu.memory_space<hbm>>)
      tpu.yield
    }) : () -> ()
    return
  }
}

#map = affine_map<(d0, d1) -> (0, 0)>
#map1 = affine_map<(d0, d1) -> (0, 0, 0)>
module attributes {stable_mosaic.version = 14 : i64} {
  func.func @agg(%arg0: i32, %arg1: i32, %arg2: memref<10000x16xf32, #tpu.memory_space<hbm>>, %arg3: memref<2x2500x128xi32, #tpu.memory_space<hbm>>, %arg4: memref<10000x16xf32, #tpu.memory_space<hbm>>, %arg5: memref<2x10000x16xf32, #tpu.memory_space<hbm>>, %arg6: memref<84x128xi32, #tpu.memory_space<vmem>>, %arg7: memref<84x128xi32, #tpu.memory_space<vmem>>, %arg8: memref<128x16xf32, #tpu.memory_space<vmem>>, %arg9: memref<128x16xf32, #tpu.memory_space<vmem>>, %arg10: memref<128x16xf32, #tpu.memory_space<vmem>>, %arg11: memref<128x16xf32, #tpu.memory_space<vmem>>, %arg12: memref<10000x16xf32, #tpu.memory_space<vmem_shared>>, %arg13: memref<!tpu.dma_semaphore, #tpu.memory_space<semaphore_mem>>, %arg14: memref<!tpu.dma_semaphore, #tpu.memory_space<semaphore_mem>>, %arg15: memref<!tpu.dma_semaphore, #tpu.memory_space<semaphore_mem>>, %arg16: memref<!tpu.dma_semaphore, #tpu.memory_space<semaphore_mem>>) attributes {dimension_semantics = [#tpu.dimension_semantics<core_parallel>, #tpu.dimension_semantics<subcore_parallel>], iteration_bounds = array<i64: 2, 16>, scalar_prefetch = 0 : i64, scratch_operands = 11 : i64, tpu.core_type = #tpu.core_type<sc_vector_subcore>, window_params = [{transform_indices = #map}, {transform_indices = #map1}, {transform_indices = #map}, {transform_indices = #map1}]} {
    %eq3A = arith.constant 0 : i32
    %eq3A_0 = arith.cmpi eq, %arg0, %eq3A : i32
    %eq3A_1 = arith.constant 0 : i32
    %eq3A_2 = arith.cmpi eq, %arg1, %eq3A_1 : i32
    %convert_element_type3A = arith.extui %eq3A_2 : i1 to i32
    %mul3A = arith.constant 4 : i32
    %mul3A_3 = arith.muli %mul3A, %convert_element_type3A : i32
    %add3A = arith.constant 80 : i32
    %add3A_4 = arith.addi %add3A, %mul3A_3 : i32
    %jit3A = arith.constant 76 : i32
    %select_n3A = arith.select %eq3A_0, %add3A_4, %jit3A : i32
    %eq3A_5 = arith.constant 0 : i32
    %eq3A_6 = arith.cmpi eq, %arg1, %eq3A_5 : i32
    %mul3A_7 = arith.constant 80 : i32
    %mul3A_8 = arith.muli %arg1, %mul3A_7 : i32
    %add3A_9 = arith.constant 4 : i32
    %add3A_10 = arith.addi %add3A_9, %mul3A_8 : i32
    %jit3A_11 = arith.constant 0 : i32
    %select_n3A_12 = arith.select %eq3A_6, %jit3A_11, %add3A_10 : i32
    %mul3A_13 = arith.constant 76 : i32
    %mul3A_14 = arith.muli %arg1, %mul3A_13 : i32
    %add3A_15 = arith.constant 1284 : i32
    %add3A_16 = arith.addi %add3A_15, %mul3A_14 : i32
    %select_n3A_17 = arith.select %eq3A_0, %select_n3A_12, %add3A_16 : i32
    %min3A = arith.constant 2416 : i32
    %min3A_18 = arith.minsi %select_n3A_17, %min3A : i32
    %sub3A = arith.subi %select_n3A_17, %min3A_18 : i32
    %mul3A_19 = arith.constant 625 : i32
    %mul3A_20 = arith.muli %arg1, %mul3A_19 : i32
    %mul3A_21 = arith.constant 625 : i32
    %mul3A_22 = arith.muli %arg1, %mul3A_21 : i32
    "tpu.region"() ({
      %run_scoped3A_115 = tpu.sem_alloc : memref<!tpu.dma_semaphore, #tpu.memory_space<semaphore_mem>>
      %dma_start3A_116 = arith.constant 0 : i32
      %dma_start3A_117 = tpu.memref_slice %arg12[%mul3A_22, %dma_start3A_116] : memref<10000x16xf32, #tpu.memory_space<vmem_shared>> -> memref<625x16xf32, #tpu.memory_space<vmem_shared>>
      %dma_start3A_118 = arith.constant 0 : i32
      %dma_start3A_119 = tpu.memref_slice %arg4[%mul3A_20, %dma_start3A_118] : memref<10000x16xf32, #tpu.memory_space<hbm>> -> memref<625x16xf32, #tpu.memory_space<hbm>>
      tpu.enqueue_dma source(%dma_start3A_119 : memref<625x16xf32, #tpu.memory_space<hbm>>) target(%dma_start3A_117 : memref<625x16xf32, #tpu.memory_space<vmem_shared>>) target_semaphore(%run_scoped3A_115 : memref<!tpu.dma_semaphore, #tpu.memory_space<semaphore_mem>>)
      %dma_wait3A_120 = arith.constant 0 : i32
      %dma_wait3A_121 = tpu.memref_slice %arg12[%mul3A_22, %dma_wait3A_120] : memref<10000x16xf32, #tpu.memory_space<vmem_shared>> -> memref<625x16xf32, #tpu.memory_space<vmem_shared>>
      %dma_wait3A_122 = arith.constant 0 : i32
      %dma_wait3A_123 = tpu.memref_slice %arg4[%mul3A_20, %dma_wait3A_122] : memref<10000x16xf32, #tpu.memory_space<hbm>> -> memref<625x16xf32, #tpu.memory_space<hbm>>
      tpu.wait_dma2 semaphore(%run_scoped3A_115 : memref<!tpu.dma_semaphore, #tpu.memory_space<semaphore_mem>>) src(%dma_wait3A_123 : memref<625x16xf32, #tpu.memory_space<hbm>>) dst(%dma_wait3A_121 : memref<625x16xf32, #tpu.memory_space<vmem_shared>>)
      tpu.yield
    }) : () -> ()
    %run_scoped3A = arith.constant 0 : i32
    "tpu.region"() ({
      %run_scoped3A_115 = tpu.sem_alloc : memref<!tpu.dma_semaphore, #tpu.memory_space<semaphore_mem>>
      %dma_start3A_116 = arith.constant 0 : i32
      %dma_start3A_117 = arith.constant 0 : i32
      %dma_start3A_118 = tpu.memref_slice %arg3[%run_scoped3A, %dma_start3A_116, %dma_start3A_117] : memref<2x2500x128xi32, #tpu.memory_space<hbm>> -> memref<1x2500x128xi32, #tpu.memory_space<hbm>>
      %dma_start3A_119 = tpu.memref_squeeze %dma_start3A_118 : memref<1x2500x128xi32, #tpu.memory_space<hbm>> -> memref<2500x128xi32, #tpu.memory_space<hbm>>
      %dma_start3A_120 = arith.constant 0 : i32
      %dma_start3A_121 = tpu.memref_slice %dma_start3A_119[%min3A_18, %dma_start3A_120] : memref<2500x128xi32, #tpu.memory_space<hbm>> -> memref<84x128xi32, #tpu.memory_space<hbm>>
      %dma_start3A_122 = arith.constant 0 : i32
      %dma_start3A_123 = arith.constant 0 : i32
      %dma_start3A_124 = tpu.memref_slice %arg3[%run_scoped3A, %dma_start3A_122, %dma_start3A_123] : memref<2x2500x128xi32, #tpu.memory_space<hbm>> -> memref<1x2500x128xi32, #tpu.memory_space<hbm>>
      %dma_start3A_125 = tpu.memref_squeeze %dma_start3A_124 : memref<1x2500x128xi32, #tpu.memory_space<hbm>> -> memref<2500x128xi32, #tpu.memory_space<hbm>>
      %dma_start3A_126 = arith.constant 0 : i32
      %dma_start3A_127 = tpu.memref_slice %dma_start3A_125[%min3A_18, %dma_start3A_126] : memref<2500x128xi32, #tpu.memory_space<hbm>> -> memref<84x128xi32, #tpu.memory_space<hbm>>
      tpu.enqueue_dma source(%dma_start3A_127 : memref<84x128xi32, #tpu.memory_space<hbm>>) target(%arg6 : memref<84x128xi32, #tpu.memory_space<vmem>>) target_semaphore(%run_scoped3A_115 : memref<!tpu.dma_semaphore, #tpu.memory_space<semaphore_mem>>)
      %dma_wait3A_128 = arith.constant 0 : i32
      %dma_wait3A_129 = arith.constant 0 : i32
      %dma_wait3A_130 = tpu.memref_slice %arg3[%run_scoped3A, %dma_wait3A_128, %dma_wait3A_129] : memref<2x2500x128xi32, #tpu.memory_space<hbm>> -> memref<1x2500x128xi32, #tpu.memory_space<hbm>>
      %dma_wait3A_131 = tpu.memref_squeeze %dma_wait3A_130 : memref<1x2500x128xi32, #tpu.memory_space<hbm>> -> memref<2500x128xi32, #tpu.memory_space<hbm>>
      %dma_wait3A_132 = arith.constant 0 : i32
      %dma_wait3A_133 = tpu.memref_slice %dma_wait3A_131[%min3A_18, %dma_wait3A_132] : memref<2500x128xi32, #tpu.memory_space<hbm>> -> memref<84x128xi32, #tpu.memory_space<hbm>>
      %dma_wait3A_134 = arith.constant 0 : i32
      %dma_wait3A_135 = arith.constant 0 : i32
      %dma_wait3A_136 = tpu.memref_slice %arg3[%run_scoped3A, %dma_wait3A_134, %dma_wait3A_135] : memref<2x2500x128xi32, #tpu.memory_space<hbm>> -> memref<1x2500x128xi32, #tpu.memory_space<hbm>>
      %dma_wait3A_137 = tpu.memref_squeeze %dma_wait3A_136 : memref<1x2500x128xi32, #tpu.memory_space<hbm>> -> memref<2500x128xi32, #tpu.memory_space<hbm>>
      %dma_wait3A_138 = arith.constant 0 : i32
      %dma_wait3A_139 = tpu.memref_slice %dma_wait3A_137[%min3A_18, %dma_wait3A_138] : memref<2500x128xi32, #tpu.memory_space<hbm>> -> memref<84x128xi32, #tpu.memory_space<hbm>>
      tpu.wait_dma2 semaphore(%run_scoped3A_115 : memref<!tpu.dma_semaphore, #tpu.memory_space<semaphore_mem>>) src(%dma_wait3A_139 : memref<84x128xi32, #tpu.memory_space<hbm>>) dst(%arg6 : memref<84x128xi32, #tpu.memory_space<vmem>>)
      tpu.yield
    }) : () -> ()
    %run_scoped3A_23 = arith.constant 1 : i32
    "tpu.region"() ({
      %run_scoped3A_115 = tpu.sem_alloc : memref<!tpu.dma_semaphore, #tpu.memory_space<semaphore_mem>>
      %dma_start3A_116 = arith.constant 0 : i32
      %dma_start3A_117 = arith.constant 0 : i32
      %dma_start3A_118 = tpu.memref_slice %arg3[%run_scoped3A_23, %dma_start3A_116, %dma_start3A_117] : memref<2x2500x128xi32, #tpu.memory_space<hbm>> -> memref<1x2500x128xi32, #tpu.memory_space<hbm>>
      %dma_start3A_119 = tpu.memref_squeeze %dma_start3A_118 : memref<1x2500x128xi32, #tpu.memory_space<hbm>> -> memref<2500x128xi32, #tpu.memory_space<hbm>>
      %dma_start3A_120 = arith.constant 0 : i32
      %dma_start3A_121 = tpu.memref_slice %dma_start3A_119[%min3A_18, %dma_start3A_120] : memref<2500x128xi32, #tpu.memory_space<hbm>> -> memref<84x128xi32, #tpu.memory_space<hbm>>
      %dma_start3A_122 = arith.constant 0 : i32
      %dma_start3A_123 = arith.constant 0 : i32
      %dma_start3A_124 = tpu.memref_slice %arg3[%run_scoped3A_23, %dma_start3A_122, %dma_start3A_123] : memref<2x2500x128xi32, #tpu.memory_space<hbm>> -> memref<1x2500x128xi32, #tpu.memory_space<hbm>>
      %dma_start3A_125 = tpu.memref_squeeze %dma_start3A_124 : memref<1x2500x128xi32, #tpu.memory_space<hbm>> -> memref<2500x128xi32, #tpu.memory_space<hbm>>
      %dma_start3A_126 = arith.constant 0 : i32
      %dma_start3A_127 = tpu.memref_slice %dma_start3A_125[%min3A_18, %dma_start3A_126] : memref<2500x128xi32, #tpu.memory_space<hbm>> -> memref<84x128xi32, #tpu.memory_space<hbm>>
      tpu.enqueue_dma source(%dma_start3A_127 : memref<84x128xi32, #tpu.memory_space<hbm>>) target(%arg7 : memref<84x128xi32, #tpu.memory_space<vmem>>) target_semaphore(%run_scoped3A_115 : memref<!tpu.dma_semaphore, #tpu.memory_space<semaphore_mem>>)
      %dma_wait3A_128 = arith.constant 0 : i32
      %dma_wait3A_129 = arith.constant 0 : i32
      %dma_wait3A_130 = tpu.memref_slice %arg3[%run_scoped3A_23, %dma_wait3A_128, %dma_wait3A_129] : memref<2x2500x128xi32, #tpu.memory_space<hbm>> -> memref<1x2500x128xi32, #tpu.memory_space<hbm>>
      %dma_wait3A_131 = tpu.memref_squeeze %dma_wait3A_130 : memref<1x2500x128xi32, #tpu.memory_space<hbm>> -> memref<2500x128xi32, #tpu.memory_space<hbm>>
      %dma_wait3A_132 = arith.constant 0 : i32
      %dma_wait3A_133 = tpu.memref_slice %dma_wait3A_131[%min3A_18, %dma_wait3A_132] : memref<2500x128xi32, #tpu.memory_space<hbm>> -> memref<84x128xi32, #tpu.memory_space<hbm>>
      %dma_wait3A_134 = arith.constant 0 : i32
      %dma_wait3A_135 = arith.constant 0 : i32
      %dma_wait3A_136 = tpu.memref_slice %arg3[%run_scoped3A_23, %dma_wait3A_134, %dma_wait3A_135] : memref<2x2500x128xi32, #tpu.memory_space<hbm>> -> memref<1x2500x128xi32, #tpu.memory_space<hbm>>
      %dma_wait3A_137 = tpu.memref_squeeze %dma_wait3A_136 : memref<1x2500x128xi32, #tpu.memory_space<hbm>> -> memref<2500x128xi32, #tpu.memory_space<hbm>>
      %dma_wait3A_138 = arith.constant 0 : i32
      %dma_wait3A_139 = tpu.memref_slice %dma_wait3A_137[%min3A_18, %dma_wait3A_138] : memref<2500x128xi32, #tpu.memory_space<hbm>> -> memref<84x128xi32, #tpu.memory_space<hbm>>
      tpu.wait_dma2 semaphore(%run_scoped3A_115 : memref<!tpu.dma_semaphore, #tpu.memory_space<semaphore_mem>>) src(%dma_wait3A_139 : memref<84x128xi32, #tpu.memory_space<hbm>>) dst(%arg7 : memref<84x128xi32, #tpu.memory_space<vmem>>)
      tpu.yield
    }) : () -> ()
    %barrier3A = arith.constant 0 : index
    tpu.barrier barrier_id(%barrier3A)
    %add3A_24 = arith.constant 0 : i32
    %add3A_25 = arith.addi %sub3A, %add3A_24 : i32
    %dma_start3A = arith.constant 0 : i32
    %dma_start3A_26 = tpu.memref_slice %arg6[%add3A_25, %dma_start3A] : memref<84x128xi32, #tpu.memory_space<vmem>> -> memref<1x128xi32, #tpu.memory_space<vmem>>
    %dma_start3A_27 = tpu.memref_squeeze %dma_start3A_26 : memref<1x128xi32, #tpu.memory_space<vmem>> -> memref<128xi32, #tpu.memory_space<vmem>>
    %dma_start3A_28 = arith.constant 0 : i32
    %dma_start3A_29 = arith.constant 0 : i32
    %dma_start3A_30 = tpu.memref_slice %arg2[%dma_start3A_28, %dma_start3A_29] : memref<10000x16xf32, #tpu.memory_space<hbm>> -> memref<10000x16xf32, #tpu.memory_space<hbm>>
    tpu.enqueue_indirect_dma source(%dma_start3A_30 : memref<10000x16xf32, #tpu.memory_space<hbm>>) target(%arg8 : memref<128x16xf32, #tpu.memory_space<vmem>>) offsets(%dma_start3A_27 : memref<128xi32, #tpu.memory_space<vmem>>) semaphore(%arg13 : memref<!tpu.dma_semaphore, #tpu.memory_space<semaphore_mem>>)
    %add3A_31 = arith.constant 1 : i32
    %add3A_32 = arith.addi %sub3A, %add3A_31 : i32
    %dma_start3A_33 = arith.constant 0 : i32
    %dma_start3A_34 = tpu.memref_slice %arg6[%add3A_32, %dma_start3A_33] : memref<84x128xi32, #tpu.memory_space<vmem>> -> memref<1x128xi32, #tpu.memory_space<vmem>>
    %dma_start3A_35 = tpu.memref_squeeze %dma_start3A_34 : memref<1x128xi32, #tpu.memory_space<vmem>> -> memref<128xi32, #tpu.memory_space<vmem>>
    %dma_start3A_36 = arith.constant 0 : i32
    %dma_start3A_37 = arith.constant 0 : i32
    %dma_start3A_38 = tpu.memref_slice %arg2[%dma_start3A_36, %dma_start3A_37] : memref<10000x16xf32, #tpu.memory_space<hbm>> -> memref<10000x16xf32, #tpu.memory_space<hbm>>
    tpu.enqueue_indirect_dma source(%dma_start3A_38 : memref<10000x16xf32, #tpu.memory_space<hbm>>) target(%arg9 : memref<128x16xf32, #tpu.memory_space<vmem>>) offsets(%dma_start3A_35 : memref<128xi32, #tpu.memory_space<vmem>>) semaphore(%arg14 : memref<!tpu.dma_semaphore, #tpu.memory_space<semaphore_mem>>)
    %add3A_39 = arith.constant 2 : i32
    %add3A_40 = arith.addi %sub3A, %add3A_39 : i32
    %dma_start3A_41 = arith.constant 0 : i32
    %dma_start3A_42 = tpu.memref_slice %arg6[%add3A_40, %dma_start3A_41] : memref<84x128xi32, #tpu.memory_space<vmem>> -> memref<1x128xi32, #tpu.memory_space<vmem>>
    %dma_start3A_43 = tpu.memref_squeeze %dma_start3A_42 : memref<1x128xi32, #tpu.memory_space<vmem>> -> memref<128xi32, #tpu.memory_space<vmem>>
    %dma_start3A_44 = arith.constant 0 : i32
    %dma_start3A_45 = arith.constant 0 : i32
    %dma_start3A_46 = tpu.memref_slice %arg2[%dma_start3A_44, %dma_start3A_45] : memref<10000x16xf32, #tpu.memory_space<hbm>> -> memref<10000x16xf32, #tpu.memory_space<hbm>>
    tpu.enqueue_indirect_dma source(%dma_start3A_46 : memref<10000x16xf32, #tpu.memory_space<hbm>>) target(%arg10 : memref<128x16xf32, #tpu.memory_space<vmem>>) offsets(%dma_start3A_43 : memref<128xi32, #tpu.memory_space<vmem>>) semaphore(%arg15 : memref<!tpu.dma_semaphore, #tpu.memory_space<semaphore_mem>>)
    %add3A_47 = arith.constant 3 : i32
    %add3A_48 = arith.addi %sub3A, %add3A_47 : i32
    %dma_start3A_49 = arith.constant 0 : i32
    %dma_start3A_50 = tpu.memref_slice %arg6[%add3A_48, %dma_start3A_49] : memref<84x128xi32, #tpu.memory_space<vmem>> -> memref<1x128xi32, #tpu.memory_space<vmem>>
    %dma_start3A_51 = tpu.memref_squeeze %dma_start3A_50 : memref<1x128xi32, #tpu.memory_space<vmem>> -> memref<128xi32, #tpu.memory_space<vmem>>
    %dma_start3A_52 = arith.constant 0 : i32
    %dma_start3A_53 = arith.constant 0 : i32
    %dma_start3A_54 = tpu.memref_slice %arg2[%dma_start3A_52, %dma_start3A_53] : memref<10000x16xf32, #tpu.memory_space<hbm>> -> memref<10000x16xf32, #tpu.memory_space<hbm>>
    tpu.enqueue_indirect_dma source(%dma_start3A_54 : memref<10000x16xf32, #tpu.memory_space<hbm>>) target(%arg11 : memref<128x16xf32, #tpu.memory_space<vmem>>) offsets(%dma_start3A_51 : memref<128xi32, #tpu.memory_space<vmem>>) semaphore(%arg16 : memref<!tpu.dma_semaphore, #tpu.memory_space<semaphore_mem>>)
    %jit3A_55 = arith.constant 4 : i32
    %div3A = arith.divsi %select_n3A, %jit3A_55 : i32
    %sign3A = arith.constant 0 : i32
    %sign3A_56 = arith.cmpi sgt, %select_n3A, %sign3A : i32
    %sign3A_57 = arith.extui %sign3A_56 : i1 to i32
    %sign3A_58 = arith.constant 0 : i32
    %sign3A_59 = arith.cmpi slt, %select_n3A, %sign3A_58 : i32
    %sign3A_60 = arith.extui %sign3A_59 : i1 to i32
    %sign3A_61 = arith.subi %sign3A_57, %sign3A_60 : i32
    %sign3A_62 = arith.constant 0 : i32
    %sign3A_63 = arith.cmpi sgt, %jit3A_55, %sign3A_62 : i32
    %sign3A_64 = arith.extui %sign3A_63 : i1 to i32
    %sign3A_65 = arith.constant 0 : i32
    %sign3A_66 = arith.cmpi slt, %jit3A_55, %sign3A_65 : i32
    %sign3A_67 = arith.extui %sign3A_66 : i1 to i32
    %sign3A_68 = arith.subi %sign3A_64, %sign3A_67 : i32
    %ne3A = arith.cmpi ne, %sign3A_61, %sign3A_68 : i32
    %rem3A = arith.remsi %select_n3A, %jit3A_55 : i32
    %ne3A_69 = arith.constant 0 : i32
    %ne3A_70 = arith.cmpi ne, %rem3A, %ne3A_69 : i32
    %and3A = arith.andi %ne3A, %ne3A_70 : i1
    %sub3A_71 = arith.constant 1 : i32
    %sub3A_72 = arith.subi %div3A, %sub3A_71 : i32
    %select_n3A_73 = arith.select %and3A, %sub3A_72, %div3A : i32
    %while3A = arith.constant 0 : i32
    %while3A_74 = arith.constant 0 : i32
    %while3A_75 = arith.subi %select_n3A_73, %while3A_74 : i32
    %while3A_76 = arith.addi %while3A_74, %while3A_75 : i32
    %while3A_77 = arith.constant 1 : i32
    %while3A_78 = arith.divsi %while3A_75, %while3A_77 : i32
    %while3A_79 = arith.muli %while3A_78, %while3A_77 : i32
    %while3A_80 = arith.addi %while3A_74, %while3A_79 : i32
    %while3A_81 = arith.constant 1 : i32
    scf.for %while3A_115 = %while3A_74 to %while3A_80 step %while3A_81  : i32 {
      %mul3A_116 = arith.constant 4 : i32
      %mul3A_117 = arith.muli %mul3A_116, %while3A_115 : i32
      %add3A_118 = arith.addi %sub3A, %mul3A_117 : i32
      %add3A_119 = arith.constant 0 : i32
      %add3A_120 = arith.addi %add3A_118, %add3A_119 : i32
      %dma_wait3A_121 = arith.constant 0 : i32
      %dma_wait3A_122 = tpu.memref_slice %arg6[%add3A_120, %dma_wait3A_121] : memref<84x128xi32, #tpu.memory_space<vmem>> -> memref<1x128xi32, #tpu.memory_space<vmem>>
      %dma_wait3A_123 = tpu.memref_squeeze %dma_wait3A_122 : memref<1x128xi32, #tpu.memory_space<vmem>> -> memref<128xi32, #tpu.memory_space<vmem>>
      %dma_wait3A_124 = arith.constant 0 : i32
      %dma_wait3A_125 = arith.constant 0 : i32
      %dma_wait3A_126 = tpu.memref_slice %arg2[%dma_wait3A_124, %dma_wait3A_125] : memref<10000x16xf32, #tpu.memory_space<hbm>> -> memref<10000x16xf32, #tpu.memory_space<hbm>>
      tpu.wait_indirect_dma semaphore(%arg13 : memref<!tpu.dma_semaphore, #tpu.memory_space<semaphore_mem>>) src(%dma_wait3A_126 : memref<10000x16xf32, #tpu.memory_space<hbm>>) dst(%arg8 : memref<128x16xf32, #tpu.memory_space<vmem>>)
      "tpu.region"() ({
        %run_scoped3A_199 = tpu.sem_alloc : memref<!tpu.dma_semaphore, #tpu.memory_space<semaphore_mem>>
        %dma_start3A_200 = arith.constant 0 : i32
        %dma_start3A_201 = tpu.memref_slice %arg7[%add3A_120, %dma_start3A_200] : memref<84x128xi32, #tpu.memory_space<vmem>> -> memref<1x128xi32, #tpu.memory_space<vmem>>
        %dma_start3A_202 = tpu.memref_squeeze %dma_start3A_201 : memref<1x128xi32, #tpu.memory_space<vmem>> -> memref<128xi32, #tpu.memory_space<vmem>>
        %dma_start3A_203 = arith.constant 0 : i32
        %dma_start3A_204 = arith.constant 0 : i32
        %dma_start3A_205 = tpu.memref_slice %arg12[%dma_start3A_203, %dma_start3A_204] : memref<10000x16xf32, #tpu.memory_space<vmem_shared>> -> memref<10000x16xf32, #tpu.memory_space<vmem_shared>>
        tpu.enqueue_indirect_dma source(%arg8 : memref<128x16xf32, #tpu.memory_space<vmem>>) target(%dma_start3A_205 : memref<10000x16xf32, #tpu.memory_space<vmem_shared>>) offsets(%dma_start3A_202 : memref<128xi32, #tpu.memory_space<vmem>>) semaphore(%run_scoped3A_199 : memref<!tpu.dma_semaphore, #tpu.memory_space<semaphore_mem>>) {add = true}
        %dma_wait3A_206 = arith.constant 0 : i32
        %dma_wait3A_207 = tpu.memref_slice %arg7[%add3A_120, %dma_wait3A_206] : memref<84x128xi32, #tpu.memory_space<vmem>> -> memref<1x128xi32, #tpu.memory_space<vmem>>
        %dma_wait3A_208 = tpu.memref_squeeze %dma_wait3A_207 : memref<1x128xi32, #tpu.memory_space<vmem>> -> memref<128xi32, #tpu.memory_space<vmem>>
        %dma_wait3A_209 = arith.constant 0 : i32
        %dma_wait3A_210 = arith.constant 0 : i32
        %dma_wait3A_211 = tpu.memref_slice %arg12[%dma_wait3A_209, %dma_wait3A_210] : memref<10000x16xf32, #tpu.memory_space<vmem_shared>> -> memref<10000x16xf32, #tpu.memory_space<vmem_shared>>
        tpu.wait_indirect_dma semaphore(%run_scoped3A_199 : memref<!tpu.dma_semaphore, #tpu.memory_space<semaphore_mem>>) src(%arg8 : memref<128x16xf32, #tpu.memory_space<vmem>>) dst(%dma_wait3A_211 : memref<10000x16xf32, #tpu.memory_space<vmem_shared>>)
        tpu.yield
      }) : () -> ()
      %add3A_127 = arith.constant 4 : i32
      %add3A_128 = arith.addi %add3A_120, %add3A_127 : i32
      %add3A_129 = arith.addi %sub3A, %select_n3A : i32
      %sub3A_130 = arith.constant 1 : i32
      %sub3A_131 = arith.subi %add3A_129, %sub3A_130 : i32
      %min3A_132 = arith.minsi %add3A_128, %sub3A_131 : i32
      %dma_start3A_133 = arith.constant 0 : i32
      %dma_start3A_134 = tpu.memref_slice %arg6[%min3A_132, %dma_start3A_133] : memref<84x128xi32, #tpu.memory_space<vmem>> -> memref<1x128xi32, #tpu.memory_space<vmem>>
      %dma_start3A_135 = tpu.memref_squeeze %dma_start3A_134 : memref<1x128xi32, #tpu.memory_space<vmem>> -> memref<128xi32, #tpu.memory_space<vmem>>
      %dma_start3A_136 = arith.constant 0 : i32
      %dma_start3A_137 = arith.constant 0 : i32
      %dma_start3A_138 = tpu.memref_slice %arg2[%dma_start3A_136, %dma_start3A_137] : memref<10000x16xf32, #tpu.memory_space<hbm>> -> memref<10000x16xf32, #tpu.memory_space<hbm>>
      tpu.enqueue_indirect_dma source(%dma_start3A_138 : memref<10000x16xf32, #tpu.memory_space<hbm>>) target(%arg8 : memref<128x16xf32, #tpu.memory_space<vmem>>) offsets(%dma_start3A_135 : memref<128xi32, #tpu.memory_space<vmem>>) semaphore(%arg13 : memref<!tpu.dma_semaphore, #tpu.memory_space<semaphore_mem>>)
      %add3A_139 = arith.constant 1 : i32
      %add3A_140 = arith.addi %add3A_118, %add3A_139 : i32
      %dma_wait3A_141 = arith.constant 0 : i32
      %dma_wait3A_142 = tpu.memref_slice %arg6[%add3A_140, %dma_wait3A_141] : memref<84x128xi32, #tpu.memory_space<vmem>> -> memref<1x128xi32, #tpu.memory_space<vmem>>
      %dma_wait3A_143 = tpu.memref_squeeze %dma_wait3A_142 : memref<1x128xi32, #tpu.memory_space<vmem>> -> memref<128xi32, #tpu.memory_space<vmem>>
      %dma_wait3A_144 = arith.constant 0 : i32
      %dma_wait3A_145 = arith.constant 0 : i32
      %dma_wait3A_146 = tpu.memref_slice %arg2[%dma_wait3A_144, %dma_wait3A_145] : memref<10000x16xf32, #tpu.memory_space<hbm>> -> memref<10000x16xf32, #tpu.memory_space<hbm>>
      tpu.wait_indirect_dma semaphore(%arg14 : memref<!tpu.dma_semaphore, #tpu.memory_space<semaphore_mem>>) src(%dma_wait3A_146 : memref<10000x16xf32, #tpu.memory_space<hbm>>) dst(%arg9 : memref<128x16xf32, #tpu.memory_space<vmem>>)
      "tpu.region"() ({
        %run_scoped3A_199 = tpu.sem_alloc : memref<!tpu.dma_semaphore, #tpu.memory_space<semaphore_mem>>
        %dma_start3A_200 = arith.constant 0 : i32
        %dma_start3A_201 = tpu.memref_slice %arg7[%add3A_140, %dma_start3A_200] : memref<84x128xi32, #tpu.memory_space<vmem>> -> memref<1x128xi32, #tpu.memory_space<vmem>>
        %dma_start3A_202 = tpu.memref_squeeze %dma_start3A_201 : memref<1x128xi32, #tpu.memory_space<vmem>> -> memref<128xi32, #tpu.memory_space<vmem>>
        %dma_start3A_203 = arith.constant 0 : i32
        %dma_start3A_204 = arith.constant 0 : i32
        %dma_start3A_205 = tpu.memref_slice %arg12[%dma_start3A_203, %dma_start3A_204] : memref<10000x16xf32, #tpu.memory_space<vmem_shared>> -> memref<10000x16xf32, #tpu.memory_space<vmem_shared>>
        tpu.enqueue_indirect_dma source(%arg9 : memref<128x16xf32, #tpu.memory_space<vmem>>) target(%dma_start3A_205 : memref<10000x16xf32, #tpu.memory_space<vmem_shared>>) offsets(%dma_start3A_202 : memref<128xi32, #tpu.memory_space<vmem>>) semaphore(%run_scoped3A_199 : memref<!tpu.dma_semaphore, #tpu.memory_space<semaphore_mem>>) {add = true}
        %dma_wait3A_206 = arith.constant 0 : i32
        %dma_wait3A_207 = tpu.memref_slice %arg7[%add3A_140, %dma_wait3A_206] : memref<84x128xi32, #tpu.memory_space<vmem>> -> memref<1x128xi32, #tpu.memory_space<vmem>>
        %dma_wait3A_208 = tpu.memref_squeeze %dma_wait3A_207 : memref<1x128xi32, #tpu.memory_space<vmem>> -> memref<128xi32, #tpu.memory_space<vmem>>
        %dma_wait3A_209 = arith.constant 0 : i32
        %dma_wait3A_210 = arith.constant 0 : i32
        %dma_wait3A_211 = tpu.memref_slice %arg12[%dma_wait3A_209, %dma_wait3A_210] : memref<10000x16xf32, #tpu.memory_space<vmem_shared>> -> memref<10000x16xf32, #tpu.memory_space<vmem_shared>>
        tpu.wait_indirect_dma semaphore(%run_scoped3A_199 : memref<!tpu.dma_semaphore, #tpu.memory_space<semaphore_mem>>) src(%arg9 : memref<128x16xf32, #tpu.memory_space<vmem>>) dst(%dma_wait3A_211 : memref<10000x16xf32, #tpu.memory_space<vmem_shared>>)
        tpu.yield
      }) : () -> ()
      %add3A_147 = arith.constant 4 : i32
      %add3A_148 = arith.addi %add3A_140, %add3A_147 : i32
      %add3A_149 = arith.addi %sub3A, %select_n3A : i32
      %sub3A_150 = arith.constant 1 : i32
      %sub3A_151 = arith.subi %add3A_149, %sub3A_150 : i32
      %min3A_152 = arith.minsi %add3A_148, %sub3A_151 : i32
      %dma_start3A_153 = arith.constant 0 : i32
      %dma_start3A_154 = tpu.memref_slice %arg6[%min3A_152, %dma_start3A_153] : memref<84x128xi32, #tpu.memory_space<vmem>> -> memref<1x128xi32, #tpu.memory_space<vmem>>
      %dma_start3A_155 = tpu.memref_squeeze %dma_start3A_154 : memref<1x128xi32, #tpu.memory_space<vmem>> -> memref<128xi32, #tpu.memory_space<vmem>>
      %dma_start3A_156 = arith.constant 0 : i32
      %dma_start3A_157 = arith.constant 0 : i32
      %dma_start3A_158 = tpu.memref_slice %arg2[%dma_start3A_156, %dma_start3A_157] : memref<10000x16xf32, #tpu.memory_space<hbm>> -> memref<10000x16xf32, #tpu.memory_space<hbm>>
      tpu.enqueue_indirect_dma source(%dma_start3A_158 : memref<10000x16xf32, #tpu.memory_space<hbm>>) target(%arg9 : memref<128x16xf32, #tpu.memory_space<vmem>>) offsets(%dma_start3A_155 : memref<128xi32, #tpu.memory_space<vmem>>) semaphore(%arg14 : memref<!tpu.dma_semaphore, #tpu.memory_space<semaphore_mem>>)
      %add3A_159 = arith.constant 2 : i32
      %add3A_160 = arith.addi %add3A_118, %add3A_159 : i32
      %dma_wait3A_161 = arith.constant 0 : i32
      %dma_wait3A_162 = tpu.memref_slice %arg6[%add3A_160, %dma_wait3A_161] : memref<84x128xi32, #tpu.memory_space<vmem>> -> memref<1x128xi32, #tpu.memory_space<vmem>>
      %dma_wait3A_163 = tpu.memref_squeeze %dma_wait3A_162 : memref<1x128xi32, #tpu.memory_space<vmem>> -> memref<128xi32, #tpu.memory_space<vmem>>
      %dma_wait3A_164 = arith.constant 0 : i32
      %dma_wait3A_165 = arith.constant 0 : i32
      %dma_wait3A_166 = tpu.memref_slice %arg2[%dma_wait3A_164, %dma_wait3A_165] : memref<10000x16xf32, #tpu.memory_space<hbm>> -> memref<10000x16xf32, #tpu.memory_space<hbm>>
      tpu.wait_indirect_dma semaphore(%arg15 : memref<!tpu.dma_semaphore, #tpu.memory_space<semaphore_mem>>) src(%dma_wait3A_166 : memref<10000x16xf32, #tpu.memory_space<hbm>>) dst(%arg10 : memref<128x16xf32, #tpu.memory_space<vmem>>)
      "tpu.region"() ({
        %run_scoped3A_199 = tpu.sem_alloc : memref<!tpu.dma_semaphore, #tpu.memory_space<semaphore_mem>>
        %dma_start3A_200 = arith.constant 0 : i32
        %dma_start3A_201 = tpu.memref_slice %arg7[%add3A_160, %dma_start3A_200] : memref<84x128xi32, #tpu.memory_space<vmem>> -> memref<1x128xi32, #tpu.memory_space<vmem>>
        %dma_start3A_202 = tpu.memref_squeeze %dma_start3A_201 : memref<1x128xi32, #tpu.memory_space<vmem>> -> memref<128xi32, #tpu.memory_space<vmem>>
        %dma_start3A_203 = arith.constant 0 : i32
        %dma_start3A_204 = arith.constant 0 : i32
        %dma_start3A_205 = tpu.memref_slice %arg12[%dma_start3A_203, %dma_start3A_204] : memref<10000x16xf32, #tpu.memory_space<vmem_shared>> -> memref<10000x16xf32, #tpu.memory_space<vmem_shared>>
        tpu.enqueue_indirect_dma source(%arg10 : memref<128x16xf32, #tpu.memory_space<vmem>>) target(%dma_start3A_205 : memref<10000x16xf32, #tpu.memory_space<vmem_shared>>) offsets(%dma_start3A_202 : memref<128xi32, #tpu.memory_space<vmem>>) semaphore(%run_scoped3A_199 : memref<!tpu.dma_semaphore, #tpu.memory_space<semaphore_mem>>) {add = true}
        %dma_wait3A_206 = arith.constant 0 : i32
        %dma_wait3A_207 = tpu.memref_slice %arg7[%add3A_160, %dma_wait3A_206] : memref<84x128xi32, #tpu.memory_space<vmem>> -> memref<1x128xi32, #tpu.memory_space<vmem>>
        %dma_wait3A_208 = tpu.memref_squeeze %dma_wait3A_207 : memref<1x128xi32, #tpu.memory_space<vmem>> -> memref<128xi32, #tpu.memory_space<vmem>>
        %dma_wait3A_209 = arith.constant 0 : i32
        %dma_wait3A_210 = arith.constant 0 : i32
        %dma_wait3A_211 = tpu.memref_slice %arg12[%dma_wait3A_209, %dma_wait3A_210] : memref<10000x16xf32, #tpu.memory_space<vmem_shared>> -> memref<10000x16xf32, #tpu.memory_space<vmem_shared>>
        tpu.wait_indirect_dma semaphore(%run_scoped3A_199 : memref<!tpu.dma_semaphore, #tpu.memory_space<semaphore_mem>>) src(%arg10 : memref<128x16xf32, #tpu.memory_space<vmem>>) dst(%dma_wait3A_211 : memref<10000x16xf32, #tpu.memory_space<vmem_shared>>)
        tpu.yield
      }) : () -> ()
      %add3A_167 = arith.constant 4 : i32
      %add3A_168 = arith.addi %add3A_160, %add3A_167 : i32
      %add3A_169 = arith.addi %sub3A, %select_n3A : i32
      %sub3A_170 = arith.constant 1 : i32
      %sub3A_171 = arith.subi %add3A_169, %sub3A_170 : i32
      %min3A_172 = arith.minsi %add3A_168, %sub3A_171 : i32
      %dma_start3A_173 = arith.constant 0 : i32
      %dma_start3A_174 = tpu.memref_slice %arg6[%min3A_172, %dma_start3A_173] : memref<84x128xi32, #tpu.memory_space<vmem>> -> memref<1x128xi32, #tpu.memory_space<vmem>>
      %dma_start3A_175 = tpu.memref_squeeze %dma_start3A_174 : memref<1x128xi32, #tpu.memory_space<vmem>> -> memref<128xi32, #tpu.memory_space<vmem>>
      %dma_start3A_176 = arith.constant 0 : i32
      %dma_start3A_177 = arith.constant 0 : i32
      %dma_start3A_178 = tpu.memref_slice %arg2[%dma_start3A_176, %dma_start3A_177] : memref<10000x16xf32, #tpu.memory_space<hbm>> -> memref<10000x16xf32, #tpu.memory_space<hbm>>
      tpu.enqueue_indirect_dma source(%dma_start3A_178 : memref<10000x16xf32, #tpu.memory_space<hbm>>) target(%arg10 : memref<128x16xf32, #tpu.memory_space<vmem>>) offsets(%dma_start3A_175 : memref<128xi32, #tpu.memory_space<vmem>>) semaphore(%arg15 : memref<!tpu.dma_semaphore, #tpu.memory_space<semaphore_mem>>)
      %add3A_179 = arith.constant 3 : i32
      %add3A_180 = arith.addi %add3A_118, %add3A_179 : i32
      %dma_wait3A_181 = arith.constant 0 : i32
      %dma_wait3A_182 = tpu.memref_slice %arg6[%add3A_180, %dma_wait3A_181] : memref<84x128xi32, #tpu.memory_space<vmem>> -> memref<1x128xi32, #tpu.memory_space<vmem>>
      %dma_wait3A_183 = tpu.memref_squeeze %dma_wait3A_182 : memref<1x128xi32, #tpu.memory_space<vmem>> -> memref<128xi32, #tpu.memory_space<vmem>>
      %dma_wait3A_184 = arith.constant 0 : i32
      %dma_wait3A_185 = arith.constant 0 : i32
      %dma_wait3A_186 = tpu.memref_slice %arg2[%dma_wait3A_184, %dma_wait3A_185] : memref<10000x16xf32, #tpu.memory_space<hbm>> -> memref<10000x16xf32, #tpu.memory_space<hbm>>
      tpu.wait_indirect_dma semaphore(%arg16 : memref<!tpu.dma_semaphore, #tpu.memory_space<semaphore_mem>>) src(%dma_wait3A_186 : memref<10000x16xf32, #tpu.memory_space<hbm>>) dst(%arg11 : memref<128x16xf32, #tpu.memory_space<vmem>>)
      "tpu.region"() ({
        %run_scoped3A_199 = tpu.sem_alloc : memref<!tpu.dma_semaphore, #tpu.memory_space<semaphore_mem>>
        %dma_start3A_200 = arith.constant 0 : i32
        %dma_start3A_201 = tpu.memref_slice %arg7[%add3A_180, %dma_start3A_200] : memref<84x128xi32, #tpu.memory_space<vmem>> -> memref<1x128xi32, #tpu.memory_space<vmem>>
        %dma_start3A_202 = tpu.memref_squeeze %dma_start3A_201 : memref<1x128xi32, #tpu.memory_space<vmem>> -> memref<128xi32, #tpu.memory_space<vmem>>
        %dma_start3A_203 = arith.constant 0 : i32
        %dma_start3A_204 = arith.constant 0 : i32
        %dma_start3A_205 = tpu.memref_slice %arg12[%dma_start3A_203, %dma_start3A_204] : memref<10000x16xf32, #tpu.memory_space<vmem_shared>> -> memref<10000x16xf32, #tpu.memory_space<vmem_shared>>
        tpu.enqueue_indirect_dma source(%arg11 : memref<128x16xf32, #tpu.memory_space<vmem>>) target(%dma_start3A_205 : memref<10000x16xf32, #tpu.memory_space<vmem_shared>>) offsets(%dma_start3A_202 : memref<128xi32, #tpu.memory_space<vmem>>) semaphore(%run_scoped3A_199 : memref<!tpu.dma_semaphore, #tpu.memory_space<semaphore_mem>>) {add = true}
        %dma_wait3A_206 = arith.constant 0 : i32
        %dma_wait3A_207 = tpu.memref_slice %arg7[%add3A_180, %dma_wait3A_206] : memref<84x128xi32, #tpu.memory_space<vmem>> -> memref<1x128xi32, #tpu.memory_space<vmem>>
        %dma_wait3A_208 = tpu.memref_squeeze %dma_wait3A_207 : memref<1x128xi32, #tpu.memory_space<vmem>> -> memref<128xi32, #tpu.memory_space<vmem>>
        %dma_wait3A_209 = arith.constant 0 : i32
        %dma_wait3A_210 = arith.constant 0 : i32
        %dma_wait3A_211 = tpu.memref_slice %arg12[%dma_wait3A_209, %dma_wait3A_210] : memref<10000x16xf32, #tpu.memory_space<vmem_shared>> -> memref<10000x16xf32, #tpu.memory_space<vmem_shared>>
        tpu.wait_indirect_dma semaphore(%run_scoped3A_199 : memref<!tpu.dma_semaphore, #tpu.memory_space<semaphore_mem>>) src(%arg11 : memref<128x16xf32, #tpu.memory_space<vmem>>) dst(%dma_wait3A_211 : memref<10000x16xf32, #tpu.memory_space<vmem_shared>>)
        tpu.yield
      }) : () -> ()
      %add3A_187 = arith.constant 4 : i32
      %add3A_188 = arith.addi %add3A_180, %add3A_187 : i32
      %add3A_189 = arith.addi %sub3A, %select_n3A : i32
      %sub3A_190 = arith.constant 1 : i32
      %sub3A_191 = arith.subi %add3A_189, %sub3A_190 : i32
      %min3A_192 = arith.minsi %add3A_188, %sub3A_191 : i32
      %dma_start3A_193 = arith.constant 0 : i32
      %dma_start3A_194 = tpu.memref_slice %arg6[%min3A_192, %dma_start3A_193] : memref<84x128xi32, #tpu.memory_space<vmem>> -> memref<1x128xi32, #tpu.memory_space<vmem>>
      %dma_start3A_195 = tpu.memref_squeeze %dma_start3A_194 : memref<1x128xi32, #tpu.memory_space<vmem>> -> memref<128xi32, #tpu.memory_space<vmem>>
      %dma_start3A_196 = arith.constant 0 : i32
      %dma_start3A_197 = arith.constant 0 : i32
      %dma_start3A_198 = tpu.memref_slice %arg2[%dma_start3A_196, %dma_start3A_197] : memref<10000x16xf32, #tpu.memory_space<hbm>> -> memref<10000x16xf32, #tpu.memory_space<hbm>>
      tpu.enqueue_indirect_dma source(%dma_start3A_198 : memref<10000x16xf32, #tpu.memory_space<hbm>>) target(%arg11 : memref<128x16xf32, #tpu.memory_space<vmem>>) offsets(%dma_start3A_195 : memref<128xi32, #tpu.memory_space<vmem>>) semaphore(%arg16 : memref<!tpu.dma_semaphore, #tpu.memory_space<semaphore_mem>>)
    }
    %while3A_82 = arith.constant 1 : i32
    scf.for %while3A_115 = %while3A_80 to %while3A_76 step %while3A_82  : i32 {
      %mul3A_116 = arith.constant 4 : i32
      %mul3A_117 = arith.muli %mul3A_116, %while3A_115 : i32
      %add3A_118 = arith.addi %sub3A, %mul3A_117 : i32
      %add3A_119 = arith.constant 0 : i32
      %add3A_120 = arith.addi %add3A_118, %add3A_119 : i32
      %dma_wait3A_121 = arith.constant 0 : i32
      %dma_wait3A_122 = tpu.memref_slice %arg6[%add3A_120, %dma_wait3A_121] : memref<84x128xi32, #tpu.memory_space<vmem>> -> memref<1x128xi32, #tpu.memory_space<vmem>>
      %dma_wait3A_123 = tpu.memref_squeeze %dma_wait3A_122 : memref<1x128xi32, #tpu.memory_space<vmem>> -> memref<128xi32, #tpu.memory_space<vmem>>
      %dma_wait3A_124 = arith.constant 0 : i32
      %dma_wait3A_125 = arith.constant 0 : i32
      %dma_wait3A_126 = tpu.memref_slice %arg2[%dma_wait3A_124, %dma_wait3A_125] : memref<10000x16xf32, #tpu.memory_space<hbm>> -> memref<10000x16xf32, #tpu.memory_space<hbm>>
      tpu.wait_indirect_dma semaphore(%arg13 : memref<!tpu.dma_semaphore, #tpu.memory_space<semaphore_mem>>) src(%dma_wait3A_126 : memref<10000x16xf32, #tpu.memory_space<hbm>>) dst(%arg8 : memref<128x16xf32, #tpu.memory_space<vmem>>)
      "tpu.region"() ({
        %run_scoped3A_199 = tpu.sem_alloc : memref<!tpu.dma_semaphore, #tpu.memory_space<semaphore_mem>>
        %dma_start3A_200 = arith.constant 0 : i32
        %dma_start3A_201 = tpu.memref_slice %arg7[%add3A_120, %dma_start3A_200] : memref<84x128xi32, #tpu.memory_space<vmem>> -> memref<1x128xi32, #tpu.memory_space<vmem>>
        %dma_start3A_202 = tpu.memref_squeeze %dma_start3A_201 : memref<1x128xi32, #tpu.memory_space<vmem>> -> memref<128xi32, #tpu.memory_space<vmem>>
        %dma_start3A_203 = arith.constant 0 : i32
        %dma_start3A_204 = arith.constant 0 : i32
        %dma_start3A_205 = tpu.memref_slice %arg12[%dma_start3A_203, %dma_start3A_204] : memref<10000x16xf32, #tpu.memory_space<vmem_shared>> -> memref<10000x16xf32, #tpu.memory_space<vmem_shared>>
        tpu.enqueue_indirect_dma source(%arg8 : memref<128x16xf32, #tpu.memory_space<vmem>>) target(%dma_start3A_205 : memref<10000x16xf32, #tpu.memory_space<vmem_shared>>) offsets(%dma_start3A_202 : memref<128xi32, #tpu.memory_space<vmem>>) semaphore(%run_scoped3A_199 : memref<!tpu.dma_semaphore, #tpu.memory_space<semaphore_mem>>) {add = true}
        %dma_wait3A_206 = arith.constant 0 : i32
        %dma_wait3A_207 = tpu.memref_slice %arg7[%add3A_120, %dma_wait3A_206] : memref<84x128xi32, #tpu.memory_space<vmem>> -> memref<1x128xi32, #tpu.memory_space<vmem>>
        %dma_wait3A_208 = tpu.memref_squeeze %dma_wait3A_207 : memref<1x128xi32, #tpu.memory_space<vmem>> -> memref<128xi32, #tpu.memory_space<vmem>>
        %dma_wait3A_209 = arith.constant 0 : i32
        %dma_wait3A_210 = arith.constant 0 : i32
        %dma_wait3A_211 = tpu.memref_slice %arg12[%dma_wait3A_209, %dma_wait3A_210] : memref<10000x16xf32, #tpu.memory_space<vmem_shared>> -> memref<10000x16xf32, #tpu.memory_space<vmem_shared>>
        tpu.wait_indirect_dma semaphore(%run_scoped3A_199 : memref<!tpu.dma_semaphore, #tpu.memory_space<semaphore_mem>>) src(%arg8 : memref<128x16xf32, #tpu.memory_space<vmem>>) dst(%dma_wait3A_211 : memref<10000x16xf32, #tpu.memory_space<vmem_shared>>)
        tpu.yield
      }) : () -> ()
      %add3A_127 = arith.constant 4 : i32
      %add3A_128 = arith.addi %add3A_120, %add3A_127 : i32
      %add3A_129 = arith.addi %sub3A, %select_n3A : i32
      %sub3A_130 = arith.constant 1 : i32
      %sub3A_131 = arith.subi %add3A_129, %sub3A_130 : i32
      %min3A_132 = arith.minsi %add3A_128, %sub3A_131 : i32
      %dma_start3A_133 = arith.constant 0 : i32
      %dma_start3A_134 = tpu.memref_slice %arg6[%min3A_132, %dma_start3A_133] : memref<84x128xi32, #tpu.memory_space<vmem>> -> memref<1x128xi32, #tpu.memory_space<vmem>>
      %dma_start3A_135 = tpu.memref_squeeze %dma_start3A_134 : memref<1x128xi32, #tpu.memory_space<vmem>> -> memref<128xi32, #tpu.memory_space<vmem>>
      %dma_start3A_136 = arith.constant 0 : i32
      %dma_start3A_137 = arith.constant 0 : i32
      %dma_start3A_138 = tpu.memref_slice %arg2[%dma_start3A_136, %dma_start3A_137] : memref<10000x16xf32, #tpu.memory_space<hbm>> -> memref<10000x16xf32, #tpu.memory_space<hbm>>
      tpu.enqueue_indirect_dma source(%dma_start3A_138 : memref<10000x16xf32, #tpu.memory_space<hbm>>) target(%arg8 : memref<128x16xf32, #tpu.memory_space<vmem>>) offsets(%dma_start3A_135 : memref<128xi32, #tpu.memory_space<vmem>>) semaphore(%arg13 : memref<!tpu.dma_semaphore, #tpu.memory_space<semaphore_mem>>)
      %add3A_139 = arith.constant 1 : i32
      %add3A_140 = arith.addi %add3A_118, %add3A_139 : i32
      %dma_wait3A_141 = arith.constant 0 : i32
      %dma_wait3A_142 = tpu.memref_slice %arg6[%add3A_140, %dma_wait3A_141] : memref<84x128xi32, #tpu.memory_space<vmem>> -> memref<1x128xi32, #tpu.memory_space<vmem>>
      %dma_wait3A_143 = tpu.memref_squeeze %dma_wait3A_142 : memref<1x128xi32, #tpu.memory_space<vmem>> -> memref<128xi32, #tpu.memory_space<vmem>>
      %dma_wait3A_144 = arith.constant 0 : i32
      %dma_wait3A_145 = arith.constant 0 : i32
      %dma_wait3A_146 = tpu.memref_slice %arg2[%dma_wait3A_144, %dma_wait3A_145] : memref<10000x16xf32, #tpu.memory_space<hbm>> -> memref<10000x16xf32, #tpu.memory_space<hbm>>
      tpu.wait_indirect_dma semaphore(%arg14 : memref<!tpu.dma_semaphore, #tpu.memory_space<semaphore_mem>>) src(%dma_wait3A_146 : memref<10000x16xf32, #tpu.memory_space<hbm>>) dst(%arg9 : memref<128x16xf32, #tpu.memory_space<vmem>>)
      "tpu.region"() ({
        %run_scoped3A_199 = tpu.sem_alloc : memref<!tpu.dma_semaphore, #tpu.memory_space<semaphore_mem>>
        %dma_start3A_200 = arith.constant 0 : i32
        %dma_start3A_201 = tpu.memref_slice %arg7[%add3A_140, %dma_start3A_200] : memref<84x128xi32, #tpu.memory_space<vmem>> -> memref<1x128xi32, #tpu.memory_space<vmem>>
        %dma_start3A_202 = tpu.memref_squeeze %dma_start3A_201 : memref<1x128xi32, #tpu.memory_space<vmem>> -> memref<128xi32, #tpu.memory_space<vmem>>
        %dma_start3A_203 = arith.constant 0 : i32
        %dma_start3A_204 = arith.constant 0 : i32
        %dma_start3A_205 = tpu.memref_slice %arg12[%dma_start3A_203, %dma_start3A_204] : memref<10000x16xf32, #tpu.memory_space<vmem_shared>> -> memref<10000x16xf32, #tpu.memory_space<vmem_shared>>
        tpu.enqueue_indirect_dma source(%arg9 : memref<128x16xf32, #tpu.memory_space<vmem>>) target(%dma_start3A_205 : memref<10000x16xf32, #tpu.memory_space<vmem_shared>>) offsets(%dma_start3A_202 : memref<128xi32, #tpu.memory_space<vmem>>) semaphore(%run_scoped3A_199 : memref<!tpu.dma_semaphore, #tpu.memory_space<semaphore_mem>>) {add = true}
        %dma_wait3A_206 = arith.constant 0 : i32
        %dma_wait3A_207 = tpu.memref_slice %arg7[%add3A_140, %dma_wait3A_206] : memref<84x128xi32, #tpu.memory_space<vmem>> -> memref<1x128xi32, #tpu.memory_space<vmem>>
        %dma_wait3A_208 = tpu.memref_squeeze %dma_wait3A_207 : memref<1x128xi32, #tpu.memory_space<vmem>> -> memref<128xi32, #tpu.memory_space<vmem>>
        %dma_wait3A_209 = arith.constant 0 : i32
        %dma_wait3A_210 = arith.constant 0 : i32
        %dma_wait3A_211 = tpu.memref_slice %arg12[%dma_wait3A_209, %dma_wait3A_210] : memref<10000x16xf32, #tpu.memory_space<vmem_shared>> -> memref<10000x16xf32, #tpu.memory_space<vmem_shared>>
        tpu.wait_indirect_dma semaphore(%run_scoped3A_199 : memref<!tpu.dma_semaphore, #tpu.memory_space<semaphore_mem>>) src(%arg9 : memref<128x16xf32, #tpu.memory_space<vmem>>) dst(%dma_wait3A_211 : memref<10000x16xf32, #tpu.memory_space<vmem_shared>>)
        tpu.yield
      }) : () -> ()
      %add3A_147 = arith.constant 4 : i32
      %add3A_148 = arith.addi %add3A_140, %add3A_147 : i32
      %add3A_149 = arith.addi %sub3A, %select_n3A : i32
      %sub3A_150 = arith.constant 1 : i32
      %sub3A_151 = arith.subi %add3A_149, %sub3A_150 : i32
      %min3A_152 = arith.minsi %add3A_148, %sub3A_151 : i32
      %dma_start3A_153 = arith.constant 0 : i32
      %dma_start3A_154 = tpu.memref_slice %arg6[%min3A_152, %dma_start3A_153] : memref<84x128xi32, #tpu.memory_space<vmem>> -> memref<1x128xi32, #tpu.memory_space<vmem>>
      %dma_start3A_155 = tpu.memref_squeeze %dma_start3A_154 : memref<1x128xi32, #tpu.memory_space<vmem>> -> memref<128xi32, #tpu.memory_space<vmem>>
      %dma_start3A_156 = arith.constant 0 : i32
      %dma_start3A_157 = arith.constant 0 : i32
      %dma_start3A_158 = tpu.memref_slice %arg2[%dma_start3A_156, %dma_start3A_157] : memref<10000x16xf32, #tpu.memory_space<hbm>> -> memref<10000x16xf32, #tpu.memory_space<hbm>>
      tpu.enqueue_indirect_dma source(%dma_start3A_158 : memref<10000x16xf32, #tpu.memory_space<hbm>>) target(%arg9 : memref<128x16xf32, #tpu.memory_space<vmem>>) offsets(%dma_start3A_155 : memref<128xi32, #tpu.memory_space<vmem>>) semaphore(%arg14 : memref<!tpu.dma_semaphore, #tpu.memory_space<semaphore_mem>>)
      %add3A_159 = arith.constant 2 : i32
      %add3A_160 = arith.addi %add3A_118, %add3A_159 : i32
      %dma_wait3A_161 = arith.constant 0 : i32
      %dma_wait3A_162 = tpu.memref_slice %arg6[%add3A_160, %dma_wait3A_161] : memref<84x128xi32, #tpu.memory_space<vmem>> -> memref<1x128xi32, #tpu.memory_space<vmem>>
      %dma_wait3A_163 = tpu.memref_squeeze %dma_wait3A_162 : memref<1x128xi32, #tpu.memory_space<vmem>> -> memref<128xi32, #tpu.memory_space<vmem>>
      %dma_wait3A_164 = arith.constant 0 : i32
      %dma_wait3A_165 = arith.constant 0 : i32
      %dma_wait3A_166 = tpu.memref_slice %arg2[%dma_wait3A_164, %dma_wait3A_165] : memref<10000x16xf32, #tpu.memory_space<hbm>> -> memref<10000x16xf32, #tpu.memory_space<hbm>>
      tpu.wait_indirect_dma semaphore(%arg15 : memref<!tpu.dma_semaphore, #tpu.memory_space<semaphore_mem>>) src(%dma_wait3A_166 : memref<10000x16xf32, #tpu.memory_space<hbm>>) dst(%arg10 : memref<128x16xf32, #tpu.memory_space<vmem>>)
      "tpu.region"() ({
        %run_scoped3A_199 = tpu.sem_alloc : memref<!tpu.dma_semaphore, #tpu.memory_space<semaphore_mem>>
        %dma_start3A_200 = arith.constant 0 : i32
        %dma_start3A_201 = tpu.memref_slice %arg7[%add3A_160, %dma_start3A_200] : memref<84x128xi32, #tpu.memory_space<vmem>> -> memref<1x128xi32, #tpu.memory_space<vmem>>
        %dma_start3A_202 = tpu.memref_squeeze %dma_start3A_201 : memref<1x128xi32, #tpu.memory_space<vmem>> -> memref<128xi32, #tpu.memory_space<vmem>>
        %dma_start3A_203 = arith.constant 0 : i32
        %dma_start3A_204 = arith.constant 0 : i32
        %dma_start3A_205 = tpu.memref_slice %arg12[%dma_start3A_203, %dma_start3A_204] : memref<10000x16xf32, #tpu.memory_space<vmem_shared>> -> memref<10000x16xf32, #tpu.memory_space<vmem_shared>>
        tpu.enqueue_indirect_dma source(%arg10 : memref<128x16xf32, #tpu.memory_space<vmem>>) target(%dma_start3A_205 : memref<10000x16xf32, #tpu.memory_space<vmem_shared>>) offsets(%dma_start3A_202 : memref<128xi32, #tpu.memory_space<vmem>>) semaphore(%run_scoped3A_199 : memref<!tpu.dma_semaphore, #tpu.memory_space<semaphore_mem>>) {add = true}
        %dma_wait3A_206 = arith.constant 0 : i32
        %dma_wait3A_207 = tpu.memref_slice %arg7[%add3A_160, %dma_wait3A_206] : memref<84x128xi32, #tpu.memory_space<vmem>> -> memref<1x128xi32, #tpu.memory_space<vmem>>
        %dma_wait3A_208 = tpu.memref_squeeze %dma_wait3A_207 : memref<1x128xi32, #tpu.memory_space<vmem>> -> memref<128xi32, #tpu.memory_space<vmem>>
        %dma_wait3A_209 = arith.constant 0 : i32
        %dma_wait3A_210 = arith.constant 0 : i32
        %dma_wait3A_211 = tpu.memref_slice %arg12[%dma_wait3A_209, %dma_wait3A_210] : memref<10000x16xf32, #tpu.memory_space<vmem_shared>> -> memref<10000x16xf32, #tpu.memory_space<vmem_shared>>
        tpu.wait_indirect_dma semaphore(%run_scoped3A_199 : memref<!tpu.dma_semaphore, #tpu.memory_space<semaphore_mem>>) src(%arg10 : memref<128x16xf32, #tpu.memory_space<vmem>>) dst(%dma_wait3A_211 : memref<10000x16xf32, #tpu.memory_space<vmem_shared>>)
        tpu.yield
      }) : () -> ()
      %add3A_167 = arith.constant 4 : i32
      %add3A_168 = arith.addi %add3A_160, %add3A_167 : i32
      %add3A_169 = arith.addi %sub3A, %select_n3A : i32
      %sub3A_170 = arith.constant 1 : i32
      %sub3A_171 = arith.subi %add3A_169, %sub3A_170 : i32
      %min3A_172 = arith.minsi %add3A_168, %sub3A_171 : i32
      %dma_start3A_173 = arith.constant 0 : i32
      %dma_start3A_174 = tpu.memref_slice %arg6[%min3A_172, %dma_start3A_173] : memref<84x128xi32, #tpu.memory_space<vmem>> -> memref<1x128xi32, #tpu.memory_space<vmem>>
      %dma_start3A_175 = tpu.memref_squeeze %dma_start3A_174 : memref<1x128xi32, #tpu.memory_space<vmem>> -> memref<128xi32, #tpu.memory_space<vmem>>
      %dma_start3A_176 = arith.constant 0 : i32
      %dma_start3A_177 = arith.constant 0 : i32
      %dma_start3A_178 = tpu.memref_slice %arg2[%dma_start3A_176, %dma_start3A_177] : memref<10000x16xf32, #tpu.memory_space<hbm>> -> memref<10000x16xf32, #tpu.memory_space<hbm>>
      tpu.enqueue_indirect_dma source(%dma_start3A_178 : memref<10000x16xf32, #tpu.memory_space<hbm>>) target(%arg10 : memref<128x16xf32, #tpu.memory_space<vmem>>) offsets(%dma_start3A_175 : memref<128xi32, #tpu.memory_space<vmem>>) semaphore(%arg15 : memref<!tpu.dma_semaphore, #tpu.memory_space<semaphore_mem>>)
      %add3A_179 = arith.constant 3 : i32
      %add3A_180 = arith.addi %add3A_118, %add3A_179 : i32
      %dma_wait3A_181 = arith.constant 0 : i32
      %dma_wait3A_182 = tpu.memref_slice %arg6[%add3A_180, %dma_wait3A_181] : memref<84x128xi32, #tpu.memory_space<vmem>> -> memref<1x128xi32, #tpu.memory_space<vmem>>
      %dma_wait3A_183 = tpu.memref_squeeze %dma_wait3A_182 : memref<1x128xi32, #tpu.memory_space<vmem>> -> memref<128xi32, #tpu.memory_space<vmem>>
      %dma_wait3A_184 = arith.constant 0 : i32
      %dma_wait3A_185 = arith.constant 0 : i32
      %dma_wait3A_186 = tpu.memref_slice %arg2[%dma_wait3A_184, %dma_wait3A_185] : memref<10000x16xf32, #tpu.memory_space<hbm>> -> memref<10000x16xf32, #tpu.memory_space<hbm>>
      tpu.wait_indirect_dma semaphore(%arg16 : memref<!tpu.dma_semaphore, #tpu.memory_space<semaphore_mem>>) src(%dma_wait3A_186 : memref<10000x16xf32, #tpu.memory_space<hbm>>) dst(%arg11 : memref<128x16xf32, #tpu.memory_space<vmem>>)
      "tpu.region"() ({
        %run_scoped3A_199 = tpu.sem_alloc : memref<!tpu.dma_semaphore, #tpu.memory_space<semaphore_mem>>
        %dma_start3A_200 = arith.constant 0 : i32
        %dma_start3A_201 = tpu.memref_slice %arg7[%add3A_180, %dma_start3A_200] : memref<84x128xi32, #tpu.memory_space<vmem>> -> memref<1x128xi32, #tpu.memory_space<vmem>>
        %dma_start3A_202 = tpu.memref_squeeze %dma_start3A_201 : memref<1x128xi32, #tpu.memory_space<vmem>> -> memref<128xi32, #tpu.memory_space<vmem>>
        %dma_start3A_203 = arith.constant 0 : i32
        %dma_start3A_204 = arith.constant 0 : i32
        %dma_start3A_205 = tpu.memref_slice %arg12[%dma_start3A_203, %dma_start3A_204] : memref<10000x16xf32, #tpu.memory_space<vmem_shared>> -> memref<10000x16xf32, #tpu.memory_space<vmem_shared>>
        tpu.enqueue_indirect_dma source(%arg11 : memref<128x16xf32, #tpu.memory_space<vmem>>) target(%dma_start3A_205 : memref<10000x16xf32, #tpu.memory_space<vmem_shared>>) offsets(%dma_start3A_202 : memref<128xi32, #tpu.memory_space<vmem>>) semaphore(%run_scoped3A_199 : memref<!tpu.dma_semaphore, #tpu.memory_space<semaphore_mem>>) {add = true}
        %dma_wait3A_206 = arith.constant 0 : i32
        %dma_wait3A_207 = tpu.memref_slice %arg7[%add3A_180, %dma_wait3A_206] : memref<84x128xi32, #tpu.memory_space<vmem>> -> memref<1x128xi32, #tpu.memory_space<vmem>>
        %dma_wait3A_208 = tpu.memref_squeeze %dma_wait3A_207 : memref<1x128xi32, #tpu.memory_space<vmem>> -> memref<128xi32, #tpu.memory_space<vmem>>
        %dma_wait3A_209 = arith.constant 0 : i32
        %dma_wait3A_210 = arith.constant 0 : i32
        %dma_wait3A_211 = tpu.memref_slice %arg12[%dma_wait3A_209, %dma_wait3A_210] : memref<10000x16xf32, #tpu.memory_space<vmem_shared>> -> memref<10000x16xf32, #tpu.memory_space<vmem_shared>>
        tpu.wait_indirect_dma semaphore(%run_scoped3A_199 : memref<!tpu.dma_semaphore, #tpu.memory_space<semaphore_mem>>) src(%arg11 : memref<128x16xf32, #tpu.memory_space<vmem>>) dst(%dma_wait3A_211 : memref<10000x16xf32, #tpu.memory_space<vmem_shared>>)
        tpu.yield
      }) : () -> ()
      %add3A_187 = arith.constant 4 : i32
      %add3A_188 = arith.addi %add3A_180, %add3A_187 : i32
      %add3A_189 = arith.addi %sub3A, %select_n3A : i32
      %sub3A_190 = arith.constant 1 : i32
      %sub3A_191 = arith.subi %add3A_189, %sub3A_190 : i32
      %min3A_192 = arith.minsi %add3A_188, %sub3A_191 : i32
      %dma_start3A_193 = arith.constant 0 : i32
      %dma_start3A_194 = tpu.memref_slice %arg6[%min3A_192, %dma_start3A_193] : memref<84x128xi32, #tpu.memory_space<vmem>> -> memref<1x128xi32, #tpu.memory_space<vmem>>
      %dma_start3A_195 = tpu.memref_squeeze %dma_start3A_194 : memref<1x128xi32, #tpu.memory_space<vmem>> -> memref<128xi32, #tpu.memory_space<vmem>>
      %dma_start3A_196 = arith.constant 0 : i32
      %dma_start3A_197 = arith.constant 0 : i32
      %dma_start3A_198 = tpu.memref_slice %arg2[%dma_start3A_196, %dma_start3A_197] : memref<10000x16xf32, #tpu.memory_space<hbm>> -> memref<10000x16xf32, #tpu.memory_space<hbm>>
      tpu.enqueue_indirect_dma source(%dma_start3A_198 : memref<10000x16xf32, #tpu.memory_space<hbm>>) target(%arg11 : memref<128x16xf32, #tpu.memory_space<vmem>>) offsets(%dma_start3A_195 : memref<128xi32, #tpu.memory_space<vmem>>) semaphore(%arg16 : memref<!tpu.dma_semaphore, #tpu.memory_space<semaphore_mem>>)
    }
    %dma_wait3A = arith.constant 0 : i32
    %dma_wait3A_83 = arith.constant 0 : i32
    %dma_wait3A_84 = tpu.memref_slice %arg6[%dma_wait3A, %dma_wait3A_83] : memref<84x128xi32, #tpu.memory_space<vmem>> -> memref<1x128xi32, #tpu.memory_space<vmem>>
    %dma_wait3A_85 = tpu.memref_squeeze %dma_wait3A_84 : memref<1x128xi32, #tpu.memory_space<vmem>> -> memref<128xi32, #tpu.memory_space<vmem>>
    %dma_wait3A_86 = arith.constant 0 : i32
    %dma_wait3A_87 = arith.constant 0 : i32
    %dma_wait3A_88 = tpu.memref_slice %arg2[%dma_wait3A_86, %dma_wait3A_87] : memref<10000x16xf32, #tpu.memory_space<hbm>> -> memref<10000x16xf32, #tpu.memory_space<hbm>>
    tpu.wait_indirect_dma semaphore(%arg13 : memref<!tpu.dma_semaphore, #tpu.memory_space<semaphore_mem>>) src(%dma_wait3A_88 : memref<10000x16xf32, #tpu.memory_space<hbm>>) dst(%arg8 : memref<128x16xf32, #tpu.memory_space<vmem>>)
    %dma_wait3A_89 = arith.constant 0 : i32
    %dma_wait3A_90 = arith.constant 0 : i32
    %dma_wait3A_91 = tpu.memref_slice %arg6[%dma_wait3A_89, %dma_wait3A_90] : memref<84x128xi32, #tpu.memory_space<vmem>> -> memref<1x128xi32, #tpu.memory_space<vmem>>
    %dma_wait3A_92 = tpu.memref_squeeze %dma_wait3A_91 : memref<1x128xi32, #tpu.memory_space<vmem>> -> memref<128xi32, #tpu.memory_space<vmem>>
    %dma_wait3A_93 = arith.constant 0 : i32
    %dma_wait3A_94 = arith.constant 0 : i32
    %dma_wait3A_95 = tpu.memref_slice %arg2[%dma_wait3A_93, %dma_wait3A_94] : memref<10000x16xf32, #tpu.memory_space<hbm>> -> memref<10000x16xf32, #tpu.memory_space<hbm>>
    tpu.wait_indirect_dma semaphore(%arg14 : memref<!tpu.dma_semaphore, #tpu.memory_space<semaphore_mem>>) src(%dma_wait3A_95 : memref<10000x16xf32, #tpu.memory_space<hbm>>) dst(%arg9 : memref<128x16xf32, #tpu.memory_space<vmem>>)
    %dma_wait3A_96 = arith.constant 0 : i32
    %dma_wait3A_97 = arith.constant 0 : i32
    %dma_wait3A_98 = tpu.memref_slice %arg6[%dma_wait3A_96, %dma_wait3A_97] : memref<84x128xi32, #tpu.memory_space<vmem>> -> memref<1x128xi32, #tpu.memory_space<vmem>>
    %dma_wait3A_99 = tpu.memref_squeeze %dma_wait3A_98 : memref<1x128xi32, #tpu.memory_space<vmem>> -> memref<128xi32, #tpu.memory_space<vmem>>
    %dma_wait3A_100 = arith.constant 0 : i32
    %dma_wait3A_101 = arith.constant 0 : i32
    %dma_wait3A_102 = tpu.memref_slice %arg2[%dma_wait3A_100, %dma_wait3A_101] : memref<10000x16xf32, #tpu.memory_space<hbm>> -> memref<10000x16xf32, #tpu.memory_space<hbm>>
    tpu.wait_indirect_dma semaphore(%arg15 : memref<!tpu.dma_semaphore, #tpu.memory_space<semaphore_mem>>) src(%dma_wait3A_102 : memref<10000x16xf32, #tpu.memory_space<hbm>>) dst(%arg10 : memref<128x16xf32, #tpu.memory_space<vmem>>)
    %dma_wait3A_103 = arith.constant 0 : i32
    %dma_wait3A_104 = arith.constant 0 : i32
    %dma_wait3A_105 = tpu.memref_slice %arg6[%dma_wait3A_103, %dma_wait3A_104] : memref<84x128xi32, #tpu.memory_space<vmem>> -> memref<1x128xi32, #tpu.memory_space<vmem>>
    %dma_wait3A_106 = tpu.memref_squeeze %dma_wait3A_105 : memref<1x128xi32, #tpu.memory_space<vmem>> -> memref<128xi32, #tpu.memory_space<vmem>>
    %dma_wait3A_107 = arith.constant 0 : i32
    %dma_wait3A_108 = arith.constant 0 : i32
    %dma_wait3A_109 = tpu.memref_slice %arg2[%dma_wait3A_107, %dma_wait3A_108] : memref<10000x16xf32, #tpu.memory_space<hbm>> -> memref<10000x16xf32, #tpu.memory_space<hbm>>
    tpu.wait_indirect_dma semaphore(%arg16 : memref<!tpu.dma_semaphore, #tpu.memory_space<semaphore_mem>>) src(%dma_wait3A_109 : memref<10000x16xf32, #tpu.memory_space<hbm>>) dst(%arg11 : memref<128x16xf32, #tpu.memory_space<vmem>>)
    %barrier3A_110 = arith.constant 0 : index
    tpu.barrier barrier_id(%barrier3A_110)
    %mul3A_111 = arith.constant 625 : i32
    %mul3A_112 = arith.muli %arg1, %mul3A_111 : i32
    %mul3A_113 = arith.constant 625 : i32
    %mul3A_114 = arith.muli %arg1, %mul3A_113 : i32
    "tpu.region"() ({
      %run_scoped3A_115 = tpu.sem_alloc : memref<!tpu.dma_semaphore, #tpu.memory_space<semaphore_mem>>
      %dma_start3A_116 = arith.constant 0 : i32
      %dma_start3A_117 = arith.constant 0 : i32
      %dma_start3A_118 = tpu.memref_slice %arg5[%arg0, %dma_start3A_116, %dma_start3A_117] : memref<2x10000x16xf32, #tpu.memory_space<hbm>> -> memref<1x10000x16xf32, #tpu.memory_space<hbm>>
      %dma_start3A_119 = tpu.memref_squeeze %dma_start3A_118 : memref<1x10000x16xf32, #tpu.memory_space<hbm>> -> memref<10000x16xf32, #tpu.memory_space<hbm>>
      %dma_start3A_120 = arith.constant 0 : i32
      %dma_start3A_121 = tpu.memref_slice %dma_start3A_119[%mul3A_114, %dma_start3A_120] : memref<10000x16xf32, #tpu.memory_space<hbm>> -> memref<625x16xf32, #tpu.memory_space<hbm>>
      %dma_start3A_122 = arith.constant 0 : i32
      %dma_start3A_123 = tpu.memref_slice %arg12[%mul3A_112, %dma_start3A_122] : memref<10000x16xf32, #tpu.memory_space<vmem_shared>> -> memref<625x16xf32, #tpu.memory_space<vmem_shared>>
      tpu.enqueue_dma source(%dma_start3A_123 : memref<625x16xf32, #tpu.memory_space<vmem_shared>>) target(%dma_start3A_121 : memref<625x16xf32, #tpu.memory_space<hbm>>) target_semaphore(%run_scoped3A_115 : memref<!tpu.dma_semaphore, #tpu.memory_space<semaphore_mem>>)
      %dma_wait3A_124 = arith.constant 0 : i32
      %dma_wait3A_125 = arith.constant 0 : i32
      %dma_wait3A_126 = tpu.memref_slice %arg5[%arg0, %dma_wait3A_124, %dma_wait3A_125] : memref<2x10000x16xf32, #tpu.memory_space<hbm>> -> memref<1x10000x16xf32, #tpu.memory_space<hbm>>
      %dma_wait3A_127 = tpu.memref_squeeze %dma_wait3A_126 : memref<1x10000x16xf32, #tpu.memory_space<hbm>> -> memref<10000x16xf32, #tpu.memory_space<hbm>>
      %dma_wait3A_128 = arith.constant 0 : i32
      %dma_wait3A_129 = tpu.memref_slice %dma_wait3A_127[%mul3A_114, %dma_wait3A_128] : memref<10000x16xf32, #tpu.memory_space<hbm>> -> memref<625x16xf32, #tpu.memory_space<hbm>>
      %dma_wait3A_130 = arith.constant 0 : i32
      %dma_wait3A_131 = tpu.memref_slice %arg12[%mul3A_112, %dma_wait3A_130] : memref<10000x16xf32, #tpu.memory_space<vmem_shared>> -> memref<625x16xf32, #tpu.memory_space<vmem_shared>>
      tpu.wait_dma2 semaphore(%run_scoped3A_115 : memref<!tpu.dma_semaphore, #tpu.memory_space<semaphore_mem>>) src(%dma_wait3A_131 : memref<625x16xf32, #tpu.memory_space<vmem_shared>>) dst(%dma_wait3A_129 : memref<625x16xf32, #tpu.memory_space<hbm>>)
      tpu.yield
    }) : () -> ()
    return
  }
}

#map = affine_map<(d0, d1) -> (0, 0)>
#map1 = affine_map<(d0, d1) -> (0, 0, 0)>
module attributes {stable_mosaic.version = 14 : i64} {
  func.func @agg(%arg0: i32, %arg1: i32, %arg2: memref<10000x32xf32, #tpu.memory_space<hbm>>, %arg3: memref<2x2500x128xi32, #tpu.memory_space<hbm>>, %arg4: memref<10000x32xf32, #tpu.memory_space<hbm>>, %arg5: memref<2x10000x32xf32, #tpu.memory_space<hbm>>, %arg6: memref<84x128xi32, #tpu.memory_space<vmem>>, %arg7: memref<84x128xi32, #tpu.memory_space<vmem>>, %arg8: memref<128x32xf32, #tpu.memory_space<vmem>>, %arg9: memref<128x32xf32, #tpu.memory_space<vmem>>, %arg10: memref<128x32xf32, #tpu.memory_space<vmem>>, %arg11: memref<128x32xf32, #tpu.memory_space<vmem>>, %arg12: memref<10000x32xf32, #tpu.memory_space<vmem_shared>>, %arg13: memref<!tpu.dma_semaphore, #tpu.memory_space<semaphore_mem>>, %arg14: memref<!tpu.dma_semaphore, #tpu.memory_space<semaphore_mem>>, %arg15: memref<!tpu.dma_semaphore, #tpu.memory_space<semaphore_mem>>, %arg16: memref<!tpu.dma_semaphore, #tpu.memory_space<semaphore_mem>>) attributes {dimension_semantics = [#tpu.dimension_semantics<core_parallel>, #tpu.dimension_semantics<subcore_parallel>], iteration_bounds = array<i64: 2, 16>, scalar_prefetch = 0 : i64, scratch_operands = 11 : i64, tpu.core_type = #tpu.core_type<sc_vector_subcore>, window_params = [{transform_indices = #map}, {transform_indices = #map1}, {transform_indices = #map}, {transform_indices = #map1}]} {
    %eq3A = arith.constant 0 : i32
    %eq3A_0 = arith.cmpi eq, %arg0, %eq3A : i32
    %eq3A_1 = arith.constant 0 : i32
    %eq3A_2 = arith.cmpi eq, %arg1, %eq3A_1 : i32
    %convert_element_type3A = arith.extui %eq3A_2 : i1 to i32
    %mul3A = arith.constant 4 : i32
    %mul3A_3 = arith.muli %mul3A, %convert_element_type3A : i32
    %add3A = arith.constant 80 : i32
    %add3A_4 = arith.addi %add3A, %mul3A_3 : i32
    %jit3A = arith.constant 76 : i32
    %select_n3A = arith.select %eq3A_0, %add3A_4, %jit3A : i32
    %eq3A_5 = arith.constant 0 : i32
    %eq3A_6 = arith.cmpi eq, %arg1, %eq3A_5 : i32
    %mul3A_7 = arith.constant 80 : i32
    %mul3A_8 = arith.muli %arg1, %mul3A_7 : i32
    %add3A_9 = arith.constant 4 : i32
    %add3A_10 = arith.addi %add3A_9, %mul3A_8 : i32
    %jit3A_11 = arith.constant 0 : i32
    %select_n3A_12 = arith.select %eq3A_6, %jit3A_11, %add3A_10 : i32
    %mul3A_13 = arith.constant 76 : i32
    %mul3A_14 = arith.muli %arg1, %mul3A_13 : i32
    %add3A_15 = arith.constant 1284 : i32
    %add3A_16 = arith.addi %add3A_15, %mul3A_14 : i32
    %select_n3A_17 = arith.select %eq3A_0, %select_n3A_12, %add3A_16 : i32
    %min3A = arith.constant 2416 : i32
    %min3A_18 = arith.minsi %select_n3A_17, %min3A : i32
    %sub3A = arith.subi %select_n3A_17, %min3A_18 : i32
    %mul3A_19 = arith.constant 625 : i32
    %mul3A_20 = arith.muli %arg1, %mul3A_19 : i32
    %mul3A_21 = arith.constant 625 : i32
    %mul3A_22 = arith.muli %arg1, %mul3A_21 : i32
    "tpu.region"() ({
      %run_scoped3A_115 = tpu.sem_alloc : memref<!tpu.dma_semaphore, #tpu.memory_space<semaphore_mem>>
      %dma_start3A_116 = arith.constant 0 : i32
      %dma_start3A_117 = tpu.memref_slice %arg12[%mul3A_22, %dma_start3A_116] : memref<10000x32xf32, #tpu.memory_space<vmem_shared>> -> memref<625x32xf32, #tpu.memory_space<vmem_shared>>
      %dma_start3A_118 = arith.constant 0 : i32
      %dma_start3A_119 = tpu.memref_slice %arg4[%mul3A_20, %dma_start3A_118] : memref<10000x32xf32, #tpu.memory_space<hbm>> -> memref<625x32xf32, #tpu.memory_space<hbm>>
      tpu.enqueue_dma source(%dma_start3A_119 : memref<625x32xf32, #tpu.memory_space<hbm>>) target(%dma_start3A_117 : memref<625x32xf32, #tpu.memory_space<vmem_shared>>) target_semaphore(%run_scoped3A_115 : memref<!tpu.dma_semaphore, #tpu.memory_space<semaphore_mem>>)
      %dma_wait3A_120 = arith.constant 0 : i32
      %dma_wait3A_121 = tpu.memref_slice %arg12[%mul3A_22, %dma_wait3A_120] : memref<10000x32xf32, #tpu.memory_space<vmem_shared>> -> memref<625x32xf32, #tpu.memory_space<vmem_shared>>
      %dma_wait3A_122 = arith.constant 0 : i32
      %dma_wait3A_123 = tpu.memref_slice %arg4[%mul3A_20, %dma_wait3A_122] : memref<10000x32xf32, #tpu.memory_space<hbm>> -> memref<625x32xf32, #tpu.memory_space<hbm>>
      tpu.wait_dma2 semaphore(%run_scoped3A_115 : memref<!tpu.dma_semaphore, #tpu.memory_space<semaphore_mem>>) src(%dma_wait3A_123 : memref<625x32xf32, #tpu.memory_space<hbm>>) dst(%dma_wait3A_121 : memref<625x32xf32, #tpu.memory_space<vmem_shared>>)
      tpu.yield
    }) : () -> ()
    %run_scoped3A = arith.constant 0 : i32
    "tpu.region"() ({
      %run_scoped3A_115 = tpu.sem_alloc : memref<!tpu.dma_semaphore, #tpu.memory_space<semaphore_mem>>
      %dma_start3A_116 = arith.constant 0 : i32
      %dma_start3A_117 = arith.constant 0 : i32
      %dma_start3A_118 = tpu.memref_slice %arg3[%run_scoped3A, %dma_start3A_116, %dma_start3A_117] : memref<2x2500x128xi32, #tpu.memory_space<hbm>> -> memref<1x2500x128xi32, #tpu.memory_space<hbm>>
      %dma_start3A_119 = tpu.memref_squeeze %dma_start3A_118 : memref<1x2500x128xi32, #tpu.memory_space<hbm>> -> memref<2500x128xi32, #tpu.memory_space<hbm>>
      %dma_start3A_120 = arith.constant 0 : i32
      %dma_start3A_121 = tpu.memref_slice %dma_start3A_119[%min3A_18, %dma_start3A_120] : memref<2500x128xi32, #tpu.memory_space<hbm>> -> memref<84x128xi32, #tpu.memory_space<hbm>>
      %dma_start3A_122 = arith.constant 0 : i32
      %dma_start3A_123 = arith.constant 0 : i32
      %dma_start3A_124 = tpu.memref_slice %arg3[%run_scoped3A, %dma_start3A_122, %dma_start3A_123] : memref<2x2500x128xi32, #tpu.memory_space<hbm>> -> memref<1x2500x128xi32, #tpu.memory_space<hbm>>
      %dma_start3A_125 = tpu.memref_squeeze %dma_start3A_124 : memref<1x2500x128xi32, #tpu.memory_space<hbm>> -> memref<2500x128xi32, #tpu.memory_space<hbm>>
      %dma_start3A_126 = arith.constant 0 : i32
      %dma_start3A_127 = tpu.memref_slice %dma_start3A_125[%min3A_18, %dma_start3A_126] : memref<2500x128xi32, #tpu.memory_space<hbm>> -> memref<84x128xi32, #tpu.memory_space<hbm>>
      tpu.enqueue_dma source(%dma_start3A_127 : memref<84x128xi32, #tpu.memory_space<hbm>>) target(%arg6 : memref<84x128xi32, #tpu.memory_space<vmem>>) target_semaphore(%run_scoped3A_115 : memref<!tpu.dma_semaphore, #tpu.memory_space<semaphore_mem>>)
      %dma_wait3A_128 = arith.constant 0 : i32
      %dma_wait3A_129 = arith.constant 0 : i32
      %dma_wait3A_130 = tpu.memref_slice %arg3[%run_scoped3A, %dma_wait3A_128, %dma_wait3A_129] : memref<2x2500x128xi32, #tpu.memory_space<hbm>> -> memref<1x2500x128xi32, #tpu.memory_space<hbm>>
      %dma_wait3A_131 = tpu.memref_squeeze %dma_wait3A_130 : memref<1x2500x128xi32, #tpu.memory_space<hbm>> -> memref<2500x128xi32, #tpu.memory_space<hbm>>
      %dma_wait3A_132 = arith.constant 0 : i32
      %dma_wait3A_133 = tpu.memref_slice %dma_wait3A_131[%min3A_18, %dma_wait3A_132] : memref<2500x128xi32, #tpu.memory_space<hbm>> -> memref<84x128xi32, #tpu.memory_space<hbm>>
      %dma_wait3A_134 = arith.constant 0 : i32
      %dma_wait3A_135 = arith.constant 0 : i32
      %dma_wait3A_136 = tpu.memref_slice %arg3[%run_scoped3A, %dma_wait3A_134, %dma_wait3A_135] : memref<2x2500x128xi32, #tpu.memory_space<hbm>> -> memref<1x2500x128xi32, #tpu.memory_space<hbm>>
      %dma_wait3A_137 = tpu.memref_squeeze %dma_wait3A_136 : memref<1x2500x128xi32, #tpu.memory_space<hbm>> -> memref<2500x128xi32, #tpu.memory_space<hbm>>
      %dma_wait3A_138 = arith.constant 0 : i32
      %dma_wait3A_139 = tpu.memref_slice %dma_wait3A_137[%min3A_18, %dma_wait3A_138] : memref<2500x128xi32, #tpu.memory_space<hbm>> -> memref<84x128xi32, #tpu.memory_space<hbm>>
      tpu.wait_dma2 semaphore(%run_scoped3A_115 : memref<!tpu.dma_semaphore, #tpu.memory_space<semaphore_mem>>) src(%dma_wait3A_139 : memref<84x128xi32, #tpu.memory_space<hbm>>) dst(%arg6 : memref<84x128xi32, #tpu.memory_space<vmem>>)
      tpu.yield
    }) : () -> ()
    %run_scoped3A_23 = arith.constant 1 : i32
    "tpu.region"() ({
      %run_scoped3A_115 = tpu.sem_alloc : memref<!tpu.dma_semaphore, #tpu.memory_space<semaphore_mem>>
      %dma_start3A_116 = arith.constant 0 : i32
      %dma_start3A_117 = arith.constant 0 : i32
      %dma_start3A_118 = tpu.memref_slice %arg3[%run_scoped3A_23, %dma_start3A_116, %dma_start3A_117] : memref<2x2500x128xi32, #tpu.memory_space<hbm>> -> memref<1x2500x128xi32, #tpu.memory_space<hbm>>
      %dma_start3A_119 = tpu.memref_squeeze %dma_start3A_118 : memref<1x2500x128xi32, #tpu.memory_space<hbm>> -> memref<2500x128xi32, #tpu.memory_space<hbm>>
      %dma_start3A_120 = arith.constant 0 : i32
      %dma_start3A_121 = tpu.memref_slice %dma_start3A_119[%min3A_18, %dma_start3A_120] : memref<2500x128xi32, #tpu.memory_space<hbm>> -> memref<84x128xi32, #tpu.memory_space<hbm>>
      %dma_start3A_122 = arith.constant 0 : i32
      %dma_start3A_123 = arith.constant 0 : i32
      %dma_start3A_124 = tpu.memref_slice %arg3[%run_scoped3A_23, %dma_start3A_122, %dma_start3A_123] : memref<2x2500x128xi32, #tpu.memory_space<hbm>> -> memref<1x2500x128xi32, #tpu.memory_space<hbm>>
      %dma_start3A_125 = tpu.memref_squeeze %dma_start3A_124 : memref<1x2500x128xi32, #tpu.memory_space<hbm>> -> memref<2500x128xi32, #tpu.memory_space<hbm>>
      %dma_start3A_126 = arith.constant 0 : i32
      %dma_start3A_127 = tpu.memref_slice %dma_start3A_125[%min3A_18, %dma_start3A_126] : memref<2500x128xi32, #tpu.memory_space<hbm>> -> memref<84x128xi32, #tpu.memory_space<hbm>>
      tpu.enqueue_dma source(%dma_start3A_127 : memref<84x128xi32, #tpu.memory_space<hbm>>) target(%arg7 : memref<84x128xi32, #tpu.memory_space<vmem>>) target_semaphore(%run_scoped3A_115 : memref<!tpu.dma_semaphore, #tpu.memory_space<semaphore_mem>>)
      %dma_wait3A_128 = arith.constant 0 : i32
      %dma_wait3A_129 = arith.constant 0 : i32
      %dma_wait3A_130 = tpu.memref_slice %arg3[%run_scoped3A_23, %dma_wait3A_128, %dma_wait3A_129] : memref<2x2500x128xi32, #tpu.memory_space<hbm>> -> memref<1x2500x128xi32, #tpu.memory_space<hbm>>
      %dma_wait3A_131 = tpu.memref_squeeze %dma_wait3A_130 : memref<1x2500x128xi32, #tpu.memory_space<hbm>> -> memref<2500x128xi32, #tpu.memory_space<hbm>>
      %dma_wait3A_132 = arith.constant 0 : i32
      %dma_wait3A_133 = tpu.memref_slice %dma_wait3A_131[%min3A_18, %dma_wait3A_132] : memref<2500x128xi32, #tpu.memory_space<hbm>> -> memref<84x128xi32, #tpu.memory_space<hbm>>
      %dma_wait3A_134 = arith.constant 0 : i32
      %dma_wait3A_135 = arith.constant 0 : i32
      %dma_wait3A_136 = tpu.memref_slice %arg3[%run_scoped3A_23, %dma_wait3A_134, %dma_wait3A_135] : memref<2x2500x128xi32, #tpu.memory_space<hbm>> -> memref<1x2500x128xi32, #tpu.memory_space<hbm>>
      %dma_wait3A_137 = tpu.memref_squeeze %dma_wait3A_136 : memref<1x2500x128xi32, #tpu.memory_space<hbm>> -> memref<2500x128xi32, #tpu.memory_space<hbm>>
      %dma_wait3A_138 = arith.constant 0 : i32
      %dma_wait3A_139 = tpu.memref_slice %dma_wait3A_137[%min3A_18, %dma_wait3A_138] : memref<2500x128xi32, #tpu.memory_space<hbm>> -> memref<84x128xi32, #tpu.memory_space<hbm>>
      tpu.wait_dma2 semaphore(%run_scoped3A_115 : memref<!tpu.dma_semaphore, #tpu.memory_space<semaphore_mem>>) src(%dma_wait3A_139 : memref<84x128xi32, #tpu.memory_space<hbm>>) dst(%arg7 : memref<84x128xi32, #tpu.memory_space<vmem>>)
      tpu.yield
    }) : () -> ()
    %barrier3A = arith.constant 0 : index
    tpu.barrier barrier_id(%barrier3A)
    %add3A_24 = arith.constant 0 : i32
    %add3A_25 = arith.addi %sub3A, %add3A_24 : i32
    %dma_start3A = arith.constant 0 : i32
    %dma_start3A_26 = tpu.memref_slice %arg6[%add3A_25, %dma_start3A] : memref<84x128xi32, #tpu.memory_space<vmem>> -> memref<1x128xi32, #tpu.memory_space<vmem>>
    %dma_start3A_27 = tpu.memref_squeeze %dma_start3A_26 : memref<1x128xi32, #tpu.memory_space<vmem>> -> memref<128xi32, #tpu.memory_space<vmem>>
    %dma_start3A_28 = arith.constant 0 : i32
    %dma_start3A_29 = arith.constant 0 : i32
    %dma_start3A_30 = tpu.memref_slice %arg2[%dma_start3A_28, %dma_start3A_29] : memref<10000x32xf32, #tpu.memory_space<hbm>> -> memref<10000x32xf32, #tpu.memory_space<hbm>>
    tpu.enqueue_indirect_dma source(%dma_start3A_30 : memref<10000x32xf32, #tpu.memory_space<hbm>>) target(%arg8 : memref<128x32xf32, #tpu.memory_space<vmem>>) offsets(%dma_start3A_27 : memref<128xi32, #tpu.memory_space<vmem>>) semaphore(%arg13 : memref<!tpu.dma_semaphore, #tpu.memory_space<semaphore_mem>>)
    %add3A_31 = arith.constant 1 : i32
    %add3A_32 = arith.addi %sub3A, %add3A_31 : i32
    %dma_start3A_33 = arith.constant 0 : i32
    %dma_start3A_34 = tpu.memref_slice %arg6[%add3A_32, %dma_start3A_33] : memref<84x128xi32, #tpu.memory_space<vmem>> -> memref<1x128xi32, #tpu.memory_space<vmem>>
    %dma_start3A_35 = tpu.memref_squeeze %dma_start3A_34 : memref<1x128xi32, #tpu.memory_space<vmem>> -> memref<128xi32, #tpu.memory_space<vmem>>
    %dma_start3A_36 = arith.constant 0 : i32
    %dma_start3A_37 = arith.constant 0 : i32
    %dma_start3A_38 = tpu.memref_slice %arg2[%dma_start3A_36, %dma_start3A_37] : memref<10000x32xf32, #tpu.memory_space<hbm>> -> memref<10000x32xf32, #tpu.memory_space<hbm>>
    tpu.enqueue_indirect_dma source(%dma_start3A_38 : memref<10000x32xf32, #tpu.memory_space<hbm>>) target(%arg9 : memref<128x32xf32, #tpu.memory_space<vmem>>) offsets(%dma_start3A_35 : memref<128xi32, #tpu.memory_space<vmem>>) semaphore(%arg14 : memref<!tpu.dma_semaphore, #tpu.memory_space<semaphore_mem>>)
    %add3A_39 = arith.constant 2 : i32
    %add3A_40 = arith.addi %sub3A, %add3A_39 : i32
    %dma_start3A_41 = arith.constant 0 : i32
    %dma_start3A_42 = tpu.memref_slice %arg6[%add3A_40, %dma_start3A_41] : memref<84x128xi32, #tpu.memory_space<vmem>> -> memref<1x128xi32, #tpu.memory_space<vmem>>
    %dma_start3A_43 = tpu.memref_squeeze %dma_start3A_42 : memref<1x128xi32, #tpu.memory_space<vmem>> -> memref<128xi32, #tpu.memory_space<vmem>>
    %dma_start3A_44 = arith.constant 0 : i32
    %dma_start3A_45 = arith.constant 0 : i32
    %dma_start3A_46 = tpu.memref_slice %arg2[%dma_start3A_44, %dma_start3A_45] : memref<10000x32xf32, #tpu.memory_space<hbm>> -> memref<10000x32xf32, #tpu.memory_space<hbm>>
    tpu.enqueue_indirect_dma source(%dma_start3A_46 : memref<10000x32xf32, #tpu.memory_space<hbm>>) target(%arg10 : memref<128x32xf32, #tpu.memory_space<vmem>>) offsets(%dma_start3A_43 : memref<128xi32, #tpu.memory_space<vmem>>) semaphore(%arg15 : memref<!tpu.dma_semaphore, #tpu.memory_space<semaphore_mem>>)
    %add3A_47 = arith.constant 3 : i32
    %add3A_48 = arith.addi %sub3A, %add3A_47 : i32
    %dma_start3A_49 = arith.constant 0 : i32
    %dma_start3A_50 = tpu.memref_slice %arg6[%add3A_48, %dma_start3A_49] : memref<84x128xi32, #tpu.memory_space<vmem>> -> memref<1x128xi32, #tpu.memory_space<vmem>>
    %dma_start3A_51 = tpu.memref_squeeze %dma_start3A_50 : memref<1x128xi32, #tpu.memory_space<vmem>> -> memref<128xi32, #tpu.memory_space<vmem>>
    %dma_start3A_52 = arith.constant 0 : i32
    %dma_start3A_53 = arith.constant 0 : i32
    %dma_start3A_54 = tpu.memref_slice %arg2[%dma_start3A_52, %dma_start3A_53] : memref<10000x32xf32, #tpu.memory_space<hbm>> -> memref<10000x32xf32, #tpu.memory_space<hbm>>
    tpu.enqueue_indirect_dma source(%dma_start3A_54 : memref<10000x32xf32, #tpu.memory_space<hbm>>) target(%arg11 : memref<128x32xf32, #tpu.memory_space<vmem>>) offsets(%dma_start3A_51 : memref<128xi32, #tpu.memory_space<vmem>>) semaphore(%arg16 : memref<!tpu.dma_semaphore, #tpu.memory_space<semaphore_mem>>)
    %jit3A_55 = arith.constant 4 : i32
    %div3A = arith.divsi %select_n3A, %jit3A_55 : i32
    %sign3A = arith.constant 0 : i32
    %sign3A_56 = arith.cmpi sgt, %select_n3A, %sign3A : i32
    %sign3A_57 = arith.extui %sign3A_56 : i1 to i32
    %sign3A_58 = arith.constant 0 : i32
    %sign3A_59 = arith.cmpi slt, %select_n3A, %sign3A_58 : i32
    %sign3A_60 = arith.extui %sign3A_59 : i1 to i32
    %sign3A_61 = arith.subi %sign3A_57, %sign3A_60 : i32
    %sign3A_62 = arith.constant 0 : i32
    %sign3A_63 = arith.cmpi sgt, %jit3A_55, %sign3A_62 : i32
    %sign3A_64 = arith.extui %sign3A_63 : i1 to i32
    %sign3A_65 = arith.constant 0 : i32
    %sign3A_66 = arith.cmpi slt, %jit3A_55, %sign3A_65 : i32
    %sign3A_67 = arith.extui %sign3A_66 : i1 to i32
    %sign3A_68 = arith.subi %sign3A_64, %sign3A_67 : i32
    %ne3A = arith.cmpi ne, %sign3A_61, %sign3A_68 : i32
    %rem3A = arith.remsi %select_n3A, %jit3A_55 : i32
    %ne3A_69 = arith.constant 0 : i32
    %ne3A_70 = arith.cmpi ne, %rem3A, %ne3A_69 : i32
    %and3A = arith.andi %ne3A, %ne3A_70 : i1
    %sub3A_71 = arith.constant 1 : i32
    %sub3A_72 = arith.subi %div3A, %sub3A_71 : i32
    %select_n3A_73 = arith.select %and3A, %sub3A_72, %div3A : i32
    %while3A = arith.constant 0 : i32
    %while3A_74 = arith.constant 0 : i32
    %while3A_75 = arith.subi %select_n3A_73, %while3A_74 : i32
    %while3A_76 = arith.addi %while3A_74, %while3A_75 : i32
    %while3A_77 = arith.constant 1 : i32
    %while3A_78 = arith.divsi %while3A_75, %while3A_77 : i32
    %while3A_79 = arith.muli %while3A_78, %while3A_77 : i32
    %while3A_80 = arith.addi %while3A_74, %while3A_79 : i32
    %while3A_81 = arith.constant 1 : i32
    scf.for %while3A_115 = %while3A_74 to %while3A_80 step %while3A_81  : i32 {
      %mul3A_116 = arith.constant 4 : i32
      %mul3A_117 = arith.muli %mul3A_116, %while3A_115 : i32
      %add3A_118 = arith.addi %sub3A, %mul3A_117 : i32
      %add3A_119 = arith.constant 0 : i32
      %add3A_120 = arith.addi %add3A_118, %add3A_119 : i32
      %dma_wait3A_121 = arith.constant 0 : i32
      %dma_wait3A_122 = tpu.memref_slice %arg6[%add3A_120, %dma_wait3A_121] : memref<84x128xi32, #tpu.memory_space<vmem>> -> memref<1x128xi32, #tpu.memory_space<vmem>>
      %dma_wait3A_123 = tpu.memref_squeeze %dma_wait3A_122 : memref<1x128xi32, #tpu.memory_space<vmem>> -> memref<128xi32, #tpu.memory_space<vmem>>
      %dma_wait3A_124 = arith.constant 0 : i32
      %dma_wait3A_125 = arith.constant 0 : i32
      %dma_wait3A_126 = tpu.memref_slice %arg2[%dma_wait3A_124, %dma_wait3A_125] : memref<10000x32xf32, #tpu.memory_space<hbm>> -> memref<10000x32xf32, #tpu.memory_space<hbm>>
      tpu.wait_indirect_dma semaphore(%arg13 : memref<!tpu.dma_semaphore, #tpu.memory_space<semaphore_mem>>) src(%dma_wait3A_126 : memref<10000x32xf32, #tpu.memory_space<hbm>>) dst(%arg8 : memref<128x32xf32, #tpu.memory_space<vmem>>)
      "tpu.region"() ({
        %run_scoped3A_199 = tpu.sem_alloc : memref<!tpu.dma_semaphore, #tpu.memory_space<semaphore_mem>>
        %dma_start3A_200 = arith.constant 0 : i32
        %dma_start3A_201 = tpu.memref_slice %arg7[%add3A_120, %dma_start3A_200] : memref<84x128xi32, #tpu.memory_space<vmem>> -> memref<1x128xi32, #tpu.memory_space<vmem>>
        %dma_start3A_202 = tpu.memref_squeeze %dma_start3A_201 : memref<1x128xi32, #tpu.memory_space<vmem>> -> memref<128xi32, #tpu.memory_space<vmem>>
        %dma_start3A_203 = arith.constant 0 : i32
        %dma_start3A_204 = arith.constant 0 : i32
        %dma_start3A_205 = tpu.memref_slice %arg12[%dma_start3A_203, %dma_start3A_204] : memref<10000x32xf32, #tpu.memory_space<vmem_shared>> -> memref<10000x32xf32, #tpu.memory_space<vmem_shared>>
        tpu.enqueue_indirect_dma source(%arg8 : memref<128x32xf32, #tpu.memory_space<vmem>>) target(%dma_start3A_205 : memref<10000x32xf32, #tpu.memory_space<vmem_shared>>) offsets(%dma_start3A_202 : memref<128xi32, #tpu.memory_space<vmem>>) semaphore(%run_scoped3A_199 : memref<!tpu.dma_semaphore, #tpu.memory_space<semaphore_mem>>) {add = true}
        %dma_wait3A_206 = arith.constant 0 : i32
        %dma_wait3A_207 = tpu.memref_slice %arg7[%add3A_120, %dma_wait3A_206] : memref<84x128xi32, #tpu.memory_space<vmem>> -> memref<1x128xi32, #tpu.memory_space<vmem>>
        %dma_wait3A_208 = tpu.memref_squeeze %dma_wait3A_207 : memref<1x128xi32, #tpu.memory_space<vmem>> -> memref<128xi32, #tpu.memory_space<vmem>>
        %dma_wait3A_209 = arith.constant 0 : i32
        %dma_wait3A_210 = arith.constant 0 : i32
        %dma_wait3A_211 = tpu.memref_slice %arg12[%dma_wait3A_209, %dma_wait3A_210] : memref<10000x32xf32, #tpu.memory_space<vmem_shared>> -> memref<10000x32xf32, #tpu.memory_space<vmem_shared>>
        tpu.wait_indirect_dma semaphore(%run_scoped3A_199 : memref<!tpu.dma_semaphore, #tpu.memory_space<semaphore_mem>>) src(%arg8 : memref<128x32xf32, #tpu.memory_space<vmem>>) dst(%dma_wait3A_211 : memref<10000x32xf32, #tpu.memory_space<vmem_shared>>)
        tpu.yield
      }) : () -> ()
      %add3A_127 = arith.constant 4 : i32
      %add3A_128 = arith.addi %add3A_120, %add3A_127 : i32
      %add3A_129 = arith.addi %sub3A, %select_n3A : i32
      %sub3A_130 = arith.constant 1 : i32
      %sub3A_131 = arith.subi %add3A_129, %sub3A_130 : i32
      %min3A_132 = arith.minsi %add3A_128, %sub3A_131 : i32
      %dma_start3A_133 = arith.constant 0 : i32
      %dma_start3A_134 = tpu.memref_slice %arg6[%min3A_132, %dma_start3A_133] : memref<84x128xi32, #tpu.memory_space<vmem>> -> memref<1x128xi32, #tpu.memory_space<vmem>>
      %dma_start3A_135 = tpu.memref_squeeze %dma_start3A_134 : memref<1x128xi32, #tpu.memory_space<vmem>> -> memref<128xi32, #tpu.memory_space<vmem>>
      %dma_start3A_136 = arith.constant 0 : i32
      %dma_start3A_137 = arith.constant 0 : i32
      %dma_start3A_138 = tpu.memref_slice %arg2[%dma_start3A_136, %dma_start3A_137] : memref<10000x32xf32, #tpu.memory_space<hbm>> -> memref<10000x32xf32, #tpu.memory_space<hbm>>
      tpu.enqueue_indirect_dma source(%dma_start3A_138 : memref<10000x32xf32, #tpu.memory_space<hbm>>) target(%arg8 : memref<128x32xf32, #tpu.memory_space<vmem>>) offsets(%dma_start3A_135 : memref<128xi32, #tpu.memory_space<vmem>>) semaphore(%arg13 : memref<!tpu.dma_semaphore, #tpu.memory_space<semaphore_mem>>)
      %add3A_139 = arith.constant 1 : i32
      %add3A_140 = arith.addi %add3A_118, %add3A_139 : i32
      %dma_wait3A_141 = arith.constant 0 : i32
      %dma_wait3A_142 = tpu.memref_slice %arg6[%add3A_140, %dma_wait3A_141] : memref<84x128xi32, #tpu.memory_space<vmem>> -> memref<1x128xi32, #tpu.memory_space<vmem>>
      %dma_wait3A_143 = tpu.memref_squeeze %dma_wait3A_142 : memref<1x128xi32, #tpu.memory_space<vmem>> -> memref<128xi32, #tpu.memory_space<vmem>>
      %dma_wait3A_144 = arith.constant 0 : i32
      %dma_wait3A_145 = arith.constant 0 : i32
      %dma_wait3A_146 = tpu.memref_slice %arg2[%dma_wait3A_144, %dma_wait3A_145] : memref<10000x32xf32, #tpu.memory_space<hbm>> -> memref<10000x32xf32, #tpu.memory_space<hbm>>
      tpu.wait_indirect_dma semaphore(%arg14 : memref<!tpu.dma_semaphore, #tpu.memory_space<semaphore_mem>>) src(%dma_wait3A_146 : memref<10000x32xf32, #tpu.memory_space<hbm>>) dst(%arg9 : memref<128x32xf32, #tpu.memory_space<vmem>>)
      "tpu.region"() ({
        %run_scoped3A_199 = tpu.sem_alloc : memref<!tpu.dma_semaphore, #tpu.memory_space<semaphore_mem>>
        %dma_start3A_200 = arith.constant 0 : i32
        %dma_start3A_201 = tpu.memref_slice %arg7[%add3A_140, %dma_start3A_200] : memref<84x128xi32, #tpu.memory_space<vmem>> -> memref<1x128xi32, #tpu.memory_space<vmem>>
        %dma_start3A_202 = tpu.memref_squeeze %dma_start3A_201 : memref<1x128xi32, #tpu.memory_space<vmem>> -> memref<128xi32, #tpu.memory_space<vmem>>
        %dma_start3A_203 = arith.constant 0 : i32
        %dma_start3A_204 = arith.constant 0 : i32
        %dma_start3A_205 = tpu.memref_slice %arg12[%dma_start3A_203, %dma_start3A_204] : memref<10000x32xf32, #tpu.memory_space<vmem_shared>> -> memref<10000x32xf32, #tpu.memory_space<vmem_shared>>
        tpu.enqueue_indirect_dma source(%arg9 : memref<128x32xf32, #tpu.memory_space<vmem>>) target(%dma_start3A_205 : memref<10000x32xf32, #tpu.memory_space<vmem_shared>>) offsets(%dma_start3A_202 : memref<128xi32, #tpu.memory_space<vmem>>) semaphore(%run_scoped3A_199 : memref<!tpu.dma_semaphore, #tpu.memory_space<semaphore_mem>>) {add = true}
        %dma_wait3A_206 = arith.constant 0 : i32
        %dma_wait3A_207 = tpu.memref_slice %arg7[%add3A_140, %dma_wait3A_206] : memref<84x128xi32, #tpu.memory_space<vmem>> -> memref<1x128xi32, #tpu.memory_space<vmem>>
        %dma_wait3A_208 = tpu.memref_squeeze %dma_wait3A_207 : memref<1x128xi32, #tpu.memory_space<vmem>> -> memref<128xi32, #tpu.memory_space<vmem>>
        %dma_wait3A_209 = arith.constant 0 : i32
        %dma_wait3A_210 = arith.constant 0 : i32
        %dma_wait3A_211 = tpu.memref_slice %arg12[%dma_wait3A_209, %dma_wait3A_210] : memref<10000x32xf32, #tpu.memory_space<vmem_shared>> -> memref<10000x32xf32, #tpu.memory_space<vmem_shared>>
        tpu.wait_indirect_dma semaphore(%run_scoped3A_199 : memref<!tpu.dma_semaphore, #tpu.memory_space<semaphore_mem>>) src(%arg9 : memref<128x32xf32, #tpu.memory_space<vmem>>) dst(%dma_wait3A_211 : memref<10000x32xf32, #tpu.memory_space<vmem_shared>>)
        tpu.yield
      }) : () -> ()
      %add3A_147 = arith.constant 4 : i32
      %add3A_148 = arith.addi %add3A_140, %add3A_147 : i32
      %add3A_149 = arith.addi %sub3A, %select_n3A : i32
      %sub3A_150 = arith.constant 1 : i32
      %sub3A_151 = arith.subi %add3A_149, %sub3A_150 : i32
      %min3A_152 = arith.minsi %add3A_148, %sub3A_151 : i32
      %dma_start3A_153 = arith.constant 0 : i32
      %dma_start3A_154 = tpu.memref_slice %arg6[%min3A_152, %dma_start3A_153] : memref<84x128xi32, #tpu.memory_space<vmem>> -> memref<1x128xi32, #tpu.memory_space<vmem>>
      %dma_start3A_155 = tpu.memref_squeeze %dma_start3A_154 : memref<1x128xi32, #tpu.memory_space<vmem>> -> memref<128xi32, #tpu.memory_space<vmem>>
      %dma_start3A_156 = arith.constant 0 : i32
      %dma_start3A_157 = arith.constant 0 : i32
      %dma_start3A_158 = tpu.memref_slice %arg2[%dma_start3A_156, %dma_start3A_157] : memref<10000x32xf32, #tpu.memory_space<hbm>> -> memref<10000x32xf32, #tpu.memory_space<hbm>>
      tpu.enqueue_indirect_dma source(%dma_start3A_158 : memref<10000x32xf32, #tpu.memory_space<hbm>>) target(%arg9 : memref<128x32xf32, #tpu.memory_space<vmem>>) offsets(%dma_start3A_155 : memref<128xi32, #tpu.memory_space<vmem>>) semaphore(%arg14 : memref<!tpu.dma_semaphore, #tpu.memory_space<semaphore_mem>>)
      %add3A_159 = arith.constant 2 : i32
      %add3A_160 = arith.addi %add3A_118, %add3A_159 : i32
      %dma_wait3A_161 = arith.constant 0 : i32
      %dma_wait3A_162 = tpu.memref_slice %arg6[%add3A_160, %dma_wait3A_161] : memref<84x128xi32, #tpu.memory_space<vmem>> -> memref<1x128xi32, #tpu.memory_space<vmem>>
      %dma_wait3A_163 = tpu.memref_squeeze %dma_wait3A_162 : memref<1x128xi32, #tpu.memory_space<vmem>> -> memref<128xi32, #tpu.memory_space<vmem>>
      %dma_wait3A_164 = arith.constant 0 : i32
      %dma_wait3A_165 = arith.constant 0 : i32
      %dma_wait3A_166 = tpu.memref_slice %arg2[%dma_wait3A_164, %dma_wait3A_165] : memref<10000x32xf32, #tpu.memory_space<hbm>> -> memref<10000x32xf32, #tpu.memory_space<hbm>>
      tpu.wait_indirect_dma semaphore(%arg15 : memref<!tpu.dma_semaphore, #tpu.memory_space<semaphore_mem>>) src(%dma_wait3A_166 : memref<10000x32xf32, #tpu.memory_space<hbm>>) dst(%arg10 : memref<128x32xf32, #tpu.memory_space<vmem>>)
      "tpu.region"() ({
        %run_scoped3A_199 = tpu.sem_alloc : memref<!tpu.dma_semaphore, #tpu.memory_space<semaphore_mem>>
        %dma_start3A_200 = arith.constant 0 : i32
        %dma_start3A_201 = tpu.memref_slice %arg7[%add3A_160, %dma_start3A_200] : memref<84x128xi32, #tpu.memory_space<vmem>> -> memref<1x128xi32, #tpu.memory_space<vmem>>
        %dma_start3A_202 = tpu.memref_squeeze %dma_start3A_201 : memref<1x128xi32, #tpu.memory_space<vmem>> -> memref<128xi32, #tpu.memory_space<vmem>>
        %dma_start3A_203 = arith.constant 0 : i32
        %dma_start3A_204 = arith.constant 0 : i32
        %dma_start3A_205 = tpu.memref_slice %arg12[%dma_start3A_203, %dma_start3A_204] : memref<10000x32xf32, #tpu.memory_space<vmem_shared>> -> memref<10000x32xf32, #tpu.memory_space<vmem_shared>>
        tpu.enqueue_indirect_dma source(%arg10 : memref<128x32xf32, #tpu.memory_space<vmem>>) target(%dma_start3A_205 : memref<10000x32xf32, #tpu.memory_space<vmem_shared>>) offsets(%dma_start3A_202 : memref<128xi32, #tpu.memory_space<vmem>>) semaphore(%run_scoped3A_199 : memref<!tpu.dma_semaphore, #tpu.memory_space<semaphore_mem>>) {add = true}
        %dma_wait3A_206 = arith.constant 0 : i32
        %dma_wait3A_207 = tpu.memref_slice %arg7[%add3A_160, %dma_wait3A_206] : memref<84x128xi32, #tpu.memory_space<vmem>> -> memref<1x128xi32, #tpu.memory_space<vmem>>
        %dma_wait3A_208 = tpu.memref_squeeze %dma_wait3A_207 : memref<1x128xi32, #tpu.memory_space<vmem>> -> memref<128xi32, #tpu.memory_space<vmem>>
        %dma_wait3A_209 = arith.constant 0 : i32
        %dma_wait3A_210 = arith.constant 0 : i32
        %dma_wait3A_211 = tpu.memref_slice %arg12[%dma_wait3A_209, %dma_wait3A_210] : memref<10000x32xf32, #tpu.memory_space<vmem_shared>> -> memref<10000x32xf32, #tpu.memory_space<vmem_shared>>
        tpu.wait_indirect_dma semaphore(%run_scoped3A_199 : memref<!tpu.dma_semaphore, #tpu.memory_space<semaphore_mem>>) src(%arg10 : memref<128x32xf32, #tpu.memory_space<vmem>>) dst(%dma_wait3A_211 : memref<10000x32xf32, #tpu.memory_space<vmem_shared>>)
        tpu.yield
      }) : () -> ()
      %add3A_167 = arith.constant 4 : i32
      %add3A_168 = arith.addi %add3A_160, %add3A_167 : i32
      %add3A_169 = arith.addi %sub3A, %select_n3A : i32
      %sub3A_170 = arith.constant 1 : i32
      %sub3A_171 = arith.subi %add3A_169, %sub3A_170 : i32
      %min3A_172 = arith.minsi %add3A_168, %sub3A_171 : i32
      %dma_start3A_173 = arith.constant 0 : i32
      %dma_start3A_174 = tpu.memref_slice %arg6[%min3A_172, %dma_start3A_173] : memref<84x128xi32, #tpu.memory_space<vmem>> -> memref<1x128xi32, #tpu.memory_space<vmem>>
      %dma_start3A_175 = tpu.memref_squeeze %dma_start3A_174 : memref<1x128xi32, #tpu.memory_space<vmem>> -> memref<128xi32, #tpu.memory_space<vmem>>
      %dma_start3A_176 = arith.constant 0 : i32
      %dma_start3A_177 = arith.constant 0 : i32
      %dma_start3A_178 = tpu.memref_slice %arg2[%dma_start3A_176, %dma_start3A_177] : memref<10000x32xf32, #tpu.memory_space<hbm>> -> memref<10000x32xf32, #tpu.memory_space<hbm>>
      tpu.enqueue_indirect_dma source(%dma_start3A_178 : memref<10000x32xf32, #tpu.memory_space<hbm>>) target(%arg10 : memref<128x32xf32, #tpu.memory_space<vmem>>) offsets(%dma_start3A_175 : memref<128xi32, #tpu.memory_space<vmem>>) semaphore(%arg15 : memref<!tpu.dma_semaphore, #tpu.memory_space<semaphore_mem>>)
      %add3A_179 = arith.constant 3 : i32
      %add3A_180 = arith.addi %add3A_118, %add3A_179 : i32
      %dma_wait3A_181 = arith.constant 0 : i32
      %dma_wait3A_182 = tpu.memref_slice %arg6[%add3A_180, %dma_wait3A_181] : memref<84x128xi32, #tpu.memory_space<vmem>> -> memref<1x128xi32, #tpu.memory_space<vmem>>
      %dma_wait3A_183 = tpu.memref_squeeze %dma_wait3A_182 : memref<1x128xi32, #tpu.memory_space<vmem>> -> memref<128xi32, #tpu.memory_space<vmem>>
      %dma_wait3A_184 = arith.constant 0 : i32
      %dma_wait3A_185 = arith.constant 0 : i32
      %dma_wait3A_186 = tpu.memref_slice %arg2[%dma_wait3A_184, %dma_wait3A_185] : memref<10000x32xf32, #tpu.memory_space<hbm>> -> memref<10000x32xf32, #tpu.memory_space<hbm>>
      tpu.wait_indirect_dma semaphore(%arg16 : memref<!tpu.dma_semaphore, #tpu.memory_space<semaphore_mem>>) src(%dma_wait3A_186 : memref<10000x32xf32, #tpu.memory_space<hbm>>) dst(%arg11 : memref<128x32xf32, #tpu.memory_space<vmem>>)
      "tpu.region"() ({
        %run_scoped3A_199 = tpu.sem_alloc : memref<!tpu.dma_semaphore, #tpu.memory_space<semaphore_mem>>
        %dma_start3A_200 = arith.constant 0 : i32
        %dma_start3A_201 = tpu.memref_slice %arg7[%add3A_180, %dma_start3A_200] : memref<84x128xi32, #tpu.memory_space<vmem>> -> memref<1x128xi32, #tpu.memory_space<vmem>>
        %dma_start3A_202 = tpu.memref_squeeze %dma_start3A_201 : memref<1x128xi32, #tpu.memory_space<vmem>> -> memref<128xi32, #tpu.memory_space<vmem>>
        %dma_start3A_203 = arith.constant 0 : i32
        %dma_start3A_204 = arith.constant 0 : i32
        %dma_start3A_205 = tpu.memref_slice %arg12[%dma_start3A_203, %dma_start3A_204] : memref<10000x32xf32, #tpu.memory_space<vmem_shared>> -> memref<10000x32xf32, #tpu.memory_space<vmem_shared>>
        tpu.enqueue_indirect_dma source(%arg11 : memref<128x32xf32, #tpu.memory_space<vmem>>) target(%dma_start3A_205 : memref<10000x32xf32, #tpu.memory_space<vmem_shared>>) offsets(%dma_start3A_202 : memref<128xi32, #tpu.memory_space<vmem>>) semaphore(%run_scoped3A_199 : memref<!tpu.dma_semaphore, #tpu.memory_space<semaphore_mem>>) {add = true}
        %dma_wait3A_206 = arith.constant 0 : i32
        %dma_wait3A_207 = tpu.memref_slice %arg7[%add3A_180, %dma_wait3A_206] : memref<84x128xi32, #tpu.memory_space<vmem>> -> memref<1x128xi32, #tpu.memory_space<vmem>>
        %dma_wait3A_208 = tpu.memref_squeeze %dma_wait3A_207 : memref<1x128xi32, #tpu.memory_space<vmem>> -> memref<128xi32, #tpu.memory_space<vmem>>
        %dma_wait3A_209 = arith.constant 0 : i32
        %dma_wait3A_210 = arith.constant 0 : i32
        %dma_wait3A_211 = tpu.memref_slice %arg12[%dma_wait3A_209, %dma_wait3A_210] : memref<10000x32xf32, #tpu.memory_space<vmem_shared>> -> memref<10000x32xf32, #tpu.memory_space<vmem_shared>>
        tpu.wait_indirect_dma semaphore(%run_scoped3A_199 : memref<!tpu.dma_semaphore, #tpu.memory_space<semaphore_mem>>) src(%arg11 : memref<128x32xf32, #tpu.memory_space<vmem>>) dst(%dma_wait3A_211 : memref<10000x32xf32, #tpu.memory_space<vmem_shared>>)
        tpu.yield
      }) : () -> ()
      %add3A_187 = arith.constant 4 : i32
      %add3A_188 = arith.addi %add3A_180, %add3A_187 : i32
      %add3A_189 = arith.addi %sub3A, %select_n3A : i32
      %sub3A_190 = arith.constant 1 : i32
      %sub3A_191 = arith.subi %add3A_189, %sub3A_190 : i32
      %min3A_192 = arith.minsi %add3A_188, %sub3A_191 : i32
      %dma_start3A_193 = arith.constant 0 : i32
      %dma_start3A_194 = tpu.memref_slice %arg6[%min3A_192, %dma_start3A_193] : memref<84x128xi32, #tpu.memory_space<vmem>> -> memref<1x128xi32, #tpu.memory_space<vmem>>
      %dma_start3A_195 = tpu.memref_squeeze %dma_start3A_194 : memref<1x128xi32, #tpu.memory_space<vmem>> -> memref<128xi32, #tpu.memory_space<vmem>>
      %dma_start3A_196 = arith.constant 0 : i32
      %dma_start3A_197 = arith.constant 0 : i32
      %dma_start3A_198 = tpu.memref_slice %arg2[%dma_start3A_196, %dma_start3A_197] : memref<10000x32xf32, #tpu.memory_space<hbm>> -> memref<10000x32xf32, #tpu.memory_space<hbm>>
      tpu.enqueue_indirect_dma source(%dma_start3A_198 : memref<10000x32xf32, #tpu.memory_space<hbm>>) target(%arg11 : memref<128x32xf32, #tpu.memory_space<vmem>>) offsets(%dma_start3A_195 : memref<128xi32, #tpu.memory_space<vmem>>) semaphore(%arg16 : memref<!tpu.dma_semaphore, #tpu.memory_space<semaphore_mem>>)
    }
    %while3A_82 = arith.constant 1 : i32
    scf.for %while3A_115 = %while3A_80 to %while3A_76 step %while3A_82  : i32 {
      %mul3A_116 = arith.constant 4 : i32
      %mul3A_117 = arith.muli %mul3A_116, %while3A_115 : i32
      %add3A_118 = arith.addi %sub3A, %mul3A_117 : i32
      %add3A_119 = arith.constant 0 : i32
      %add3A_120 = arith.addi %add3A_118, %add3A_119 : i32
      %dma_wait3A_121 = arith.constant 0 : i32
      %dma_wait3A_122 = tpu.memref_slice %arg6[%add3A_120, %dma_wait3A_121] : memref<84x128xi32, #tpu.memory_space<vmem>> -> memref<1x128xi32, #tpu.memory_space<vmem>>
      %dma_wait3A_123 = tpu.memref_squeeze %dma_wait3A_122 : memref<1x128xi32, #tpu.memory_space<vmem>> -> memref<128xi32, #tpu.memory_space<vmem>>
      %dma_wait3A_124 = arith.constant 0 : i32
      %dma_wait3A_125 = arith.constant 0 : i32
      %dma_wait3A_126 = tpu.memref_slice %arg2[%dma_wait3A_124, %dma_wait3A_125] : memref<10000x32xf32, #tpu.memory_space<hbm>> -> memref<10000x32xf32, #tpu.memory_space<hbm>>
      tpu.wait_indirect_dma semaphore(%arg13 : memref<!tpu.dma_semaphore, #tpu.memory_space<semaphore_mem>>) src(%dma_wait3A_126 : memref<10000x32xf32, #tpu.memory_space<hbm>>) dst(%arg8 : memref<128x32xf32, #tpu.memory_space<vmem>>)
      "tpu.region"() ({
        %run_scoped3A_199 = tpu.sem_alloc : memref<!tpu.dma_semaphore, #tpu.memory_space<semaphore_mem>>
        %dma_start3A_200 = arith.constant 0 : i32
        %dma_start3A_201 = tpu.memref_slice %arg7[%add3A_120, %dma_start3A_200] : memref<84x128xi32, #tpu.memory_space<vmem>> -> memref<1x128xi32, #tpu.memory_space<vmem>>
        %dma_start3A_202 = tpu.memref_squeeze %dma_start3A_201 : memref<1x128xi32, #tpu.memory_space<vmem>> -> memref<128xi32, #tpu.memory_space<vmem>>
        %dma_start3A_203 = arith.constant 0 : i32
        %dma_start3A_204 = arith.constant 0 : i32
        %dma_start3A_205 = tpu.memref_slice %arg12[%dma_start3A_203, %dma_start3A_204] : memref<10000x32xf32, #tpu.memory_space<vmem_shared>> -> memref<10000x32xf32, #tpu.memory_space<vmem_shared>>
        tpu.enqueue_indirect_dma source(%arg8 : memref<128x32xf32, #tpu.memory_space<vmem>>) target(%dma_start3A_205 : memref<10000x32xf32, #tpu.memory_space<vmem_shared>>) offsets(%dma_start3A_202 : memref<128xi32, #tpu.memory_space<vmem>>) semaphore(%run_scoped3A_199 : memref<!tpu.dma_semaphore, #tpu.memory_space<semaphore_mem>>) {add = true}
        %dma_wait3A_206 = arith.constant 0 : i32
        %dma_wait3A_207 = tpu.memref_slice %arg7[%add3A_120, %dma_wait3A_206] : memref<84x128xi32, #tpu.memory_space<vmem>> -> memref<1x128xi32, #tpu.memory_space<vmem>>
        %dma_wait3A_208 = tpu.memref_squeeze %dma_wait3A_207 : memref<1x128xi32, #tpu.memory_space<vmem>> -> memref<128xi32, #tpu.memory_space<vmem>>
        %dma_wait3A_209 = arith.constant 0 : i32
        %dma_wait3A_210 = arith.constant 0 : i32
        %dma_wait3A_211 = tpu.memref_slice %arg12[%dma_wait3A_209, %dma_wait3A_210] : memref<10000x32xf32, #tpu.memory_space<vmem_shared>> -> memref<10000x32xf32, #tpu.memory_space<vmem_shared>>
        tpu.wait_indirect_dma semaphore(%run_scoped3A_199 : memref<!tpu.dma_semaphore, #tpu.memory_space<semaphore_mem>>) src(%arg8 : memref<128x32xf32, #tpu.memory_space<vmem>>) dst(%dma_wait3A_211 : memref<10000x32xf32, #tpu.memory_space<vmem_shared>>)
        tpu.yield
      }) : () -> ()
      %add3A_127 = arith.constant 4 : i32
      %add3A_128 = arith.addi %add3A_120, %add3A_127 : i32
      %add3A_129 = arith.addi %sub3A, %select_n3A : i32
      %sub3A_130 = arith.constant 1 : i32
      %sub3A_131 = arith.subi %add3A_129, %sub3A_130 : i32
      %min3A_132 = arith.minsi %add3A_128, %sub3A_131 : i32
      %dma_start3A_133 = arith.constant 0 : i32
      %dma_start3A_134 = tpu.memref_slice %arg6[%min3A_132, %dma_start3A_133] : memref<84x128xi32, #tpu.memory_space<vmem>> -> memref<1x128xi32, #tpu.memory_space<vmem>>
      %dma_start3A_135 = tpu.memref_squeeze %dma_start3A_134 : memref<1x128xi32, #tpu.memory_space<vmem>> -> memref<128xi32, #tpu.memory_space<vmem>>
      %dma_start3A_136 = arith.constant 0 : i32
      %dma_start3A_137 = arith.constant 0 : i32
      %dma_start3A_138 = tpu.memref_slice %arg2[%dma_start3A_136, %dma_start3A_137] : memref<10000x32xf32, #tpu.memory_space<hbm>> -> memref<10000x32xf32, #tpu.memory_space<hbm>>
      tpu.enqueue_indirect_dma source(%dma_start3A_138 : memref<10000x32xf32, #tpu.memory_space<hbm>>) target(%arg8 : memref<128x32xf32, #tpu.memory_space<vmem>>) offsets(%dma_start3A_135 : memref<128xi32, #tpu.memory_space<vmem>>) semaphore(%arg13 : memref<!tpu.dma_semaphore, #tpu.memory_space<semaphore_mem>>)
      %add3A_139 = arith.constant 1 : i32
      %add3A_140 = arith.addi %add3A_118, %add3A_139 : i32
      %dma_wait3A_141 = arith.constant 0 : i32
      %dma_wait3A_142 = tpu.memref_slice %arg6[%add3A_140, %dma_wait3A_141] : memref<84x128xi32, #tpu.memory_space<vmem>> -> memref<1x128xi32, #tpu.memory_space<vmem>>
      %dma_wait3A_143 = tpu.memref_squeeze %dma_wait3A_142 : memref<1x128xi32, #tpu.memory_space<vmem>> -> memref<128xi32, #tpu.memory_space<vmem>>
      %dma_wait3A_144 = arith.constant 0 : i32
      %dma_wait3A_145 = arith.constant 0 : i32
      %dma_wait3A_146 = tpu.memref_slice %arg2[%dma_wait3A_144, %dma_wait3A_145] : memref<10000x32xf32, #tpu.memory_space<hbm>> -> memref<10000x32xf32, #tpu.memory_space<hbm>>
      tpu.wait_indirect_dma semaphore(%arg14 : memref<!tpu.dma_semaphore, #tpu.memory_space<semaphore_mem>>) src(%dma_wait3A_146 : memref<10000x32xf32, #tpu.memory_space<hbm>>) dst(%arg9 : memref<128x32xf32, #tpu.memory_space<vmem>>)
      "tpu.region"() ({
        %run_scoped3A_199 = tpu.sem_alloc : memref<!tpu.dma_semaphore, #tpu.memory_space<semaphore_mem>>
        %dma_start3A_200 = arith.constant 0 : i32
        %dma_start3A_201 = tpu.memref_slice %arg7[%add3A_140, %dma_start3A_200] : memref<84x128xi32, #tpu.memory_space<vmem>> -> memref<1x128xi32, #tpu.memory_space<vmem>>
        %dma_start3A_202 = tpu.memref_squeeze %dma_start3A_201 : memref<1x128xi32, #tpu.memory_space<vmem>> -> memref<128xi32, #tpu.memory_space<vmem>>
        %dma_start3A_203 = arith.constant 0 : i32
        %dma_start3A_204 = arith.constant 0 : i32
        %dma_start3A_205 = tpu.memref_slice %arg12[%dma_start3A_203, %dma_start3A_204] : memref<10000x32xf32, #tpu.memory_space<vmem_shared>> -> memref<10000x32xf32, #tpu.memory_space<vmem_shared>>
        tpu.enqueue_indirect_dma source(%arg9 : memref<128x32xf32, #tpu.memory_space<vmem>>) target(%dma_start3A_205 : memref<10000x32xf32, #tpu.memory_space<vmem_shared>>) offsets(%dma_start3A_202 : memref<128xi32, #tpu.memory_space<vmem>>) semaphore(%run_scoped3A_199 : memref<!tpu.dma_semaphore, #tpu.memory_space<semaphore_mem>>) {add = true}
        %dma_wait3A_206 = arith.constant 0 : i32
        %dma_wait3A_207 = tpu.memref_slice %arg7[%add3A_140, %dma_wait3A_206] : memref<84x128xi32, #tpu.memory_space<vmem>> -> memref<1x128xi32, #tpu.memory_space<vmem>>
        %dma_wait3A_208 = tpu.memref_squeeze %dma_wait3A_207 : memref<1x128xi32, #tpu.memory_space<vmem>> -> memref<128xi32, #tpu.memory_space<vmem>>
        %dma_wait3A_209 = arith.constant 0 : i32
        %dma_wait3A_210 = arith.constant 0 : i32
        %dma_wait3A_211 = tpu.memref_slice %arg12[%dma_wait3A_209, %dma_wait3A_210] : memref<10000x32xf32, #tpu.memory_space<vmem_shared>> -> memref<10000x32xf32, #tpu.memory_space<vmem_shared>>
        tpu.wait_indirect_dma semaphore(%run_scoped3A_199 : memref<!tpu.dma_semaphore, #tpu.memory_space<semaphore_mem>>) src(%arg9 : memref<128x32xf32, #tpu.memory_space<vmem>>) dst(%dma_wait3A_211 : memref<10000x32xf32, #tpu.memory_space<vmem_shared>>)
        tpu.yield
      }) : () -> ()
      %add3A_147 = arith.constant 4 : i32
      %add3A_148 = arith.addi %add3A_140, %add3A_147 : i32
      %add3A_149 = arith.addi %sub3A, %select_n3A : i32
      %sub3A_150 = arith.constant 1 : i32
      %sub3A_151 = arith.subi %add3A_149, %sub3A_150 : i32
      %min3A_152 = arith.minsi %add3A_148, %sub3A_151 : i32
      %dma_start3A_153 = arith.constant 0 : i32
      %dma_start3A_154 = tpu.memref_slice %arg6[%min3A_152, %dma_start3A_153] : memref<84x128xi32, #tpu.memory_space<vmem>> -> memref<1x128xi32, #tpu.memory_space<vmem>>
      %dma_start3A_155 = tpu.memref_squeeze %dma_start3A_154 : memref<1x128xi32, #tpu.memory_space<vmem>> -> memref<128xi32, #tpu.memory_space<vmem>>
      %dma_start3A_156 = arith.constant 0 : i32
      %dma_start3A_157 = arith.constant 0 : i32
      %dma_start3A_158 = tpu.memref_slice %arg2[%dma_start3A_156, %dma_start3A_157] : memref<10000x32xf32, #tpu.memory_space<hbm>> -> memref<10000x32xf32, #tpu.memory_space<hbm>>
      tpu.enqueue_indirect_dma source(%dma_start3A_158 : memref<10000x32xf32, #tpu.memory_space<hbm>>) target(%arg9 : memref<128x32xf32, #tpu.memory_space<vmem>>) offsets(%dma_start3A_155 : memref<128xi32, #tpu.memory_space<vmem>>) semaphore(%arg14 : memref<!tpu.dma_semaphore, #tpu.memory_space<semaphore_mem>>)
      %add3A_159 = arith.constant 2 : i32
      %add3A_160 = arith.addi %add3A_118, %add3A_159 : i32
      %dma_wait3A_161 = arith.constant 0 : i32
      %dma_wait3A_162 = tpu.memref_slice %arg6[%add3A_160, %dma_wait3A_161] : memref<84x128xi32, #tpu.memory_space<vmem>> -> memref<1x128xi32, #tpu.memory_space<vmem>>
      %dma_wait3A_163 = tpu.memref_squeeze %dma_wait3A_162 : memref<1x128xi32, #tpu.memory_space<vmem>> -> memref<128xi32, #tpu.memory_space<vmem>>
      %dma_wait3A_164 = arith.constant 0 : i32
      %dma_wait3A_165 = arith.constant 0 : i32
      %dma_wait3A_166 = tpu.memref_slice %arg2[%dma_wait3A_164, %dma_wait3A_165] : memref<10000x32xf32, #tpu.memory_space<hbm>> -> memref<10000x32xf32, #tpu.memory_space<hbm>>
      tpu.wait_indirect_dma semaphore(%arg15 : memref<!tpu.dma_semaphore, #tpu.memory_space<semaphore_mem>>) src(%dma_wait3A_166 : memref<10000x32xf32, #tpu.memory_space<hbm>>) dst(%arg10 : memref<128x32xf32, #tpu.memory_space<vmem>>)
      "tpu.region"() ({
        %run_scoped3A_199 = tpu.sem_alloc : memref<!tpu.dma_semaphore, #tpu.memory_space<semaphore_mem>>
        %dma_start3A_200 = arith.constant 0 : i32
        %dma_start3A_201 = tpu.memref_slice %arg7[%add3A_160, %dma_start3A_200] : memref<84x128xi32, #tpu.memory_space<vmem>> -> memref<1x128xi32, #tpu.memory_space<vmem>>
        %dma_start3A_202 = tpu.memref_squeeze %dma_start3A_201 : memref<1x128xi32, #tpu.memory_space<vmem>> -> memref<128xi32, #tpu.memory_space<vmem>>
        %dma_start3A_203 = arith.constant 0 : i32
        %dma_start3A_204 = arith.constant 0 : i32
        %dma_start3A_205 = tpu.memref_slice %arg12[%dma_start3A_203, %dma_start3A_204] : memref<10000x32xf32, #tpu.memory_space<vmem_shared>> -> memref<10000x32xf32, #tpu.memory_space<vmem_shared>>
        tpu.enqueue_indirect_dma source(%arg10 : memref<128x32xf32, #tpu.memory_space<vmem>>) target(%dma_start3A_205 : memref<10000x32xf32, #tpu.memory_space<vmem_shared>>) offsets(%dma_start3A_202 : memref<128xi32, #tpu.memory_space<vmem>>) semaphore(%run_scoped3A_199 : memref<!tpu.dma_semaphore, #tpu.memory_space<semaphore_mem>>) {add = true}
        %dma_wait3A_206 = arith.constant 0 : i32
        %dma_wait3A_207 = tpu.memref_slice %arg7[%add3A_160, %dma_wait3A_206] : memref<84x128xi32, #tpu.memory_space<vmem>> -> memref<1x128xi32, #tpu.memory_space<vmem>>
        %dma_wait3A_208 = tpu.memref_squeeze %dma_wait3A_207 : memref<1x128xi32, #tpu.memory_space<vmem>> -> memref<128xi32, #tpu.memory_space<vmem>>
        %dma_wait3A_209 = arith.constant 0 : i32
        %dma_wait3A_210 = arith.constant 0 : i32
        %dma_wait3A_211 = tpu.memref_slice %arg12[%dma_wait3A_209, %dma_wait3A_210] : memref<10000x32xf32, #tpu.memory_space<vmem_shared>> -> memref<10000x32xf32, #tpu.memory_space<vmem_shared>>
        tpu.wait_indirect_dma semaphore(%run_scoped3A_199 : memref<!tpu.dma_semaphore, #tpu.memory_space<semaphore_mem>>) src(%arg10 : memref<128x32xf32, #tpu.memory_space<vmem>>) dst(%dma_wait3A_211 : memref<10000x32xf32, #tpu.memory_space<vmem_shared>>)
        tpu.yield
      }) : () -> ()
      %add3A_167 = arith.constant 4 : i32
      %add3A_168 = arith.addi %add3A_160, %add3A_167 : i32
      %add3A_169 = arith.addi %sub3A, %select_n3A : i32
      %sub3A_170 = arith.constant 1 : i32
      %sub3A_171 = arith.subi %add3A_169, %sub3A_170 : i32
      %min3A_172 = arith.minsi %add3A_168, %sub3A_171 : i32
      %dma_start3A_173 = arith.constant 0 : i32
      %dma_start3A_174 = tpu.memref_slice %arg6[%min3A_172, %dma_start3A_173] : memref<84x128xi32, #tpu.memory_space<vmem>> -> memref<1x128xi32, #tpu.memory_space<vmem>>
      %dma_start3A_175 = tpu.memref_squeeze %dma_start3A_174 : memref<1x128xi32, #tpu.memory_space<vmem>> -> memref<128xi32, #tpu.memory_space<vmem>>
      %dma_start3A_176 = arith.constant 0 : i32
      %dma_start3A_177 = arith.constant 0 : i32
      %dma_start3A_178 = tpu.memref_slice %arg2[%dma_start3A_176, %dma_start3A_177] : memref<10000x32xf32, #tpu.memory_space<hbm>> -> memref<10000x32xf32, #tpu.memory_space<hbm>>
      tpu.enqueue_indirect_dma source(%dma_start3A_178 : memref<10000x32xf32, #tpu.memory_space<hbm>>) target(%arg10 : memref<128x32xf32, #tpu.memory_space<vmem>>) offsets(%dma_start3A_175 : memref<128xi32, #tpu.memory_space<vmem>>) semaphore(%arg15 : memref<!tpu.dma_semaphore, #tpu.memory_space<semaphore_mem>>)
      %add3A_179 = arith.constant 3 : i32
      %add3A_180 = arith.addi %add3A_118, %add3A_179 : i32
      %dma_wait3A_181 = arith.constant 0 : i32
      %dma_wait3A_182 = tpu.memref_slice %arg6[%add3A_180, %dma_wait3A_181] : memref<84x128xi32, #tpu.memory_space<vmem>> -> memref<1x128xi32, #tpu.memory_space<vmem>>
      %dma_wait3A_183 = tpu.memref_squeeze %dma_wait3A_182 : memref<1x128xi32, #tpu.memory_space<vmem>> -> memref<128xi32, #tpu.memory_space<vmem>>
      %dma_wait3A_184 = arith.constant 0 : i32
      %dma_wait3A_185 = arith.constant 0 : i32
      %dma_wait3A_186 = tpu.memref_slice %arg2[%dma_wait3A_184, %dma_wait3A_185] : memref<10000x32xf32, #tpu.memory_space<hbm>> -> memref<10000x32xf32, #tpu.memory_space<hbm>>
      tpu.wait_indirect_dma semaphore(%arg16 : memref<!tpu.dma_semaphore, #tpu.memory_space<semaphore_mem>>) src(%dma_wait3A_186 : memref<10000x32xf32, #tpu.memory_space<hbm>>) dst(%arg11 : memref<128x32xf32, #tpu.memory_space<vmem>>)
      "tpu.region"() ({
        %run_scoped3A_199 = tpu.sem_alloc : memref<!tpu.dma_semaphore, #tpu.memory_space<semaphore_mem>>
        %dma_start3A_200 = arith.constant 0 : i32
        %dma_start3A_201 = tpu.memref_slice %arg7[%add3A_180, %dma_start3A_200] : memref<84x128xi32, #tpu.memory_space<vmem>> -> memref<1x128xi32, #tpu.memory_space<vmem>>
        %dma_start3A_202 = tpu.memref_squeeze %dma_start3A_201 : memref<1x128xi32, #tpu.memory_space<vmem>> -> memref<128xi32, #tpu.memory_space<vmem>>
        %dma_start3A_203 = arith.constant 0 : i32
        %dma_start3A_204 = arith.constant 0 : i32
        %dma_start3A_205 = tpu.memref_slice %arg12[%dma_start3A_203, %dma_start3A_204] : memref<10000x32xf32, #tpu.memory_space<vmem_shared>> -> memref<10000x32xf32, #tpu.memory_space<vmem_shared>>
        tpu.enqueue_indirect_dma source(%arg11 : memref<128x32xf32, #tpu.memory_space<vmem>>) target(%dma_start3A_205 : memref<10000x32xf32, #tpu.memory_space<vmem_shared>>) offsets(%dma_start3A_202 : memref<128xi32, #tpu.memory_space<vmem>>) semaphore(%run_scoped3A_199 : memref<!tpu.dma_semaphore, #tpu.memory_space<semaphore_mem>>) {add = true}
        %dma_wait3A_206 = arith.constant 0 : i32
        %dma_wait3A_207 = tpu.memref_slice %arg7[%add3A_180, %dma_wait3A_206] : memref<84x128xi32, #tpu.memory_space<vmem>> -> memref<1x128xi32, #tpu.memory_space<vmem>>
        %dma_wait3A_208 = tpu.memref_squeeze %dma_wait3A_207 : memref<1x128xi32, #tpu.memory_space<vmem>> -> memref<128xi32, #tpu.memory_space<vmem>>
        %dma_wait3A_209 = arith.constant 0 : i32
        %dma_wait3A_210 = arith.constant 0 : i32
        %dma_wait3A_211 = tpu.memref_slice %arg12[%dma_wait3A_209, %dma_wait3A_210] : memref<10000x32xf32, #tpu.memory_space<vmem_shared>> -> memref<10000x32xf32, #tpu.memory_space<vmem_shared>>
        tpu.wait_indirect_dma semaphore(%run_scoped3A_199 : memref<!tpu.dma_semaphore, #tpu.memory_space<semaphore_mem>>) src(%arg11 : memref<128x32xf32, #tpu.memory_space<vmem>>) dst(%dma_wait3A_211 : memref<10000x32xf32, #tpu.memory_space<vmem_shared>>)
        tpu.yield
      }) : () -> ()
      %add3A_187 = arith.constant 4 : i32
      %add3A_188 = arith.addi %add3A_180, %add3A_187 : i32
      %add3A_189 = arith.addi %sub3A, %select_n3A : i32
      %sub3A_190 = arith.constant 1 : i32
      %sub3A_191 = arith.subi %add3A_189, %sub3A_190 : i32
      %min3A_192 = arith.minsi %add3A_188, %sub3A_191 : i32
      %dma_start3A_193 = arith.constant 0 : i32
      %dma_start3A_194 = tpu.memref_slice %arg6[%min3A_192, %dma_start3A_193] : memref<84x128xi32, #tpu.memory_space<vmem>> -> memref<1x128xi32, #tpu.memory_space<vmem>>
      %dma_start3A_195 = tpu.memref_squeeze %dma_start3A_194 : memref<1x128xi32, #tpu.memory_space<vmem>> -> memref<128xi32, #tpu.memory_space<vmem>>
      %dma_start3A_196 = arith.constant 0 : i32
      %dma_start3A_197 = arith.constant 0 : i32
      %dma_start3A_198 = tpu.memref_slice %arg2[%dma_start3A_196, %dma_start3A_197] : memref<10000x32xf32, #tpu.memory_space<hbm>> -> memref<10000x32xf32, #tpu.memory_space<hbm>>
      tpu.enqueue_indirect_dma source(%dma_start3A_198 : memref<10000x32xf32, #tpu.memory_space<hbm>>) target(%arg11 : memref<128x32xf32, #tpu.memory_space<vmem>>) offsets(%dma_start3A_195 : memref<128xi32, #tpu.memory_space<vmem>>) semaphore(%arg16 : memref<!tpu.dma_semaphore, #tpu.memory_space<semaphore_mem>>)
    }
    %dma_wait3A = arith.constant 0 : i32
    %dma_wait3A_83 = arith.constant 0 : i32
    %dma_wait3A_84 = tpu.memref_slice %arg6[%dma_wait3A, %dma_wait3A_83] : memref<84x128xi32, #tpu.memory_space<vmem>> -> memref<1x128xi32, #tpu.memory_space<vmem>>
    %dma_wait3A_85 = tpu.memref_squeeze %dma_wait3A_84 : memref<1x128xi32, #tpu.memory_space<vmem>> -> memref<128xi32, #tpu.memory_space<vmem>>
    %dma_wait3A_86 = arith.constant 0 : i32
    %dma_wait3A_87 = arith.constant 0 : i32
    %dma_wait3A_88 = tpu.memref_slice %arg2[%dma_wait3A_86, %dma_wait3A_87] : memref<10000x32xf32, #tpu.memory_space<hbm>> -> memref<10000x32xf32, #tpu.memory_space<hbm>>
    tpu.wait_indirect_dma semaphore(%arg13 : memref<!tpu.dma_semaphore, #tpu.memory_space<semaphore_mem>>) src(%dma_wait3A_88 : memref<10000x32xf32, #tpu.memory_space<hbm>>) dst(%arg8 : memref<128x32xf32, #tpu.memory_space<vmem>>)
    %dma_wait3A_89 = arith.constant 0 : i32
    %dma_wait3A_90 = arith.constant 0 : i32
    %dma_wait3A_91 = tpu.memref_slice %arg6[%dma_wait3A_89, %dma_wait3A_90] : memref<84x128xi32, #tpu.memory_space<vmem>> -> memref<1x128xi32, #tpu.memory_space<vmem>>
    %dma_wait3A_92 = tpu.memref_squeeze %dma_wait3A_91 : memref<1x128xi32, #tpu.memory_space<vmem>> -> memref<128xi32, #tpu.memory_space<vmem>>
    %dma_wait3A_93 = arith.constant 0 : i32
    %dma_wait3A_94 = arith.constant 0 : i32
    %dma_wait3A_95 = tpu.memref_slice %arg2[%dma_wait3A_93, %dma_wait3A_94] : memref<10000x32xf32, #tpu.memory_space<hbm>> -> memref<10000x32xf32, #tpu.memory_space<hbm>>
    tpu.wait_indirect_dma semaphore(%arg14 : memref<!tpu.dma_semaphore, #tpu.memory_space<semaphore_mem>>) src(%dma_wait3A_95 : memref<10000x32xf32, #tpu.memory_space<hbm>>) dst(%arg9 : memref<128x32xf32, #tpu.memory_space<vmem>>)
    %dma_wait3A_96 = arith.constant 0 : i32
    %dma_wait3A_97 = arith.constant 0 : i32
    %dma_wait3A_98 = tpu.memref_slice %arg6[%dma_wait3A_96, %dma_wait3A_97] : memref<84x128xi32, #tpu.memory_space<vmem>> -> memref<1x128xi32, #tpu.memory_space<vmem>>
    %dma_wait3A_99 = tpu.memref_squeeze %dma_wait3A_98 : memref<1x128xi32, #tpu.memory_space<vmem>> -> memref<128xi32, #tpu.memory_space<vmem>>
    %dma_wait3A_100 = arith.constant 0 : i32
    %dma_wait3A_101 = arith.constant 0 : i32
    %dma_wait3A_102 = tpu.memref_slice %arg2[%dma_wait3A_100, %dma_wait3A_101] : memref<10000x32xf32, #tpu.memory_space<hbm>> -> memref<10000x32xf32, #tpu.memory_space<hbm>>
    tpu.wait_indirect_dma semaphore(%arg15 : memref<!tpu.dma_semaphore, #tpu.memory_space<semaphore_mem>>) src(%dma_wait3A_102 : memref<10000x32xf32, #tpu.memory_space<hbm>>) dst(%arg10 : memref<128x32xf32, #tpu.memory_space<vmem>>)
    %dma_wait3A_103 = arith.constant 0 : i32
    %dma_wait3A_104 = arith.constant 0 : i32
    %dma_wait3A_105 = tpu.memref_slice %arg6[%dma_wait3A_103, %dma_wait3A_104] : memref<84x128xi32, #tpu.memory_space<vmem>> -> memref<1x128xi32, #tpu.memory_space<vmem>>
    %dma_wait3A_106 = tpu.memref_squeeze %dma_wait3A_105 : memref<1x128xi32, #tpu.memory_space<vmem>> -> memref<128xi32, #tpu.memory_space<vmem>>
    %dma_wait3A_107 = arith.constant 0 : i32
    %dma_wait3A_108 = arith.constant 0 : i32
    %dma_wait3A_109 = tpu.memref_slice %arg2[%dma_wait3A_107, %dma_wait3A_108] : memref<10000x32xf32, #tpu.memory_space<hbm>> -> memref<10000x32xf32, #tpu.memory_space<hbm>>
    tpu.wait_indirect_dma semaphore(%arg16 : memref<!tpu.dma_semaphore, #tpu.memory_space<semaphore_mem>>) src(%dma_wait3A_109 : memref<10000x32xf32, #tpu.memory_space<hbm>>) dst(%arg11 : memref<128x32xf32, #tpu.memory_space<vmem>>)
    %barrier3A_110 = arith.constant 0 : index
    tpu.barrier barrier_id(%barrier3A_110)
    %mul3A_111 = arith.constant 625 : i32
    %mul3A_112 = arith.muli %arg1, %mul3A_111 : i32
    %mul3A_113 = arith.constant 625 : i32
    %mul3A_114 = arith.muli %arg1, %mul3A_113 : i32
    "tpu.region"() ({
      %run_scoped3A_115 = tpu.sem_alloc : memref<!tpu.dma_semaphore, #tpu.memory_space<semaphore_mem>>
      %dma_start3A_116 = arith.constant 0 : i32
      %dma_start3A_117 = arith.constant 0 : i32
      %dma_start3A_118 = tpu.memref_slice %arg5[%arg0, %dma_start3A_116, %dma_start3A_117] : memref<2x10000x32xf32, #tpu.memory_space<hbm>> -> memref<1x10000x32xf32, #tpu.memory_space<hbm>>
      %dma_start3A_119 = tpu.memref_squeeze %dma_start3A_118 : memref<1x10000x32xf32, #tpu.memory_space<hbm>> -> memref<10000x32xf32, #tpu.memory_space<hbm>>
      %dma_start3A_120 = arith.constant 0 : i32
      %dma_start3A_121 = tpu.memref_slice %dma_start3A_119[%mul3A_114, %dma_start3A_120] : memref<10000x32xf32, #tpu.memory_space<hbm>> -> memref<625x32xf32, #tpu.memory_space<hbm>>
      %dma_start3A_122 = arith.constant 0 : i32
      %dma_start3A_123 = tpu.memref_slice %arg12[%mul3A_112, %dma_start3A_122] : memref<10000x32xf32, #tpu.memory_space<vmem_shared>> -> memref<625x32xf32, #tpu.memory_space<vmem_shared>>
      tpu.enqueue_dma source(%dma_start3A_123 : memref<625x32xf32, #tpu.memory_space<vmem_shared>>) target(%dma_start3A_121 : memref<625x32xf32, #tpu.memory_space<hbm>>) target_semaphore(%run_scoped3A_115 : memref<!tpu.dma_semaphore, #tpu.memory_space<semaphore_mem>>)
      %dma_wait3A_124 = arith.constant 0 : i32
      %dma_wait3A_125 = arith.constant 0 : i32
      %dma_wait3A_126 = tpu.memref_slice %arg5[%arg0, %dma_wait3A_124, %dma_wait3A_125] : memref<2x10000x32xf32, #tpu.memory_space<hbm>> -> memref<1x10000x32xf32, #tpu.memory_space<hbm>>
      %dma_wait3A_127 = tpu.memref_squeeze %dma_wait3A_126 : memref<1x10000x32xf32, #tpu.memory_space<hbm>> -> memref<10000x32xf32, #tpu.memory_space<hbm>>
      %dma_wait3A_128 = arith.constant 0 : i32
      %dma_wait3A_129 = tpu.memref_slice %dma_wait3A_127[%mul3A_114, %dma_wait3A_128] : memref<10000x32xf32, #tpu.memory_space<hbm>> -> memref<625x32xf32, #tpu.memory_space<hbm>>
      %dma_wait3A_130 = arith.constant 0 : i32
      %dma_wait3A_131 = tpu.memref_slice %arg12[%mul3A_112, %dma_wait3A_130] : memref<10000x32xf32, #tpu.memory_space<vmem_shared>> -> memref<625x32xf32, #tpu.memory_space<vmem_shared>>
      tpu.wait_dma2 semaphore(%run_scoped3A_115 : memref<!tpu.dma_semaphore, #tpu.memory_space<semaphore_mem>>) src(%dma_wait3A_131 : memref<625x32xf32, #tpu.memory_space<vmem_shared>>) dst(%dma_wait3A_129 : memref<625x32xf32, #tpu.memory_space<hbm>>)
      tpu.yield
    }) : () -> ()
    return
  }
}

module attributes {stable_mosaic.version = 14 : i64} {
  func.func @_dense1_body(%arg0: memref<10000x128xf32, #tpu.memory_space<vmem>>, %arg1: memref<128x32xf32, #tpu.memory_space<vmem>>, %arg2: memref<32x10000xf32, #tpu.memory_space<vmem>>, %arg3: memref<10000x32xf32, #tpu.memory_space<vmem>>) attributes {dimension_semantics = [], scalar_prefetch = 0 : i64, scratch_operands = 0 : i64, tpu.core_type = #tpu.core_type<tc>} {
    %get3A = arith.constant 0 : index
    %get3A_0 = arith.constant 0 : index
    %get3A_1 = vector.load %arg2[%get3A, %get3A_0] : memref<32x10000xf32, #tpu.memory_space<vmem>>, vector<32x10000xf32>
    %broadcast_in_dim3A = arith.constant 1.000000e+00 : f32
    %broadcast_in_dim3A_2 = vector.broadcast %broadcast_in_dim3A : f32 to vector<32x1xf32>
    %dot_general3A = arith.constant dense<0.000000e+00> : vector<10000x1xf32>
    %dot_general3A_3 = tpu.matmul %get3A_1, %broadcast_in_dim3A_2, %dot_general3A {dimension_numbers = #tpu.dot_dimension_numbers<[0], [0], [1], [1], [0, 1, 1, 1], [], []>, transpose_lhs_hint = false} : vector<32x10000xf32>, vector<32x1xf32>, vector<10000x1xf32> -> vector<10000x1xf32>
    %add3A = arith.constant 1.000000e+00 : f32
    %add3A_4 = vector.broadcast %add3A : f32 to vector<10000x1xf32>
    %add3A_5 = arith.addf %dot_general3A_3, %add3A_4 : vector<10000x1xf32>
    %rsqrt3A = math.rsqrt %add3A_5 : vector<10000x1xf32>
    %get3A_6 = arith.constant 0 : index
    %get3A_7 = arith.constant 0 : index
    %get3A_8 = vector.load %arg0[%get3A_6, %get3A_7] : memref<10000x128xf32, #tpu.memory_space<vmem>>, vector<10000x128xf32>
    %get3A_9 = arith.constant 0 : index
    %get3A_10 = arith.constant 0 : index
    %get3A_11 = vector.load %arg1[%get3A_9, %get3A_10] : memref<128x32xf32, #tpu.memory_space<vmem>>, vector<128x32xf32>
    %dot_general3A_12 = arith.constant dense<0.000000e+00> : vector<10000x32xf32>
    %dot_general3A_13 = tpu.matmul %get3A_8, %get3A_11, %dot_general3A_12 {dimension_numbers = #tpu.dot_dimension_numbers<[1], [0], [0], [1], [0, 0, 1, 1], [], []>, transpose_lhs_hint = false} : vector<10000x128xf32>, vector<128x32xf32>, vector<10000x32xf32> -> vector<10000x32xf32>
    %mul3A = vector.broadcast %rsqrt3A : vector<10000x1xf32> to vector<10000x32xf32>
    %mul3A_14 = arith.mulf %dot_general3A_13, %mul3A : vector<10000x32xf32>
    %swap3A = arith.constant 0 : index
    %swap3A_15 = arith.constant 0 : index
    %swap3A_16 = vector.load %arg3[%swap3A, %swap3A_15] : memref<10000x32xf32, #tpu.memory_space<vmem>>, vector<10000x32xf32>
    tpu.vector_store %arg3[%swap3A, %swap3A_15], %mul3A_14 {strides = array<i32>} : memref<10000x32xf32, #tpu.memory_space<vmem>>, vector<10000x32xf32>,
    return
  }
}

module attributes {stable_mosaic.version = 14 : i64} {
  func.func @_dense2_body(%arg0: memref<2x10000x32xf32, #tpu.memory_space<vmem>>, %arg1: memref<10000x32xf32, #tpu.memory_space<vmem>>, %arg2: memref<32x10000xf32, #tpu.memory_space<vmem>>, %arg3: memref<1x32xf32, #tpu.memory_space<vmem>>, %arg4: memref<32x16xf32, #tpu.memory_space<vmem>>, %arg5: memref<10000x16xf32, #tpu.memory_space<vmem>>) attributes {dimension_semantics = [], scalar_prefetch = 0 : i64, scratch_operands = 0 : i64, tpu.core_type = #tpu.core_type<tc>} {
    %get3A = arith.constant 0 : index
    %get3A_0 = arith.constant 0 : index
    %get3A_1 = arith.constant 0 : index
    %get3A_2 = vector.load %arg0[%get3A, %get3A_0, %get3A_1] : memref<2x10000x32xf32, #tpu.memory_space<vmem>>, vector<2x10000x32xf32>
    %get3A_3 = arith.constant 0 : index
    %get3A_4 = arith.constant 0 : index
    %get3A_5 = vector.load %arg2[%get3A_3, %get3A_4] : memref<32x10000xf32, #tpu.memory_space<vmem>>, vector<32x10000xf32>
    %broadcast_in_dim3A = arith.constant 1.000000e+00 : f32
    %broadcast_in_dim3A_6 = vector.broadcast %broadcast_in_dim3A : f32 to vector<32x1xf32>
    %dot_general3A = arith.constant dense<0.000000e+00> : vector<10000x1xf32>
    %dot_general3A_7 = tpu.matmul %get3A_5, %broadcast_in_dim3A_6, %dot_general3A {dimension_numbers = #tpu.dot_dimension_numbers<[0], [0], [1], [1], [0, 1, 1, 1], [], []>, transpose_lhs_hint = false} : vector<32x10000xf32>, vector<32x1xf32>, vector<10000x1xf32> -> vector<10000x1xf32>
    %add3A = arith.constant 1.000000e+00 : f32
    %add3A_8 = vector.broadcast %add3A : f32 to vector<10000x1xf32>
    %add3A_9 = arith.addf %dot_general3A_7, %add3A_8 : vector<10000x1xf32>
    %rsqrt3A = math.rsqrt %add3A_9 : vector<10000x1xf32>
    %slice3A = vector.extract_strided_slice %get3A_2 {offsets = [0, 0, 0], sizes = [1, 10000, 32], strides = [1, 1, 1]} : vector<2x10000x32xf32> to vector<1x10000x32xf32>
    %squeeze3A = vector.shape_cast %slice3A : vector<1x10000x32xf32> to vector<10000x32xf32>
    %slice3A_10 = vector.extract_strided_slice %get3A_2 {offsets = [1, 0, 0], sizes = [1, 10000, 32], strides = [1, 1, 1]} : vector<2x10000x32xf32> to vector<1x10000x32xf32>
    %squeeze3A_11 = vector.shape_cast %slice3A_10 : vector<1x10000x32xf32> to vector<10000x32xf32>
    %add3A_12 = arith.addf %squeeze3A, %squeeze3A_11 : vector<10000x32xf32>
    %get3A_13 = arith.constant 0 : index
    %get3A_14 = arith.constant 0 : index
    %get3A_15 = vector.load %arg1[%get3A_13, %get3A_14] : memref<10000x32xf32, #tpu.memory_space<vmem>>, vector<10000x32xf32>
    %add3A_16 = arith.addf %add3A_12, %get3A_15 : vector<10000x32xf32>
    %mul3A = vector.broadcast %rsqrt3A : vector<10000x1xf32> to vector<10000x32xf32>
    %mul3A_17 = arith.mulf %add3A_16, %mul3A : vector<10000x32xf32>
    %get3A_18 = arith.constant 0 : index
    %get3A_19 = arith.constant 0 : index
    %get3A_20 = vector.load %arg3[%get3A_18, %get3A_19] : memref<1x32xf32, #tpu.memory_space<vmem>>, vector<1x32xf32>
    %add3A_21 = vector.broadcast %get3A_20 : vector<1x32xf32> to vector<10000x32xf32>
    %add3A_22 = arith.addf %mul3A_17, %add3A_21 : vector<10000x32xf32>
    %max3A = arith.constant 0.000000e+00 : f32
    %max3A_23 = vector.broadcast %max3A : f32 to vector<10000x32xf32>
    %max3A_24 = arith.maximumf %add3A_22, %max3A_23 : vector<10000x32xf32>
    %get3A_25 = arith.constant 0 : index
    %get3A_26 = arith.constant 0 : index
    %get3A_27 = vector.load %arg4[%get3A_25, %get3A_26] : memref<32x16xf32, #tpu.memory_space<vmem>>, vector<32x16xf32>
    %dot_general3A_28 = arith.constant dense<0.000000e+00> : vector<10000x16xf32>
    %dot_general3A_29 = tpu.matmul %max3A_24, %get3A_27, %dot_general3A_28 {dimension_numbers = #tpu.dot_dimension_numbers<[1], [0], [0], [1], [0, 0, 1, 1], [], []>, transpose_lhs_hint = false} : vector<10000x32xf32>, vector<32x16xf32>, vector<10000x16xf32> -> vector<10000x16xf32>
    %mul3A_30 = vector.broadcast %rsqrt3A : vector<10000x1xf32> to vector<10000x16xf32>
    %mul3A_31 = arith.mulf %dot_general3A_29, %mul3A_30 : vector<10000x16xf32>
    %swap3A = arith.constant 0 : index
    %swap3A_32 = arith.constant 0 : index
    %swap3A_33 = vector.load %arg5[%swap3A, %swap3A_32] : memref<10000x16xf32, #tpu.memory_space<vmem>>, vector<10000x16xf32>
    tpu.vector_store %arg5[%swap3A, %swap3A_32], %mul3A_31 {strides = array<i32>} : memref<10000x16xf32, #tpu.memory_space<vmem>>, vector<10000x16xf32>,
    return
  }
}

module attributes {stable_mosaic.version = 14 : i64} {
  func.func @_dense3_body(%arg0: memref<2x10000x16xf32, #tpu.memory_space<vmem>>, %arg1: memref<10000x16xf32, #tpu.memory_space<vmem>>, %arg2: memref<32x10000xf32, #tpu.memory_space<vmem>>, %arg3: memref<1x16xf32, #tpu.memory_space<vmem>>, %arg4: memref<16x8xf32, #tpu.memory_space<vmem>>, %arg5: memref<1x8xf32, #tpu.memory_space<vmem>>, %arg6: memref<10000x8xf32, #tpu.memory_space<vmem>>) attributes {dimension_semantics = [], scalar_prefetch = 0 : i64, scratch_operands = 0 : i64, tpu.core_type = #tpu.core_type<tc>} {
    %get3A = arith.constant 0 : index
    %get3A_0 = arith.constant 0 : index
    %get3A_1 = arith.constant 0 : index
    %get3A_2 = vector.load %arg0[%get3A, %get3A_0, %get3A_1] : memref<2x10000x16xf32, #tpu.memory_space<vmem>>, vector<2x10000x16xf32>
    %get3A_3 = arith.constant 0 : index
    %get3A_4 = arith.constant 0 : index
    %get3A_5 = vector.load %arg2[%get3A_3, %get3A_4] : memref<32x10000xf32, #tpu.memory_space<vmem>>, vector<32x10000xf32>
    %broadcast_in_dim3A = arith.constant 1.000000e+00 : f32
    %broadcast_in_dim3A_6 = vector.broadcast %broadcast_in_dim3A : f32 to vector<32x1xf32>
    %dot_general3A = arith.constant dense<0.000000e+00> : vector<10000x1xf32>
    %dot_general3A_7 = tpu.matmul %get3A_5, %broadcast_in_dim3A_6, %dot_general3A {dimension_numbers = #tpu.dot_dimension_numbers<[0], [0], [1], [1], [0, 1, 1, 1], [], []>, transpose_lhs_hint = false} : vector<32x10000xf32>, vector<32x1xf32>, vector<10000x1xf32> -> vector<10000x1xf32>
    %add3A = arith.constant 1.000000e+00 : f32
    %add3A_8 = vector.broadcast %add3A : f32 to vector<10000x1xf32>
    %add3A_9 = arith.addf %dot_general3A_7, %add3A_8 : vector<10000x1xf32>
    %rsqrt3A = math.rsqrt %add3A_9 : vector<10000x1xf32>
    %slice3A = vector.extract_strided_slice %get3A_2 {offsets = [0, 0, 0], sizes = [1, 10000, 16], strides = [1, 1, 1]} : vector<2x10000x16xf32> to vector<1x10000x16xf32>
    %squeeze3A = vector.shape_cast %slice3A : vector<1x10000x16xf32> to vector<10000x16xf32>
    %slice3A_10 = vector.extract_strided_slice %get3A_2 {offsets = [1, 0, 0], sizes = [1, 10000, 16], strides = [1, 1, 1]} : vector<2x10000x16xf32> to vector<1x10000x16xf32>
    %squeeze3A_11 = vector.shape_cast %slice3A_10 : vector<1x10000x16xf32> to vector<10000x16xf32>
    %add3A_12 = arith.addf %squeeze3A, %squeeze3A_11 : vector<10000x16xf32>
    %get3A_13 = arith.constant 0 : index
    %get3A_14 = arith.constant 0 : index
    %get3A_15 = vector.load %arg1[%get3A_13, %get3A_14] : memref<10000x16xf32, #tpu.memory_space<vmem>>, vector<10000x16xf32>
    %add3A_16 = arith.addf %add3A_12, %get3A_15 : vector<10000x16xf32>
    %mul3A = vector.broadcast %rsqrt3A : vector<10000x1xf32> to vector<10000x16xf32>
    %mul3A_17 = arith.mulf %add3A_16, %mul3A : vector<10000x16xf32>
    %get3A_18 = arith.constant 0 : index
    %get3A_19 = arith.constant 0 : index
    %get3A_20 = vector.load %arg3[%get3A_18, %get3A_19] : memref<1x16xf32, #tpu.memory_space<vmem>>, vector<1x16xf32>
    %add3A_21 = vector.broadcast %get3A_20 : vector<1x16xf32> to vector<10000x16xf32>
    %add3A_22 = arith.addf %mul3A_17, %add3A_21 : vector<10000x16xf32>
    %max3A = arith.constant 0.000000e+00 : f32
    %max3A_23 = vector.broadcast %max3A : f32 to vector<10000x16xf32>
    %max3A_24 = arith.maximumf %add3A_22, %max3A_23 : vector<10000x16xf32>
    %get3A_25 = arith.constant 0 : index
    %get3A_26 = arith.constant 0 : index
    %get3A_27 = vector.load %arg4[%get3A_25, %get3A_26] : memref<16x8xf32, #tpu.memory_space<vmem>>, vector<16x8xf32>
    %dot_general3A_28 = arith.constant dense<0.000000e+00> : vector<10000x8xf32>
    %dot_general3A_29 = tpu.matmul %max3A_24, %get3A_27, %dot_general3A_28 {dimension_numbers = #tpu.dot_dimension_numbers<[1], [0], [0], [1], [0, 0, 1, 1], [], []>, transpose_lhs_hint = false} : vector<10000x16xf32>, vector<16x8xf32>, vector<10000x8xf32> -> vector<10000x8xf32>
    %get3A_30 = arith.constant 0 : index
    %get3A_31 = arith.constant 0 : index
    %get3A_32 = vector.load %arg5[%get3A_30, %get3A_31] : memref<1x8xf32, #tpu.memory_space<vmem>>, vector<1x8xf32>
    %add3A_33 = vector.broadcast %get3A_32 : vector<1x8xf32> to vector<10000x8xf32>
    %add3A_34 = arith.addf %dot_general3A_29, %add3A_33 : vector<10000x8xf32>
    %reduce_max3A = arith.constant dense<0xFF800000> : vector<10000xf32>
    %reduce_max3A_35 = vector.multi_reduction <maximumf>, %add3A_34, %reduce_max3A [1] : vector<10000x8xf32> to vector<10000xf32>
    %broadcast_in_dim3A_36 = vector.shape_cast %reduce_max3A_35 : vector<10000xf32> to vector<10000x1xf32>
    %sub3A = vector.broadcast %broadcast_in_dim3A_36 : vector<10000x1xf32> to vector<10000x8xf32>
    %sub3A_37 = arith.subf %add3A_34, %sub3A : vector<10000x8xf32>
    %exp3A = math.exp %sub3A_37 : vector<10000x8xf32>
    %reduce_sum3A = arith.constant dense<0.000000e+00> : vector<10000xf32>
    %reduce_sum3A_38 = vector.multi_reduction <add>, %exp3A, %reduce_sum3A [1] : vector<10000x8xf32> to vector<10000xf32>
    %broadcast_in_dim3A_39 = vector.shape_cast %reduce_sum3A_38 : vector<10000xf32> to vector<10000x1xf32>
    %div3A = vector.broadcast %broadcast_in_dim3A_39 : vector<10000x1xf32> to vector<10000x8xf32>
    %div3A_40 = arith.divf %exp3A, %div3A : vector<10000x8xf32>
    %swap3A = arith.constant 0 : index
    %swap3A_41 = arith.constant 0 : index
    %swap3A_42 = vector.load %arg6[%swap3A, %swap3A_41] : memref<10000x8xf32, #tpu.memory_space<vmem>>, vector<10000x8xf32>
    tpu.vector_store %arg6[%swap3A, %swap3A_41], %div3A_40 {strides = array<i32>} : memref<10000x8xf32, #tpu.memory_space<vmem>>, vector<10000x8xf32>,
    return
  }
}

</mosaic_0001>

<sc_bundles>
// kernel: kernel.11.cloned.1.call-start
scs
__scs_entry_jumppad:
0x0: {  	(pc) =	sbr.rel $0x88, $3  }
0x1: {  	(tag) =	ssettag $0x0;
	lr =	simm.s32 $0x1  }
0x2: {  	[smem:$0x3F99] =	sst lr;
	_ =	strace $0xD0000000  }
0x3: {  	_ = 	snop  }
0x4: {  	_ = 	snop  }
0x5: {  	_ = 	snop  }
0x6: {  	_ = 	snop  }
0x7: {  	_ = 	snop  }
__scs_overlays_trampoline_lowered:
0x8: {  	[smem:$0x3FA8] =	sst s0  }
0x9: {  	[smem:$0x3FA9] =	sst s1  }
0xa: {  	[smem:$0x3FAA] =	sst s2  }
0xb: {  	[smem:$0x3FAB] =	sst s3  }
0xc: {  	[smem:$0x3FAC] =	sst s4  }
0xd: {  	[smem:$0x3FAD] =	sst s5  }
0xe: {  	[smem:$0x3FAE] =	sst s6  }
0xf: {  	[smem:$0x3FAF] =	sst s7  }
0x10: {  	[smem:$0x3FB0] =	sst s8  }
0x11: {  	[smem:$0x3FB1] =	sst s9;
	s0 =	simm.s32 @!p0 $0x0  }
0x12: {  	s1 =	sld [smem:$0x3F97];
	s0 =	simm.s32 @p0 $0x1  }
0x13: {  	[smem:$0x3FB2] =	sst s0;
	s0 =	simm.s32 @!p1 $0x0  }
0x14: {  	s2 =	sld [smem:$0x3F96];
	s0 =	simm.s32 @p1 $0x1  }
0x15: {  	[smem:$0x3FB3] =	sst s0;
	s0 =	simm.s32 @!p2 $0x0  }
0x16: {  	s3 =	sld [smem:$0x3FDB];
	s0 =	simm.s32 @p2 $0x1  }
0x17: {  	s4 =	simm.s32 $0x1BF5;
	[smem:$0x3FB5] =	sst s0  }
0x18: {  	s0 =	sld [smem:$0x3F98];
	_ =	swait.ge [sflag:s4], $0x0  }
0x19: {  	s7 =	sld [smem:$0x3F99]  }
0x1a: {  	s8 =	sadd.s32 $0xFFFFE003, lr  }
0x1b: {  	s9 =	sadd.s32 $0xFFFFFEF7, lr;
	s5 =	simm.s32 $0xFFFFFFFF;
	p2 =	slt.u32 s8, $0xFFFFF086  }
0x1c: {  	p1 =	slt.u32 s9, $0xF7A;
	s5 =	simm.s32 @!p2 $0x0  }
0x1d: {  	s5 =	simm.s32 @p1 $0x1;
	p0 =	seq.s32 s7, s2  }
0x1e: {  	s7 =	smul.u32 @!p0 $0xF7A, s2;
	p2 =	seq.s32 @!p0 s5, $0x0  }
0x1f: {  	s9 =	smul.u32 $0xF7A, s1;
	s8 =	simm.s32 @!p0 $0x1BF5;
	p2 =	por !p2, p0  }
0x20: {  	[sflag:s8] =	ssyncset.s32 @!p0 $0xFFFFF086;
	s6 =	sadd.s32 @!p0 s3, s7;
	s7 =	simm.s32 @!p0 $0x108  }
0x21: {  	s3 =	sadd.s32 s3, s9;
	s6 =	sadd.s32 @!p0 $0x88, s6;
	s7 =	simm.s32 @p2 $0x1082  }
0x22: {  	[simem:s7], [sflag:s8] =	dma.local @!p0 [hbm:s6], $0xF7A  }
0x23: {  	s9 =	sor.u32 $0xD0000000, s2;
	s6 =	simm.s32 $0x108;
	_ =	swait.ge @!p0 [sflag:s8], $0x0  }
0x24: {  	s3 =	sadd.s32 $0x88, s3;
	s6 =	simm.s32 @!p1 $0x1082;
	[sflag:s4] =	ssyncset.s32 $0xFFFFF086  }
0x25: {  	[simem:s6], [sflag:s4] =	dma.local [hbm:s3], $0xF7A  }
0x26: {  	[smem:$0x3F99] =	sst s1;
	(tag) =	ssettag s2;
	_ =	strace s9  }
0x27: {  	s1 =	sld [smem:$0x3FA9]  }
0x28: {  	s2 =	sld [smem:$0x3FAA]  }
0x29: {  	s4 =	sld [smem:$0x3FAC]  }
0x2a: {  	p0 =	seq.s32 s5, $0x0;
	s5 =	sld [smem:$0x3FAD]  }
0x2b: {  	s6 =	sld [smem:$0x3FAE]  }
0x2c: {  	s7 =	sld [smem:$0x3FAF]  }
0x2d: {  	s3 =	simm.s32 $0x108;
	s8 =	sld [smem:$0x3FB0]  }
0x2e: {  	s3 =	simm.s32 @!p0 $0x1082;
	s9 =	sld [smem:$0x3FB1]  }
0x2f: {  	lr =	sadd.s32 s0, s3;
	s0 =	sld [smem:$0x3FA8]  }
0x30: {  	s3 =	sld [smem:$0x3FAB]  }
0x31: {  	[smem:$0x3FB4] =	sst s10  }
0x32: {  	s10 =	sld [smem:$0x3FB2];
	_ =	sdelay $0x3  }
0x33: {  	p0 =	seq.s32 s10, $0x1;
	s10 =	sld [smem:$0x3FB4];
	_ =	sdelay $0x3  }
0x34: {  	[smem:$0x3FB4] =	sst s10  }
0x35: {  	s10 =	sld [smem:$0x3FB3];
	_ =	sdelay $0x3  }
0x36: {  	p1 =	seq.s32 s10, $0x1;
	s10 =	sld [smem:$0x3FB4];
	_ =	sdelay $0x3  }
0x37: {  	[smem:$0x3FB4] =	sst s10  }
0x38: {  	s10 =	sld [smem:$0x3FB5]  }
0x39: {  	_ = 	snop;
	(pc) =	sbr.ind lr, $3  }
0x3a: {  	_ = 	snop  }
0x3b: {  	_ = 	snop  }
0x3c: {  	p2 =	seq.s32 s10, $0x1;
	s10 =	sld [smem:$0x3FB4]  }
0x3d: {  	_ =	shalt  }
0x3e: {  	_ =	shalt  }
0x3f: {  	_ =	shalt  }
0x40: {  	_ =	shalt  }
0x41: {  	_ =	shalt  }
0x42: {  	_ =	shalt  }
0x43: {  	_ =	shalt  }
0x44: {  	_ =	shalt  }
0x45: {  	_ =	shalt  }
0x46: {  	_ =	shalt  }
0x47: {  	_ =	shalt  }
0x48: {  	_ =	shalt  }
0x49: {  	_ =	shalt  }
0x4a: {  	_ =	shalt  }
0x4b: {  	_ =	shalt  }
0x4c: {  	_ =	shalt  }
0x4d: {  	_ =	shalt  }
0x4e: {  	_ =	shalt  }
0x4f: {  	_ =	shalt  }
0x50: {  	_ =	shalt  }
0x51: {  	_ =	shalt  }
0x52: {  	_ =	shalt  }
0x53: {  	_ =	shalt  }
0x54: {  	_ =	shalt  }
0x55: {  	_ =	shalt  }
0x56: {  	_ =	shalt  }
0x57: {  	_ =	shalt  }
0x58: {  	_ =	shalt  }
0x59: {  	_ =	shalt  }
0x5a: {  	_ =	shalt  }
0x5b: {  	_ =	shalt  }
0x5c: {  	_ =	shalt  }
0x5d: {  	_ =	shalt  }
0x5e: {  	_ =	shalt  }
0x5f: {  	_ =	shalt  }
0x60: {  	_ =	shalt  }
0x61: {  	_ =	shalt  }
0x62: {  	_ =	shalt  }
0x63: {  	_ =	shalt  }
0x64: {  	_ =	shalt  }
0x65: {  	_ =	shalt  }
0x66: {  	_ =	shalt  }
0x67: {  	_ =	shalt  }
0x68: {  	_ =	shalt  }
0x69: {  	_ =	shalt  }
0x6a: {  	_ =	shalt  }
0x6b: {  	_ =	shalt  }
0x6c: {  	_ =	shalt  }
0x6d: {  	_ =	shalt  }
0x6e: {  	_ =	shalt  }
0x6f: {  	_ =	shalt  }
0x70: {  	_ =	shalt  }
0x71: {  	_ =	shalt  }
0x72: {  	_ =	shalt  }
0x73: {  	_ =	shalt  }
0x74: {  	_ =	shalt  }
0x75: {  	_ =	shalt  }
0x76: {  	_ =	shalt  }
0x77: {  	_ =	shalt  }
0x78: {  	_ =	shalt  }
0x79: {  	_ =	shalt  }
0x7a: {  	_ =	shalt  }
0x7b: {  	_ =	shalt  }
0x7c: {  	_ =	shalt  }
0x7d: {  	_ =	shalt  }
0x7e: {  	_ =	shalt  }
0x7f: {  	_ =	shalt  }
0x80: {  	_ =	shalt  }
0x81: {  	_ =	shalt  }
0x82: {  	_ =	shalt  }
0x83: {  	_ =	shalt  }
0x84: {  	_ =	shalt  }
0x85: {  	_ =	shalt  }
0x86: {  	_ =	shalt  }
0x87: {  	_ =	shalt  }
.Lfunc_end0:
.L_simem_size_0:
called_computation.1_lowered:
.L_overlay_start_0:
0x88: {  	s2 =	sld [smem:$0x3FD9]  }
0x89: {  	s3 =	sld [smem:$0x3FFE];
	_ =	sdelay $0x1  }
0x8a: {  	s1 =	srdreg.scid  }
0x8b: {  	s0 =	sand.u32 $0x1, s1  }
0x8c: {  	s16 =	sshll.u32 s0, $0xA;
	s2 =	sadd.s32 s3, s2  }
0x8d: {  	s2 =	sadd.s32 s2, s16  }
0x8e: {  	[smem:$0x3FC0] =	sst s2  }
0x8f: {  	_ = 	snop  }
0x90: {  	(tm) =	ssettm $0x1  }
0x91: {  	s17 =	sld [smem:$0x3FFB];
	_ =	sdelay $0x3  }
0x92: {  	_ =	strace s17  }
0x93: {  	s2 =	sld [smem:$0x3FFC];
	_ =	sdelay $0x3  }
0x94: {  	_ =	strace s2  }
0x95: {  	s2 =	sld [smem:$0x3FFD];
	_ =	sdelay $0x3  }
0x96: {  	_ =	strace s2  }
0x97: {  	_ =	strace $0x8FFFFFFF  }
0x98: {  	s18 =	sld [smem:$0x3FDB];
	_ =	sdelay $0x1  }
0x99: {  	s19 =	simm.s32 $_scs_section_size  }
0x9a: {  	s4 =	simm.s32 $_size__tile_overlayer_lowered;
	s5 =	simm.s32 $_tile_overlayer_lowered  }
0x9b: {  	s22 =	simm.s32 $0x1BFF;
	s21 =	sshll.u32 s5, $0x1;
	s2 =	sadd.s32 s19, s18  }
0x9c: {  	s6 =	simm.s32 $0x0;
	s20 =	sshll.u32 s4, $0x1;
	s4 =	sadd.s32 s21, s2  }
0x9d: {  	[timem:s6], [sflag:s22] =	dma.local [hbm:s4], s20  }
0x9e: {  	_ =	swait.ge [sflag:s22], s20  }
0x9f: {  	s3 =	ssub.s32 $0x0, s20;
	[sflag:s22] =	ssyncset.done $0x0  }
0xa0: {  	[sflag:s22] =	ssyncadd.s32 s3;
	_ =	sdelay $0x1  }
0xa1: {  	s23 =	simm.s32 $0x1B8B  }
0xa2: {  	_ =	swait.ge [sflag:s23], $0x1  }
0xa3: {  	[sflag:s23] =	ssyncset.done $0x0  }
0xa4: {  	s25 =	simm.s32 $0x1B8E;
	s24 =	sld [smem:$0x3FFE];
	[sflag:s23] =	ssyncadd.s32 $0xFFFFFFFF  }
0xa5: {  	s26 =	simm.s32 $execute0_lowered;
	[smem:$0x3FD2] =	sst s25  }
0xa6: {  	s4 =	sshll.u32 s26, $0x1;
	_ =	strace $0x80000049;
	[dreg:$0x1] =	wrdreg $0xFFFFFFFF  }
0xa7: {  	s28 =	simm.s32 $_size_execute0_lowered;
	s2 =	sadd.s32 s2, s4;
	[dreg:$0x0] =	wrdreg $0x0  }
0xa8: {  	s4 =	sshll.u32 s28, $0x1;
	[dreg:$0x2] =	wrdreg s2  }
0xa9: {  	[dreg:$0x3] =	wrdreg s4  }
0xaa: {  	[dreg:$0x4] =	wrdreg $0xC0  }
0xab: {  	_ =	task [dreg:s6], $0x5FFFF  }
0xac: {  	[dreg:$0x1] =	wrdreg $0xFFFFFFFF  }
0xad: {  	[dreg:$0x0] =	wrdreg $0x60  }
0xae: {  	[dreg:$0x2] =	wrdreg s24  }
0xaf: {  	[dreg:$0x3] =	wrdreg $0x94000  }
0xb0: {  	[dreg:$0x4] =	wrdreg $0x9  }
0xb1: {  	_ =	task.clear_ibuf [dreg:s6], $0x5FFFF;
	_ =	strace $0x90000049  }
0xb2: {  	s29 =	simm.s32 $0x9;
	_ =	strace $0x8000004B  }
0xb3: {  	_ =	swait.ge [sflag:s29], $0x1  }
0xb4: {  	[sflag:s29] =	ssyncadd.s32 $0xFFFFFFFF  }
0xb5: {  	_ =	strace $0x9000004B  }
0xb6: {  	_ =	sfence  }
0xb7: {  	s30 =	sld [smem:$0x0];
	_ =	sdelay $0x2  }
0xb8: {  	s31 =	sshll.u32 s1, $0xD;
	s1 =	sshrl.u32 s1, $0x2  }
0xb9: {  	s3 =	sand.u32 $0x4000, s31;
	s1 =	sadd.s32 s1, s30  }
0xba: {  	s0 =	sor.u32 s3, s0;
	s1 =	sshll.u32 s1, $0x11  }
0xbb: {  	s0 =	sor.u32 s1, s0  }
0xbc: {  	s0 =	sadd.s32 $0x8F2B, s0  }
0xbd: {  	[sflag:s0] =	ssyncadd.remote.s32 $0x1  }
0xbe: {  	_ =	sfence.sel $0xFFFF  }
0xbf: {  	[dreg:$0x0] =	wrdreg $0xFFFFFFFF;
	(pc) =	sbr.abs _section_cstart, $3  }
0xc0: {  	[dreg:$0x1] =	wrdreg $0xFFFFFFFF  }
0xc1: {  	_ =	task.clear_ibuf [dreg:s6], $0x2FFFF;
	_ =	strace $0x9FFFFFFF  }
0xc2: {  	(tm) =	ssettm $0x7FFFFFFF  }
0xc3: {  	_ =	shalt  }
tec
execute0_lowered:
.L_overlay_start_1:
0x0: {  	(tag) =	ssettag $0x1  }
0x1: {  	s0 =	rddreg [dreg:$0x0];
	s10 =	stileid.u32  }
0x2: {  	s1 =	rddreg [dreg:$0x1];
	s3 =	srdreg.scid;
	s21 =	simm.s32 $0x0  }
0x3: {  	s13 =	simm.s32 $0x54;
	s20 =	simm.s32 $0x5400;
	s28 =	simm.s32 $0x3  }
0x4: {  	s29 =	simm.s32 $0x4;
	s30 =	simm.s32 $0x0;
	s2 =	smul.u32 $0x50, s10  }
0x5: {  	s4 =	smul.u32 $0x4C, s10;
	s5 =	sand.u32 $0x1, s3;
	p1 =	seq.s32 s10, $0x0  }
0x6: {  	[smem:$0x7FF] =	sst s21;
	s6 =	smul.u32 $0x4E20, s10;
	s25 =	sshll.u32 s10, $0x6  }
0x7: {  	s21 =	simm.s32 $0x6400;
	p0 =	seq.s32 s5, $0x0;
	_ =	strace $0x8000004A  }
0x8: {  	s7 =	smul.u32 $0x9C40, s5;
	s5 =	ssub.s32 $0x2, s5;
	s13 =	simm.s32 @!p1 $0x50  }
0x9: {  	s2 =	sor.u32 $0x4, s2;
	s11 =	sadd.s32 $0x504, s4;
	s4 =	sadd.s32 $0x15A00, s0  }
0xa: {  	s24 =	sshrl.u32 s6, $0x3;
	s22 =	sshrl.u32 s5, $0x1;
	s13 =	simm.s32 @!p0 $0x4C  }
0xb: {  	s23 =	sadd.s32 s6, s1;
	s2 =	simm.s32 @p1 $0x0;
	s9 =	sadd.s32 s24, s0  }
0xc: {  	s14 =	sadd.s32 s7, s0;
	s16 =	ssub.s32 s5, s22;
	[dreg:$0x5] =	wrdreg s23  }
0xd: {  	s7 =	sor.u32 $0x1C05, s25;
	s19 =	sshll.u32 s13, $0x9;
	s22 =	simm.s32 $0x7400  }
0xe: {  	s23 =	simm.s32 $0x8400;
	s11 =	smov.u32 @p0 s2;
	s6 =	sadd.s32 $0x1F800, s9  }
0xf: {  	[dreg:$0x4] =	wrdreg s19;
	s25 =	sadd.s32 $0x29600, s14;
	s14 =	smax.u32 s16, $0x1  }
0x10: {  	s16 =	simm.s32 $0x5;
	s19 =	simm.s32 $0x80;
	s2 =	smin.u32 s11, $0x970  }
0x11: {  	s18 =	sshll.u32 s11, $0x9;
	s24 =	sadd.s32 s24, s25;
	s25 =	simm.s32 $0x1  }
0x12: {  	s15 =	sshll.u32 s2, $0x4;
	s17 =	ssub.s32 s11, s2;
	s2 =	sshll.u32 s2, $0x9  }
0x13: {  	s8 =	sadd.s32 s15, s0;
	s26 =	sshll.u32 s17, $0x9;
	s0 =	sadd.s32 $0xBC40, s0  }
0x14: {  	s12 =	sshll.u32 s17, $0x7;
	s2 =	ssub.s32 s18, s2;
	s31 =	sadd.s32 s17, s13  }
0x15: {  	s8 =	sadd.s32 $0x2000, s8;
	s9 =	sshra.s32 s26, $0x2;
	s10 =	sor.u32 $0x80, s12  }
0x16: {  	s11 =	sor.u32 $0x100, s12;
	s12 =	sor.u32 $0x180, s12;
	s2 =	sshra.s32 s2, $0x2  }
0x17: {  	s5 =	sadd.s32 $0xFFFFFFFF, s31;
	s26 =	simm.s32 $0x2;
	s2 =	sadd.s32 $0x2A00, s2  }
0x18: {  	[dreg:$0x3] =	wrdreg s2;
	s2 =	sadd.s32 $0x7, s17;
	s17 =	sadd.s32 s15, s0  }
.LBB2_1:
0x19: {  	s0 =	rddreg [dreg:$0x5]  }
0x1a: {  	s31 =	sshrl.u32 s0, $0x3  }
0x1b: {  	[spmem:s31], [sflag:s7] =	dma.local [hbm:s6], $0x9C4  }
0x1c: {  	_ =	swait.ge [sflag:s16], $0x9C4  }
0x1d: {  	[sflag:s16] =	ssyncset.done $0x0  }
0x1e: {  	s18 =	simm.s32 $0x0;
	[sflag:s16] =	ssyncadd.s32 $0xFFFFF63C  }
0x1f: {  	[tilespmem:s18], [sflag:$0x5] =	stream.linear.gather [hbm4b:s8+s18], $0x2A00, $0x38;
	[tilespmem:$0xE220] =	vst v63  }
0x20: {  	_ =	swait.ge [sflag:s16], $0x2A00  }
0x21: {  	[sflag:s16] =	ssyncset.done $0x0  }
0x22: {  	s3 =	simm.s32 $0x2A00;
	[sflag:s16] =	ssyncadd.s32 $0xFFFFD600  }
0x23: {  	[tilespmem:s3], [sflag:$0x5] =	stream.linear.gather [hbm4b:s17+s18], $0x2A00, $0x38;
	[tilespmem:$0xE220] =	vst v63  }
0x24: {  	_ =	swait.ge [sflag:s16], $0x2A00  }
0x25: {  	[sflag:s16] =	ssyncset.done $0x0  }
0x26: {  	[sflag:s16] =	ssyncadd.s32 $0xFFFFD600  }
0x27: {  	[bflag:$0x0] =	sbarrier.arrive $0xFFFF  }
0x28: {  	[tilespmem:s20], [sflag:$0x1] =	stream.indirect.gather [hbm4b:s4+s19], $0x20, s9, s19, $0xb8;
	[tilespmem:$0xE220] =	vst v63  }
0x29: {  	_ = 	snop  }
0x2a: {  	[tilespmem:s21], [sflag:$0x2] =	stream.indirect.gather [hbm4b:s4+s19], $0x20, s10, s19, $0xb8;
	[tilespmem:$0xE220] =	vst v63  }
0x2b: {  	_ = 	snop  }
0x2c: {  	[tilespmem:s22], [sflag:$0x3] =	stream.indirect.gather [hbm4b:s4+s19], $0x20, s11, s19, $0xb8;
	[tilespmem:$0xE220] =	vst v63  }
0x2d: {  	s15 =	smov.u32 s2;
	s0 =	simm.s32 $0x0  }
0x2e: {  	[tilespmem:s23], [sflag:$0x4] =	stream.indirect.gather [hbm4b:s4+s19], $0x20, s12, s19, $0xb8;
	[tilespmem:$0xE220] =	vst v63  }
.LBB2_2:
0x2f: {  	_ =	swait.ge [sflag:s25], $0x1000  }
0x30: {  	s3 =	sshra.s32 s0, $0x2;
	s18 =	rddreg [dreg:$0x3];
	[sflag:s25] =	ssyncset.done $0x0  }
0x31: {  	[sflag:s25] =	ssyncadd.s32 $0xFFFFF000;
	s3 =	sadd.s32 s3, s18;
	s18 =	sadd.s32 $0xFFFFFFFD, s15  }
0x32: {  	[spmem:s1] =	stream.indirect.scatter.add.f32 [tilespmem:s20], [sflag:$0x5], $0x20, s3, s19, $0xb8;
	[tilespmem:$0xE220] =	vst v63  }
0x33: {  	s13 =	smov.u32 s5;
	p0 =	slt.s32 s18, s5  }
0x34: {  	_ =	swait.ge [sflag:s16], $0x1000;
	s13 =	smov.u32 @p0 s18  }
0x35: {  	[sflag:s16] =	ssyncset.done $0x0;
	s13 =	sshll.u32 s13, $0x9  }
0x36: {  	[sflag:s16] =	ssyncadd.s32 $0xFFFFF000;
	s13 =	sshra.s32 s13, $0x2  }
0x37: {  	[tilespmem:s20], [sflag:$0x1] =	stream.indirect.gather [hbm4b:s4+s19], $0x20, s13, s19, $0xb8;
	[tilespmem:$0xE220] =	vst v63  }
0x38: {  	_ =	swait.ge [sflag:s26], $0x1000  }
0x39: {  	[sflag:s26] =	ssyncset.done $0x0  }
0x3a: {  	s18 =	sadd.s32 $0x80, s3;
	s13 =	sadd.s32 $0xFFFFFFFE, s15;
	[sflag:s26] =	ssyncadd.s32 $0xFFFFF000  }
0x3b: {  	[spmem:s1] =	stream.indirect.scatter.add.f32 [tilespmem:s21], [sflag:$0x5], $0x20, s18, s19, $0xb8;
	[tilespmem:$0xE220] =	vst v63  }
0x3c: {  	p0 =	slt.s32 s13, s5;
	s18 =	smov.u32 s5  }
0x3d: {  	_ =	swait.ge [sflag:s16], $0x1000;
	s18 =	smov.u32 @p0 s13  }
0x3e: {  	[sflag:s16] =	ssyncset.done $0x0;
	s13 =	sshll.u32 s18, $0x9  }
0x3f: {  	[sflag:s16] =	ssyncadd.s32 $0xFFFFF000;
	s13 =	sshra.s32 s13, $0x2  }
0x40: {  	[tilespmem:s21], [sflag:$0x2] =	stream.indirect.gather [hbm4b:s4+s19], $0x20, s13, s19, $0xb8;
	[tilespmem:$0xE220] =	vst v63  }
0x41: {  	_ =	swait.ge [sflag:s28], $0x1000  }
0x42: {  	[sflag:s28] =	ssyncset.done $0x0  }
0x43: {  	s18 =	sadd.s32 $0x100, s3;
	s13 =	sadd.s32 $0xFFFFFFFF, s15;
	[sflag:s28] =	ssyncadd.s32 $0xFFFFF000  }
0x44: {  	[spmem:s1] =	stream.indirect.scatter.add.f32 [tilespmem:s22], [sflag:$0x5], $0x20, s18, s19, $0xb8;
	[tilespmem:$0xE220] =	vst v63  }
0x45: {  	p0 =	slt.s32 s13, s5;
	s18 =	smov.u32 s5  }
0x46: {  	_ =	swait.ge [sflag:s16], $0x1000;
	s18 =	smov.u32 @p0 s13  }
0x47: {  	[sflag:s16] =	ssyncset.done $0x0;
	s13 =	sshll.u32 s18, $0x9  }
0x48: {  	[sflag:s16] =	ssyncadd.s32 $0xFFFFF000;
	s13 =	sshra.s32 s13, $0x2  }
0x49: {  	[tilespmem:s22], [sflag:$0x3] =	stream.indirect.gather [hbm4b:s4+s19], $0x20, s13, s19, $0xb8;
	[tilespmem:$0xE220] =	vst v63  }
0x4a: {  	_ =	swait.ge [sflag:s29], $0x1000  }
0x4b: {  	[sflag:s29] =	ssyncset.done $0x0  }
0x4c: {  	s3 =	sadd.s32 $0x180, s3;
	[sflag:s29] =	ssyncadd.s32 $0xFFFFF000  }
0x4d: {  	[spmem:s1] =	stream.indirect.scatter.add.f32 [tilespmem:s23], [sflag:$0x5], $0x20, s3, s19, $0xb8;
	[tilespmem:$0xE220] =	vst v63  }
0x4e: {  	s0 =	sadd.s32 $0x800, s0;
	_ =	swait.ge [sflag:s16], $0x1000  }
0x4f: {  	p0 =	slt.s32 s15, s5;
	s3 =	smov.u32 s5;
	s18 =	rddreg [dreg:$0x4]  }
0x50: {  	s3 =	smov.u32 @p0 s15;
	p0 =	sne.s32 s18, s0  }
.Ltmp0:
0x51: {  	_ = 	snop;
	(pc) =	sbr.rel @p0 .LBB2_2-.Ltmp0, $4  }
0x52: {  	_ = 	snop  }
0x53: {  	[sflag:s16] =	ssyncset.done $0x0;
	s3 =	sshll.u32 s3, $0x9  }
0x54: {  	s15 =	sadd.s32 $0x4, s15;
	[sflag:s16] =	ssyncadd.s32 $0xFFFFF000;
	s3 =	sshra.s32 s3, $0x2  }
0x55: {  	[tilespmem:s23], [sflag:$0x4] =	stream.indirect.gather [hbm4b:s4+s19], $0x20, s3, s19, $0xb8;
	[tilespmem:$0xE220] =	vst v63  }
0x56: {  	_ =	swait.ge [sflag:s25], $0x1000  }
0x57: {  	[sflag:s25] =	ssyncset.done $0x0  }
0x58: {  	[sflag:s25] =	ssyncadd.s32 $0xFFFFF000  }
0x59: {  	_ =	swait.ge [sflag:s26], $0x1000  }
0x5a: {  	[sflag:s26] =	ssyncset.done $0x0  }
0x5b: {  	[sflag:s26] =	ssyncadd.s32 $0xFFFFF000  }
0x5c: {  	_ =	swait.ge [sflag:s28], $0x1000  }
0x5d: {  	[sflag:s28] =	ssyncset.done $0x0  }
0x5e: {  	[sflag:s28] =	ssyncadd.s32 $0xFFFFF000  }
0x5f: {  	_ =	swait.ge [sflag:s29], $0x1000  }
0x60: {  	s30 =	sadd.s32 $0x1, s30;
	[sflag:s29] =	ssyncset.done $0x0  }
0x61: {  	p0 =	sne.s32 s30, s14;
	[sflag:s29] =	ssyncadd.s32 $0xFFFFF000  }
.Ltmp1:
0x62: {  	[bflag:$0x0] =	sbarrier.arrive $0xFFFF;
	(pc) =	sbr.rel @p0 .LBB2_1-.Ltmp1, $4  }
0x63: {  	[hbm:s24], [sflag:s7] =	dma.local [spmem:s31], $0x9C4  }
0x64: {  	_ =	swait.ge [sflag:s16], $0x9C4  }
0x65: {  	[sflag:s16] =	ssyncset.done $0x0  }
0x66: {  	[sflag:s16] =	ssyncadd.s32 $0xFFFFF63C  }
0x67: {  	_ =	sfence.sel $0x180000  }
0x68: {  	[bflag:$0x0] =	sbarrier.arrive $0xFFFF  }
0x69: {  	_ =	strace $0x9000004A  }
0x6a: {  	s0 =	stileid.u32;
	[bflag:$0x2] =	sbarrier.arrive $0xFFFF  }
0x6b: {  	p0 =	sne.s32 s0, $0x0;
	s0 =	rddreg [dreg:$0x2]  }
0x6c: {  	s0 =	sadd.s32 @!p0 $0x100000, s0  }
0x6d: {  	[sflag:s0] =	ssyncadd.tile.s32 @!p0 $0x1;
	_ =	shalt  }
.Lfunc_end2:
_tile_overlayer_lowered:
.L_overlay_start_2:
0x6e: {  	(tag) =	ssettag $0x2  }
0x6f: {  	s0 =	rddreg [dreg:$0x0];
	s2 =	stileid.u32  }
0x70: {  	s1 =	rddreg [dreg:$0x1];
	p0 =	sne.s32 s2, $0x0  }
0x71: {  	s3 =	rddreg [dreg:$0x2];
	[bflag:$0x3] =	sbarrier.arrive $0xFFFF;
	s2 =	simm.s32 @!p0 $0x1C05  }
0x72: {  	[timem:s3], [sflag:s2] =	dma.local @!p0 [hbm:s0], s1  }
0x73: {  	s0 =	simm.s32 @!p0 $0x5  }
0x74: {  	_ =	swait.ge @!p0 [sflag:s0], s1  }
0x75: {  	s1 =	ssub.s32 @!p0 $0x0, s1;
	[sflag:s0] =	ssyncset.done @!p0 $0x0  }
0x76: {  	[sflag:s0] =	ssyncadd.s32 @!p0 s1  }
0x77: {  	[bflag:$0x3] =	sbarrier.arrive $0xFFFF  }
0x78: {  	_ =	shalt  }

// kernel: kernel.14.cloned.1.call-start
scs
__scs_entry_jumppad:
0x0: {  	(pc) =	sbr.rel $0x88, $3  }
0x1: {  	(tag) =	ssettag $0x0;
	lr =	simm.s32 $0x1  }
0x2: {  	[smem:$0x3F99] =	sst lr;
	_ =	strace $0xD0000000  }
0x3: {  	_ = 	snop  }
0x4: {  	_ = 	snop  }
0x5: {  	_ = 	snop  }
0x6: {  	_ = 	snop  }
0x7: {  	_ = 	snop  }
__scs_overlays_trampoline_lowered:
0x8: {  	[smem:$0x3FA8] =	sst s0  }
0x9: {  	[smem:$0x3FA9] =	sst s1  }
0xa: {  	[smem:$0x3FAA] =	sst s2  }
0xb: {  	[smem:$0x3FAB] =	sst s3  }
0xc: {  	[smem:$0x3FAC] =	sst s4  }
0xd: {  	[smem:$0x3FAD] =	sst s5  }
0xe: {  	[smem:$0x3FAE] =	sst s6  }
0xf: {  	[smem:$0x3FAF] =	sst s7  }
0x10: {  	[smem:$0x3FB0] =	sst s8  }
0x11: {  	[smem:$0x3FB1] =	sst s9;
	s0 =	simm.s32 @!p0 $0x0  }
0x12: {  	s1 =	sld [smem:$0x3F97];
	s0 =	simm.s32 @p0 $0x1  }
0x13: {  	[smem:$0x3FB2] =	sst s0;
	s0 =	simm.s32 @!p1 $0x0  }
0x14: {  	s2 =	sld [smem:$0x3F96];
	s0 =	simm.s32 @p1 $0x1  }
0x15: {  	[smem:$0x3FB3] =	sst s0;
	s0 =	simm.s32 @!p2 $0x0  }
0x16: {  	s3 =	sld [smem:$0x3FDB];
	s0 =	simm.s32 @p2 $0x1  }
0x17: {  	s4 =	simm.s32 $0x1BF5;
	[smem:$0x3FB5] =	sst s0  }
0x18: {  	s0 =	sld [smem:$0x3F98];
	_ =	swait.ge [sflag:s4], $0x0  }
0x19: {  	s7 =	sld [smem:$0x3F99]  }
0x1a: {  	s8 =	sadd.s32 $0xFFFFE003, lr  }
0x1b: {  	s9 =	sadd.s32 $0xFFFFFEF7, lr;
	s5 =	simm.s32 $0xFFFFFFFF;
	p2 =	slt.u32 s8, $0xFFFFF086  }
0x1c: {  	p1 =	slt.u32 s9, $0xF7A;
	s5 =	simm.s32 @!p2 $0x0  }
0x1d: {  	s5 =	simm.s32 @p1 $0x1;
	p0 =	seq.s32 s7, s2  }
0x1e: {  	s7 =	smul.u32 @!p0 $0xF7A, s2;
	p2 =	seq.s32 @!p0 s5, $0x0  }
0x1f: {  	s9 =	smul.u32 $0xF7A, s1;
	s8 =	simm.s32 @!p0 $0x1BF5;
	p2 =	por !p2, p0  }
0x20: {  	[sflag:s8] =	ssyncset.s32 @!p0 $0xFFFFF086;
	s6 =	sadd.s32 @!p0 s3, s7;
	s7 =	simm.s32 @!p0 $0x108  }
0x21: {  	s3 =	sadd.s32 s3, s9;
	s6 =	sadd.s32 @!p0 $0x88, s6;
	s7 =	simm.s32 @p2 $0x1082  }
0x22: {  	[simem:s7], [sflag:s8] =	dma.local @!p0 [hbm:s6], $0xF7A  }
0x23: {  	s9 =	sor.u32 $0xD0000000, s2;
	s6 =	simm.s32 $0x108;
	_ =	swait.ge @!p0 [sflag:s8], $0x0  }
0x24: {  	s3 =	sadd.s32 $0x88, s3;
	s6 =	simm.s32 @!p1 $0x1082;
	[sflag:s4] =	ssyncset.s32 $0xFFFFF086  }
0x25: {  	[simem:s6], [sflag:s4] =	dma.local [hbm:s3], $0xF7A  }
0x26: {  	[smem:$0x3F99] =	sst s1;
	(tag) =	ssettag s2;
	_ =	strace s9  }
0x27: {  	s1 =	sld [smem:$0x3FA9]  }
0x28: {  	s2 =	sld [smem:$0x3FAA]  }
0x29: {  	s4 =	sld [smem:$0x3FAC]  }
0x2a: {  	p0 =	seq.s32 s5, $0x0;
	s5 =	sld [smem:$0x3FAD]  }
0x2b: {  	s6 =	sld [smem:$0x3FAE]  }
0x2c: {  	s7 =	sld [smem:$0x3FAF]  }
0x2d: {  	s3 =	simm.s32 $0x108;
	s8 =	sld [smem:$0x3FB0]  }
0x2e: {  	s3 =	simm.s32 @!p0 $0x1082;
	s9 =	sld [smem:$0x3FB1]  }
0x2f: {  	lr =	sadd.s32 s0, s3;
	s0 =	sld [smem:$0x3FA8]  }
0x30: {  	s3 =	sld [smem:$0x3FAB]  }
0x31: {  	[smem:$0x3FB4] =	sst s10  }
0x32: {  	s10 =	sld [smem:$0x3FB2];
	_ =	sdelay $0x3  }
0x33: {  	p0 =	seq.s32 s10, $0x1;
	s10 =	sld [smem:$0x3FB4];
	_ =	sdelay $0x3  }
0x34: {  	[smem:$0x3FB4] =	sst s10  }
0x35: {  	s10 =	sld [smem:$0x3FB3];
	_ =	sdelay $0x3  }
0x36: {  	p1 =	seq.s32 s10, $0x1;
	s10 =	sld [smem:$0x3FB4];
	_ =	sdelay $0x3  }
0x37: {  	[smem:$0x3FB4] =	sst s10  }
0x38: {  	s10 =	sld [smem:$0x3FB5]  }
0x39: {  	_ = 	snop;
	(pc) =	sbr.ind lr, $3  }
0x3a: {  	_ = 	snop  }
0x3b: {  	_ = 	snop  }
0x3c: {  	p2 =	seq.s32 s10, $0x1;
	s10 =	sld [smem:$0x3FB4]  }
0x3d: {  	_ =	shalt  }
0x3e: {  	_ =	shalt  }
0x3f: {  	_ =	shalt  }
0x40: {  	_ =	shalt  }
0x41: {  	_ =	shalt  }
0x42: {  	_ =	shalt  }
0x43: {  	_ =	shalt  }
0x44: {  	_ =	shalt  }
0x45: {  	_ =	shalt  }
0x46: {  	_ =	shalt  }
0x47: {  	_ =	shalt  }
0x48: {  	_ =	shalt  }
0x49: {  	_ =	shalt  }
0x4a: {  	_ =	shalt  }
0x4b: {  	_ =	shalt  }
0x4c: {  	_ =	shalt  }
0x4d: {  	_ =	shalt  }
0x4e: {  	_ =	shalt  }
0x4f: {  	_ =	shalt  }
0x50: {  	_ =	shalt  }
0x51: {  	_ =	shalt  }
0x52: {  	_ =	shalt  }
0x53: {  	_ =	shalt  }
0x54: {  	_ =	shalt  }
0x55: {  	_ =	shalt  }
0x56: {  	_ =	shalt  }
0x57: {  	_ =	shalt  }
0x58: {  	_ =	shalt  }
0x59: {  	_ =	shalt  }
0x5a: {  	_ =	shalt  }
0x5b: {  	_ =	shalt  }
0x5c: {  	_ =	shalt  }
0x5d: {  	_ =	shalt  }
0x5e: {  	_ =	shalt  }
0x5f: {  	_ =	shalt  }
0x60: {  	_ =	shalt  }
0x61: {  	_ =	shalt  }
0x62: {  	_ =	shalt  }
0x63: {  	_ =	shalt  }
0x64: {  	_ =	shalt  }
0x65: {  	_ =	shalt  }
0x66: {  	_ =	shalt  }
0x67: {  	_ =	shalt  }
0x68: {  	_ =	shalt  }
0x69: {  	_ =	shalt  }
0x6a: {  	_ =	shalt  }
0x6b: {  	_ =	shalt  }
0x6c: {  	_ =	shalt  }
0x6d: {  	_ =	shalt  }
0x6e: {  	_ =	shalt  }
0x6f: {  	_ =	shalt  }
0x70: {  	_ =	shalt  }
0x71: {  	_ =	shalt  }
0x72: {  	_ =	shalt  }
0x73: {  	_ =	shalt  }
0x74: {  	_ =	shalt  }
0x75: {  	_ =	shalt  }
0x76: {  	_ =	shalt  }
0x77: {  	_ =	shalt  }
0x78: {  	_ =	shalt  }
0x79: {  	_ =	shalt  }
0x7a: {  	_ =	shalt  }
0x7b: {  	_ =	shalt  }
0x7c: {  	_ =	shalt  }
0x7d: {  	_ =	shalt  }
0x7e: {  	_ =	shalt  }
0x7f: {  	_ =	shalt  }
0x80: {  	_ =	shalt  }
0x81: {  	_ =	shalt  }
0x82: {  	_ =	shalt  }
0x83: {  	_ =	shalt  }
0x84: {  	_ =	shalt  }
0x85: {  	_ =	shalt  }
0x86: {  	_ =	shalt  }
0x87: {  	_ =	shalt  }
.Lfunc_end0:
.L_simem_size_0:
called_computation.2_lowered:
.L_overlay_start_0:
0x88: {  	s2 =	sld [smem:$0x3FD9]  }
0x89: {  	s3 =	sld [smem:$0x3FFE];
	_ =	sdelay $0x1  }
0x8a: {  	s1 =	srdreg.scid  }
0x8b: {  	s0 =	sand.u32 $0x1, s1  }
0x8c: {  	s16 =	sshll.u32 s0, $0xA;
	s2 =	sadd.s32 s3, s2  }
0x8d: {  	s2 =	sadd.s32 s2, s16  }
0x8e: {  	[smem:$0x3FC0] =	sst s2  }
0x8f: {  	_ = 	snop  }
0x90: {  	(tm) =	ssettm $0x1  }
0x91: {  	s17 =	sld [smem:$0x3FFB];
	_ =	sdelay $0x3  }
0x92: {  	_ =	strace s17  }
0x93: {  	s2 =	sld [smem:$0x3FFC];
	_ =	sdelay $0x3  }
0x94: {  	_ =	strace s2  }
0x95: {  	s2 =	sld [smem:$0x3FFD];
	_ =	sdelay $0x3  }
0x96: {  	_ =	strace s2  }
0x97: {  	_ =	strace $0x8FFFFFFF  }
0x98: {  	s18 =	sld [smem:$0x3FDB];
	_ =	sdelay $0x1  }
0x99: {  	s19 =	simm.s32 $_scs_section_size  }
0x9a: {  	s4 =	simm.s32 $_size__tile_overlayer_lowered;
	s5 =	simm.s32 $_tile_overlayer_lowered  }
0x9b: {  	s22 =	simm.s32 $0x1BFF;
	s21 =	sshll.u32 s5, $0x1;
	s2 =	sadd.s32 s19, s18  }
0x9c: {  	s6 =	simm.s32 $0x0;
	s20 =	sshll.u32 s4, $0x1;
	s4 =	sadd.s32 s21, s2  }
0x9d: {  	[timem:s6], [sflag:s22] =	dma.local [hbm:s4], s20  }
0x9e: {  	_ =	swait.ge [sflag:s22], s20  }
0x9f: {  	s3 =	ssub.s32 $0x0, s20;
	[sflag:s22] =	ssyncset.done $0x0  }
0xa0: {  	[sflag:s22] =	ssyncadd.s32 s3;
	_ =	sdelay $0x1  }
0xa1: {  	s23 =	simm.s32 $0x1B8B  }
0xa2: {  	_ =	swait.ge [sflag:s23], $0x1  }
0xa3: {  	[sflag:s23] =	ssyncset.done $0x0  }
0xa4: {  	s25 =	simm.s32 $0x1B8E;
	s24 =	sld [smem:$0x3FFE];
	[sflag:s23] =	ssyncadd.s32 $0xFFFFFFFF  }
0xa5: {  	s26 =	simm.s32 $execute0_lowered;
	[smem:$0x3FD2] =	sst s25  }
0xa6: {  	s4 =	sshll.u32 s26, $0x1;
	_ =	strace $0x8000004C;
	[dreg:$0x1] =	wrdreg $0xFFFFFFFF  }
0xa7: {  	s28 =	simm.s32 $_size_execute0_lowered;
	s2 =	sadd.s32 s2, s4;
	[dreg:$0x0] =	wrdreg $0x0  }
0xa8: {  	s4 =	sshll.u32 s28, $0x1;
	[dreg:$0x2] =	wrdreg s2  }
0xa9: {  	[dreg:$0x3] =	wrdreg s4  }
0xaa: {  	[dreg:$0x4] =	wrdreg $0xC0  }
0xab: {  	_ =	task [dreg:s6], $0x5FFFF  }
0xac: {  	[dreg:$0x1] =	wrdreg $0xFFFFFFFF  }
0xad: {  	[dreg:$0x0] =	wrdreg $0x60  }
0xae: {  	[dreg:$0x2] =	wrdreg s24  }
0xaf: {  	[dreg:$0x3] =	wrdreg $0x74000  }
0xb0: {  	[dreg:$0x4] =	wrdreg $0x9  }
0xb1: {  	_ =	task.clear_ibuf [dreg:s6], $0x5FFFF;
	_ =	strace $0x9000004C  }
0xb2: {  	s29 =	simm.s32 $0x9;
	_ =	strace $0x8000004E  }
0xb3: {  	_ =	swait.ge [sflag:s29], $0x1  }
0xb4: {  	[sflag:s29] =	ssyncadd.s32 $0xFFFFFFFF  }
0xb5: {  	_ =	strace $0x9000004E  }
0xb6: {  	_ =	sfence  }
0xb7: {  	s30 =	sld [smem:$0x0];
	_ =	sdelay $0x2  }
0xb8: {  	s31 =	sshll.u32 s1, $0xD;
	s1 =	sshrl.u32 s1, $0x2  }
0xb9: {  	s3 =	sand.u32 $0x4000, s31;
	s1 =	sadd.s32 s1, s30  }
0xba: {  	s0 =	sor.u32 s3, s0;
	s1 =	sshll.u32 s1, $0x11  }
0xbb: {  	s0 =	sor.u32 s1, s0  }
0xbc: {  	s0 =	sadd.s32 $0x8F2B, s0  }
0xbd: {  	[sflag:s0] =	ssyncadd.remote.s32 $0x1  }
0xbe: {  	_ =	sfence.sel $0xFFFF  }
0xbf: {  	[dreg:$0x0] =	wrdreg $0xFFFFFFFF;
	(pc) =	sbr.abs _section_cstart, $3  }
0xc0: {  	[dreg:$0x1] =	wrdreg $0xFFFFFFFF  }
0xc1: {  	_ =	task.clear_ibuf [dreg:s6], $0x2FFFF;
	_ =	strace $0x9FFFFFFF  }
0xc2: {  	(tm) =	ssettm $0x7FFFFFFF  }
0xc3: {  	_ =	shalt  }
tec
execute0_lowered:
.L_overlay_start_1:
0x0: {  	(tag) =	ssettag $0x1  }
0x1: {  	s0 =	rddreg [dreg:$0x0];
	s10 =	stileid.u32  }
0x2: {  	s1 =	rddreg [dreg:$0x1];
	s3 =	srdreg.scid;
	s21 =	simm.s32 $0x0  }
0x3: {  	s13 =	simm.s32 $0x54;
	s20 =	simm.s32 $0x5400;
	s28 =	simm.s32 $0x3  }
0x4: {  	s29 =	simm.s32 $0x4;
	s30 =	simm.s32 $0x0;
	s2 =	smul.u32 $0x50, s10  }
0x5: {  	s4 =	smul.u32 $0x4C, s10;
	s5 =	sand.u32 $0x1, s3;
	p1 =	seq.s32 s10, $0x0  }
0x6: {  	[smem:$0x7FF] =	sst s21;
	s6 =	smul.u32 $0x2710, s10;
	s25 =	sshll.u32 s10, $0x6  }
0x7: {  	s21 =	simm.s32 $0x5C00;
	p0 =	seq.s32 s5, $0x0;
	_ =	strace $0x8000004D  }
0x8: {  	s7 =	smul.u32 $0x4E20, s5;
	s5 =	ssub.s32 $0x2, s5;
	s13 =	simm.s32 @!p1 $0x50  }
0x9: {  	s2 =	sor.u32 $0x4, s2;
	s11 =	sadd.s32 $0x504, s4;
	s4 =	sadd.s32 $0x15A00, s0  }
0xa: {  	s24 =	sshrl.u32 s6, $0x3;
	s22 =	sshrl.u32 s5, $0x1;
	s13 =	simm.s32 @!p0 $0x4C  }
0xb: {  	s23 =	sadd.s32 s6, s1;
	s2 =	simm.s32 @p1 $0x0;
	s9 =	sadd.s32 s24, s0  }
0xc: {  	s14 =	sadd.s32 s7, s0;
	s16 =	ssub.s32 s5, s22;
	[dreg:$0x5] =	wrdreg s23  }
0xd: {  	s7 =	sor.u32 $0x1C05, s25;
	s19 =	sshll.u32 s13, $0x9;
	s22 =	simm.s32 $0x6400  }
0xe: {  	s23 =	simm.s32 $0x6C00;
	s11 =	smov.u32 @p0 s2;
	s6 =	sadd.s32 $0x1AA00, s9  }
0xf: {  	[dreg:$0x4] =	wrdreg s19;
	s25 =	sadd.s32 $0x1FA00, s14;
	s14 =	smax.u32 s16, $0x1  }
0x10: {  	s16 =	simm.s32 $0x5;
	s19 =	simm.s32 $0x80;
	s2 =	smin.u32 s11, $0x970  }
0x11: {  	s18 =	sshll.u32 s11, $0x9;
	s24 =	sadd.s32 s24, s25;
	s25 =	simm.s32 $0x1  }
0x12: {  	s15 =	sshll.u32 s2, $0x4;
	s17 =	ssub.s32 s11, s2;
	s2 =	sshll.u32 s2, $0x9  }
0x13: {  	s8 =	sadd.s32 s15, s0;
	s26 =	sshll.u32 s17, $0x9;
	s0 =	sadd.s32 $0xBC40, s0  }
0x14: {  	s12 =	sshll.u32 s17, $0x7;
	s2 =	ssub.s32 s18, s2;
	s31 =	sadd.s32 s17, s13  }
0x15: {  	s8 =	sadd.s32 $0x2000, s8;
	s9 =	sshra.s32 s26, $0x2;
	s10 =	sor.u32 $0x80, s12  }
0x16: {  	s11 =	sor.u32 $0x100, s12;
	s12 =	sor.u32 $0x180, s12;
	s2 =	sshra.s32 s2, $0x2  }
0x17: {  	s5 =	sadd.s32 $0xFFFFFFFF, s31;
	s26 =	simm.s32 $0x2;
	s2 =	sadd.s32 $0x2A00, s2  }
0x18: {  	[dreg:$0x3] =	wrdreg s2;
	s2 =	sadd.s32 $0x7, s17;
	s17 =	sadd.s32 s15, s0  }
.LBB2_1:
0x19: {  	s0 =	rddreg [dreg:$0x5]  }
0x1a: {  	s31 =	sshrl.u32 s0, $0x3  }
0x1b: {  	[spmem:s31], [sflag:s7] =	dma.local [hbm:s6], $0x4E2  }
0x1c: {  	_ =	swait.ge [sflag:s16], $0x4E2  }
0x1d: {  	[sflag:s16] =	ssyncset.done $0x0  }
0x1e: {  	s18 =	simm.s32 $0x0;
	[sflag:s16] =	ssyncadd.s32 $0xFFFFFB1E  }
0x1f: {  	[tilespmem:s18], [sflag:$0x5] =	stream.linear.gather [hbm4b:s8+s18], $0x2A00, $0x38;
	[tilespmem:$0x9B10] =	vst v63  }
0x20: {  	_ =	swait.ge [sflag:s16], $0x2A00  }
0x21: {  	[sflag:s16] =	ssyncset.done $0x0  }
0x22: {  	s3 =	simm.s32 $0x2A00;
	[sflag:s16] =	ssyncadd.s32 $0xFFFFD600  }
0x23: {  	[tilespmem:s3], [sflag:$0x5] =	stream.linear.gather [hbm4b:s17+s18], $0x2A00, $0x38;
	[tilespmem:$0x9B10] =	vst v63  }
0x24: {  	_ =	swait.ge [sflag:s16], $0x2A00  }
0x25: {  	[sflag:s16] =	ssyncset.done $0x0  }
0x26: {  	[sflag:s16] =	ssyncadd.s32 $0xFFFFD600  }
0x27: {  	[bflag:$0x0] =	sbarrier.arrive $0xFFFF  }
0x28: {  	[tilespmem:s20], [sflag:$0x1] =	stream.indirect.gather [hbm4b:s4+s19], $0x10, s9, s19, $0xb8;
	[tilespmem:$0x9B10] =	vst v63  }
0x29: {  	_ = 	snop  }
0x2a: {  	[tilespmem:s21], [sflag:$0x2] =	stream.indirect.gather [hbm4b:s4+s19], $0x10, s10, s19, $0xb8;
	[tilespmem:$0x9B10] =	vst v63  }
0x2b: {  	_ = 	snop  }
0x2c: {  	[tilespmem:s22], [sflag:$0x3] =	stream.indirect.gather [hbm4b:s4+s19], $0x10, s11, s19, $0xb8;
	[tilespmem:$0x9B10] =	vst v63  }
0x2d: {  	s15 =	smov.u32 s2;
	s0 =	simm.s32 $0x0  }
0x2e: {  	[tilespmem:s23], [sflag:$0x4] =	stream.indirect.gather [hbm4b:s4+s19], $0x10, s12, s19, $0xb8;
	[tilespmem:$0x9B10] =	vst v63  }
.LBB2_2:
0x2f: {  	_ =	swait.ge [sflag:s25], $0x800  }
0x30: {  	s3 =	sshra.s32 s0, $0x2;
	s18 =	rddreg [dreg:$0x3];
	[sflag:s25] =	ssyncset.done $0x0  }
0x31: {  	[sflag:s25] =	ssyncadd.s32 $0xFFFFF800;
	s3 =	sadd.s32 s3, s18;
	s18 =	sadd.s32 $0xFFFFFFFD, s15  }
0x32: {  	[spmem:s1] =	stream.indirect.scatter.add.f32 [tilespmem:s20], [sflag:$0x5], $0x10, s3, s19, $0xb8;
	[tilespmem:$0x9B10] =	vst v63  }
0x33: {  	s13 =	smov.u32 s5;
	p0 =	slt.s32 s18, s5  }
0x34: {  	_ =	swait.ge [sflag:s16], $0x800;
	s13 =	smov.u32 @p0 s18  }
0x35: {  	[sflag:s16] =	ssyncset.done $0x0;
	s13 =	sshll.u32 s13, $0x9  }
0x36: {  	[sflag:s16] =	ssyncadd.s32 $0xFFFFF800;
	s13 =	sshra.s32 s13, $0x2  }
0x37: {  	[tilespmem:s20], [sflag:$0x1] =	stream.indirect.gather [hbm4b:s4+s19], $0x10, s13, s19, $0xb8;
	[tilespmem:$0x9B10] =	vst v63  }
0x38: {  	_ =	swait.ge [sflag:s26], $0x800  }
0x39: {  	[sflag:s26] =	ssyncset.done $0x0  }
0x3a: {  	s18 =	sadd.s32 $0x80, s3;
	s13 =	sadd.s32 $0xFFFFFFFE, s15;
	[sflag:s26] =	ssyncadd.s32 $0xFFFFF800  }
0x3b: {  	[spmem:s1] =	stream.indirect.scatter.add.f32 [tilespmem:s21], [sflag:$0x5], $0x10, s18, s19, $0xb8;
	[tilespmem:$0x9B10] =	vst v63  }
0x3c: {  	p0 =	slt.s32 s13, s5;
	s18 =	smov.u32 s5  }
0x3d: {  	_ =	swait.ge [sflag:s16], $0x800;
	s18 =	smov.u32 @p0 s13  }
0x3e: {  	[sflag:s16] =	ssyncset.done $0x0;
	s13 =	sshll.u32 s18, $0x9  }
0x3f: {  	[sflag:s16] =	ssyncadd.s32 $0xFFFFF800;
	s13 =	sshra.s32 s13, $0x2  }
0x40: {  	[tilespmem:s21], [sflag:$0x2] =	stream.indirect.gather [hbm4b:s4+s19], $0x10, s13, s19, $0xb8;
	[tilespmem:$0x9B10] =	vst v63  }
0x41: {  	_ =	swait.ge [sflag:s28], $0x800  }
0x42: {  	[sflag:s28] =	ssyncset.done $0x0  }
0x43: {  	s18 =	sadd.s32 $0x100, s3;
	s13 =	sadd.s32 $0xFFFFFFFF, s15;
	[sflag:s28] =	ssyncadd.s32 $0xFFFFF800  }
0x44: {  	[spmem:s1] =	stream.indirect.scatter.add.f32 [tilespmem:s22], [sflag:$0x5], $0x10, s18, s19, $0xb8;
	[tilespmem:$0x9B10] =	vst v63  }
0x45: {  	p0 =	slt.s32 s13, s5;
	s18 =	smov.u32 s5  }
0x46: {  	_ =	swait.ge [sflag:s16], $0x800;
	s18 =	smov.u32 @p0 s13  }
0x47: {  	[sflag:s16] =	ssyncset.done $0x0;
	s13 =	sshll.u32 s18, $0x9  }
0x48: {  	[sflag:s16] =	ssyncadd.s32 $0xFFFFF800;
	s13 =	sshra.s32 s13, $0x2  }
0x49: {  	[tilespmem:s22], [sflag:$0x3] =	stream.indirect.gather [hbm4b:s4+s19], $0x10, s13, s19, $0xb8;
	[tilespmem:$0x9B10] =	vst v63  }
0x4a: {  	_ =	swait.ge [sflag:s29], $0x800  }
0x4b: {  	[sflag:s29] =	ssyncset.done $0x0  }
0x4c: {  	s3 =	sadd.s32 $0x180, s3;
	[sflag:s29] =	ssyncadd.s32 $0xFFFFF800  }
0x4d: {  	[spmem:s1] =	stream.indirect.scatter.add.f32 [tilespmem:s23], [sflag:$0x5], $0x10, s3, s19, $0xb8;
	[tilespmem:$0x9B10] =	vst v63  }
0x4e: {  	s0 =	sadd.s32 $0x800, s0;
	_ =	swait.ge [sflag:s16], $0x800  }
0x4f: {  	p0 =	slt.s32 s15, s5;
	s3 =	smov.u32 s5;
	s18 =	rddreg [dreg:$0x4]  }
0x50: {  	s3 =	smov.u32 @p0 s15;
	p0 =	sne.s32 s18, s0  }
.Ltmp0:
0x51: {  	_ = 	snop;
	(pc) =	sbr.rel @p0 .LBB2_2-.Ltmp0, $4  }
0x52: {  	_ = 	snop  }
0x53: {  	[sflag:s16] =	ssyncset.done $0x0;
	s3 =	sshll.u32 s3, $0x9  }
0x54: {  	s15 =	sadd.s32 $0x4, s15;
	[sflag:s16] =	ssyncadd.s32 $0xFFFFF800;
	s3 =	sshra.s32 s3, $0x2  }
0x55: {  	[tilespmem:s23], [sflag:$0x4] =	stream.indirect.gather [hbm4b:s4+s19], $0x10, s3, s19, $0xb8;
	[tilespmem:$0x9B10] =	vst v63  }
0x56: {  	_ =	swait.ge [sflag:s25], $0x800  }
0x57: {  	[sflag:s25] =	ssyncset.done $0x0  }
0x58: {  	[sflag:s25] =	ssyncadd.s32 $0xFFFFF800  }
0x59: {  	_ =	swait.ge [sflag:s26], $0x800  }
0x5a: {  	[sflag:s26] =	ssyncset.done $0x0  }
0x5b: {  	[sflag:s26] =	ssyncadd.s32 $0xFFFFF800  }
0x5c: {  	_ =	swait.ge [sflag:s28], $0x800  }
0x5d: {  	[sflag:s28] =	ssyncset.done $0x0  }
0x5e: {  	[sflag:s28] =	ssyncadd.s32 $0xFFFFF800  }
0x5f: {  	_ =	swait.ge [sflag:s29], $0x800  }
0x60: {  	s30 =	sadd.s32 $0x1, s30;
	[sflag:s29] =	ssyncset.done $0x0  }
0x61: {  	p0 =	sne.s32 s30, s14;
	[sflag:s29] =	ssyncadd.s32 $0xFFFFF800  }
.Ltmp1:
0x62: {  	[bflag:$0x0] =	sbarrier.arrive $0xFFFF;
	(pc) =	sbr.rel @p0 .LBB2_1-.Ltmp1, $4  }
0x63: {  	[hbm:s24], [sflag:s7] =	dma.local [spmem:s31], $0x4E2  }
0x64: {  	_ =	swait.ge [sflag:s16], $0x4E2  }
0x65: {  	[sflag:s16] =	ssyncset.done $0x0  }
0x66: {  	[sflag:s16] =	ssyncadd.s32 $0xFFFFFB1E  }
0x67: {  	_ =	sfence.sel $0x180000  }
0x68: {  	[bflag:$0x0] =	sbarrier.arrive $0xFFFF  }
0x69: {  	_ =	strace $0x9000004D  }
0x6a: {  	s0 =	stileid.u32;
	[bflag:$0x2] =	sbarrier.arrive $0xFFFF  }
0x6b: {  	p0 =	sne.s32 s0, $0x0;
	s0 =	rddreg [dreg:$0x2]  }
0x6c: {  	s0 =	sadd.s32 @!p0 $0x100000, s0  }
0x6d: {  	[sflag:s0] =	ssyncadd.tile.s32 @!p0 $0x1;
	_ =	shalt  }
.Lfunc_end2:
_tile_overlayer_lowered:
.L_overlay_start_2:
0x6e: {  	(tag) =	ssettag $0x2  }
0x6f: {  	s0 =	rddreg [dreg:$0x0];
	s2 =	stileid.u32  }
0x70: {  	s1 =	rddreg [dreg:$0x1];
	p0 =	sne.s32 s2, $0x0  }
0x71: {  	s3 =	rddreg [dreg:$0x2];
	[bflag:$0x3] =	sbarrier.arrive $0xFFFF;
	s2 =	simm.s32 @!p0 $0x1C05  }
0x72: {  	[timem:s3], [sflag:s2] =	dma.local @!p0 [hbm:s0], s1  }
0x73: {  	s0 =	simm.s32 @!p0 $0x5  }
0x74: {  	_ =	swait.ge @!p0 [sflag:s0], s1  }
0x75: {  	s1 =	ssub.s32 @!p0 $0x0, s1;
	[sflag:s0] =	ssyncset.done @!p0 $0x0  }
0x76: {  	[sflag:s0] =	ssyncadd.s32 @!p0 s1  }
0x77: {  	[bflag:$0x3] =	sbarrier.arrive $0xFFFF  }
0x78: {  	_ =	shalt  }

// kernel: kernel.8.cloned.1.call-start
scs
__scs_entry_jumppad:
0x0: {  	(pc) =	sbr.rel $0x88, $3  }
0x1: {  	(tag) =	ssettag $0x0;
	lr =	simm.s32 $0x1  }
0x2: {  	[smem:$0x3F99] =	sst lr;
	_ =	strace $0xD0000000  }
0x3: {  	_ = 	snop  }
0x4: {  	_ = 	snop  }
0x5: {  	_ = 	snop  }
0x6: {  	_ = 	snop  }
0x7: {  	_ = 	snop  }
__scs_overlays_trampoline_lowered:
0x8: {  	[smem:$0x3FA8] =	sst s0  }
0x9: {  	[smem:$0x3FA9] =	sst s1  }
0xa: {  	[smem:$0x3FAA] =	sst s2  }
0xb: {  	[smem:$0x3FAB] =	sst s3  }
0xc: {  	[smem:$0x3FAC] =	sst s4  }
0xd: {  	[smem:$0x3FAD] =	sst s5  }
0xe: {  	[smem:$0x3FAE] =	sst s6  }
0xf: {  	[smem:$0x3FAF] =	sst s7  }
0x10: {  	[smem:$0x3FB0] =	sst s8  }
0x11: {  	[smem:$0x3FB1] =	sst s9;
	s0 =	simm.s32 @!p0 $0x0  }
0x12: {  	s1 =	sld [smem:$0x3F97];
	s0 =	simm.s32 @p0 $0x1  }
0x13: {  	[smem:$0x3FB2] =	sst s0;
	s0 =	simm.s32 @!p1 $0x0  }
0x14: {  	s2 =	sld [smem:$0x3F96];
	s0 =	simm.s32 @p1 $0x1  }
0x15: {  	[smem:$0x3FB3] =	sst s0;
	s0 =	simm.s32 @!p2 $0x0  }
0x16: {  	s3 =	sld [smem:$0x3FDB];
	s0 =	simm.s32 @p2 $0x1  }
0x17: {  	s4 =	simm.s32 $0x1BF5;
	[smem:$0x3FB5] =	sst s0  }
0x18: {  	s0 =	sld [smem:$0x3F98];
	_ =	swait.ge [sflag:s4], $0x0  }
0x19: {  	s7 =	sld [smem:$0x3F99]  }
0x1a: {  	s8 =	sadd.s32 $0xFFFFE003, lr  }
0x1b: {  	s9 =	sadd.s32 $0xFFFFFEF7, lr;
	s5 =	simm.s32 $0xFFFFFFFF;
	p2 =	slt.u32 s8, $0xFFFFF086  }
0x1c: {  	p1 =	slt.u32 s9, $0xF7A;
	s5 =	simm.s32 @!p2 $0x0  }
0x1d: {  	s5 =	simm.s32 @p1 $0x1;
	p0 =	seq.s32 s7, s2  }
0x1e: {  	s7 =	smul.u32 @!p0 $0xF7A, s2;
	p2 =	seq.s32 @!p0 s5, $0x0  }
0x1f: {  	s9 =	smul.u32 $0xF7A, s1;
	s8 =	simm.s32 @!p0 $0x1BF5;
	p2 =	por !p2, p0  }
0x20: {  	[sflag:s8] =	ssyncset.s32 @!p0 $0xFFFFF086;
	s6 =	sadd.s32 @!p0 s3, s7;
	s7 =	simm.s32 @!p0 $0x108  }
0x21: {  	s3 =	sadd.s32 s3, s9;
	s6 =	sadd.s32 @!p0 $0x88, s6;
	s7 =	simm.s32 @p2 $0x1082  }
0x22: {  	[simem:s7], [sflag:s8] =	dma.local @!p0 [hbm:s6], $0xF7A  }
0x23: {  	s9 =	sor.u32 $0xD0000000, s2;
	s6 =	simm.s32 $0x108;
	_ =	swait.ge @!p0 [sflag:s8], $0x0  }
0x24: {  	s3 =	sadd.s32 $0x88, s3;
	s6 =	simm.s32 @!p1 $0x1082;
	[sflag:s4] =	ssyncset.s32 $0xFFFFF086  }
0x25: {  	[simem:s6], [sflag:s4] =	dma.local [hbm:s3], $0xF7A  }
0x26: {  	[smem:$0x3F99] =	sst s1;
	(tag) =	ssettag s2;
	_ =	strace s9  }
0x27: {  	s1 =	sld [smem:$0x3FA9]  }
0x28: {  	s2 =	sld [smem:$0x3FAA]  }
0x29: {  	s4 =	sld [smem:$0x3FAC]  }
0x2a: {  	p0 =	seq.s32 s5, $0x0;
	s5 =	sld [smem:$0x3FAD]  }
0x2b: {  	s6 =	sld [smem:$0x3FAE]  }
0x2c: {  	s7 =	sld [smem:$0x3FAF]  }
0x2d: {  	s3 =	simm.s32 $0x108;
	s8 =	sld [smem:$0x3FB0]  }
0x2e: {  	s3 =	simm.s32 @!p0 $0x1082;
	s9 =	sld [smem:$0x3FB1]  }
0x2f: {  	lr =	sadd.s32 s0, s3;
	s0 =	sld [smem:$0x3FA8]  }
0x30: {  	s3 =	sld [smem:$0x3FAB]  }
0x31: {  	[smem:$0x3FB4] =	sst s10  }
0x32: {  	s10 =	sld [smem:$0x3FB2];
	_ =	sdelay $0x3  }
0x33: {  	p0 =	seq.s32 s10, $0x1;
	s10 =	sld [smem:$0x3FB4];
	_ =	sdelay $0x3  }
0x34: {  	[smem:$0x3FB4] =	sst s10  }
0x35: {  	s10 =	sld [smem:$0x3FB3];
	_ =	sdelay $0x3  }
0x36: {  	p1 =	seq.s32 s10, $0x1;
	s10 =	sld [smem:$0x3FB4];
	_ =	sdelay $0x3  }
0x37: {  	[smem:$0x3FB4] =	sst s10  }
0x38: {  	s10 =	sld [smem:$0x3FB5]  }
0x39: {  	_ = 	snop;
	(pc) =	sbr.ind lr, $3  }
0x3a: {  	_ = 	snop  }
0x3b: {  	_ = 	snop  }
0x3c: {  	p2 =	seq.s32 s10, $0x1;
	s10 =	sld [smem:$0x3FB4]  }
0x3d: {  	_ =	shalt  }
0x3e: {  	_ =	shalt  }
0x3f: {  	_ =	shalt  }
0x40: {  	_ =	shalt  }
0x41: {  	_ =	shalt  }
0x42: {  	_ =	shalt  }
0x43: {  	_ =	shalt  }
0x44: {  	_ =	shalt  }
0x45: {  	_ =	shalt  }
0x46: {  	_ =	shalt  }
0x47: {  	_ =	shalt  }
0x48: {  	_ =	shalt  }
0x49: {  	_ =	shalt  }
0x4a: {  	_ =	shalt  }
0x4b: {  	_ =	shalt  }
0x4c: {  	_ =	shalt  }
0x4d: {  	_ =	shalt  }
0x4e: {  	_ =	shalt  }
0x4f: {  	_ =	shalt  }
0x50: {  	_ =	shalt  }
0x51: {  	_ =	shalt  }
0x52: {  	_ =	shalt  }
0x53: {  	_ =	shalt  }
0x54: {  	_ =	shalt  }
0x55: {  	_ =	shalt  }
0x56: {  	_ =	shalt  }
0x57: {  	_ =	shalt  }
0x58: {  	_ =	shalt  }
0x59: {  	_ =	shalt  }
0x5a: {  	_ =	shalt  }
0x5b: {  	_ =	shalt  }
0x5c: {  	_ =	shalt  }
0x5d: {  	_ =	shalt  }
0x5e: {  	_ =	shalt  }
0x5f: {  	_ =	shalt  }
0x60: {  	_ =	shalt  }
0x61: {  	_ =	shalt  }
0x62: {  	_ =	shalt  }
0x63: {  	_ =	shalt  }
0x64: {  	_ =	shalt  }
0x65: {  	_ =	shalt  }
0x66: {  	_ =	shalt  }
0x67: {  	_ =	shalt  }
0x68: {  	_ =	shalt  }
0x69: {  	_ =	shalt  }
0x6a: {  	_ =	shalt  }
0x6b: {  	_ =	shalt  }
0x6c: {  	_ =	shalt  }
0x6d: {  	_ =	shalt  }
0x6e: {  	_ =	shalt  }
0x6f: {  	_ =	shalt  }
0x70: {  	_ =	shalt  }
0x71: {  	_ =	shalt  }
0x72: {  	_ =	shalt  }
0x73: {  	_ =	shalt  }
0x74: {  	_ =	shalt  }
0x75: {  	_ =	shalt  }
0x76: {  	_ =	shalt  }
0x77: {  	_ =	shalt  }
0x78: {  	_ =	shalt  }
0x79: {  	_ =	shalt  }
0x7a: {  	_ =	shalt  }
0x7b: {  	_ =	shalt  }
0x7c: {  	_ =	shalt  }
0x7d: {  	_ =	shalt  }
0x7e: {  	_ =	shalt  }
0x7f: {  	_ =	shalt  }
0x80: {  	_ =	shalt  }
0x81: {  	_ =	shalt  }
0x82: {  	_ =	shalt  }
0x83: {  	_ =	shalt  }
0x84: {  	_ =	shalt  }
0x85: {  	_ =	shalt  }
0x86: {  	_ =	shalt  }
0x87: {  	_ =	shalt  }
.Lfunc_end0:
.L_simem_size_0:
called_computation_lowered:
.L_overlay_start_0:
0x88: {  	s2 =	sld [smem:$0x3FD9]  }
0x89: {  	s3 =	sld [smem:$0x3FFE];
	_ =	sdelay $0x1  }
0x8a: {  	s1 =	srdreg.scid  }
0x8b: {  	s0 =	sand.u32 $0x1, s1  }
0x8c: {  	s17 =	sshll.u32 s0, $0xA;
	s2 =	sadd.s32 s3, s2  }
0x8d: {  	s2 =	sadd.s32 s2, s17  }
0x8e: {  	[smem:$0x3FC0] =	sst s2  }
0x8f: {  	_ = 	snop  }
0x90: {  	s2 =	sld [smem:$0x3FD0];
	(tm) =	ssettm $0x1  }
0x91: {  	s18 =	sld [smem:$0x3FFB];
	_ =	sdelay $0x3  }
0x92: {  	_ =	strace s18  }
0x93: {  	s3 =	sld [smem:$0x3FFC];
	_ =	sdelay $0x3  }
0x94: {  	_ =	strace s3  }
0x95: {  	s3 =	sld [smem:$0x3FFD];
	_ =	sdelay $0x3  }
0x96: {  	_ =	strace s3  }
0x97: {  	_ =	strace $0x8FFFFFFF  }
0x98: {  	s19 =	sld [smem:$0x3FDB];
	_ =	sdelay $0x1  }
0x99: {  	s4 =	simm.s32 $_scs_section_size  }
0x9a: {  	s5 =	simm.s32 $_size__tile_overlayer_lowered;
	s6 =	simm.s32 $_tile_overlayer_lowered  }
0x9b: {  	s22 =	simm.s32 $0x1BFF;
	s21 =	sshll.u32 s6, $0x1;
	s3 =	sadd.s32 s4, s19  }
0x9c: {  	s7 =	simm.s32 $0x0;
	s20 =	sshll.u32 s5, $0x1;
	s5 =	sadd.s32 s21, s3  }
0x9d: {  	[timem:s7], [sflag:s22] =	dma.local [hbm:s5], s20  }
0x9e: {  	_ =	swait.ge [sflag:s22], s20  }
0x9f: {  	s4 =	ssub.s32 $0x0, s20;
	[sflag:s22] =	ssyncset.done $0x0  }
0xa0: {  	[sflag:s22] =	ssyncadd.s32 s4;
	_ =	sdelay $0x1  }
0xa1: {  	s23 =	simm.s32 $0x1B8B  }
0xa2: {  	_ =	swait.ge [sflag:s23], $0x1  }
0xa3: {  	[sflag:s23] =	ssyncset.done $0x0  }
0xa4: {  	s25 =	simm.s32 $0x1B8E;
	s24 =	sld [smem:$0x3FFE];
	[sflag:s23] =	ssyncadd.s32 $0xFFFFFFFF  }
0xa5: {  	s26 =	simm.s32 $execute0_lowered;
	[smem:$0x3FD2] =	sst s25  }
0xa6: {  	s5 =	sshll.u32 s26, $0x1;
	_ =	strace $0x80000046;
	[dreg:$0x1] =	wrdreg $0xFFFFFFFF  }
0xa7: {  	s28 =	simm.s32 $_size_execute0_lowered;
	s3 =	sadd.s32 s3, s5;
	[dreg:$0x0] =	wrdreg $0x0  }
0xa8: {  	s5 =	sshll.u32 s28, $0x1;
	[dreg:$0x2] =	wrdreg s3  }
0xa9: {  	[dreg:$0x3] =	wrdreg s5  }
0xaa: {  	[dreg:$0x4] =	wrdreg $0xC0  }
0xab: {  	_ =	task [dreg:s7], $0x5FFFF  }
0xac: {  	[dreg:$0x1] =	wrdreg $0xFFFFFFFF  }
0xad: {  	[dreg:$0x0] =	wrdreg $0x60  }
0xae: {  	[dreg:$0x2] =	wrdreg s24  }
0xaf: {  	[dreg:$0x3] =	wrdreg s2  }
0xb0: {  	[dreg:$0x4] =	wrdreg $0x9  }
0xb1: {  	_ =	task.clear_ibuf [dreg:s7], $0x5FFFF;
	_ =	strace $0x90000046  }
0xb2: {  	s29 =	simm.s32 $0x9;
	_ =	strace $0x80000048  }
0xb3: {  	_ =	swait.ge [sflag:s29], $0x1  }
0xb4: {  	[sflag:s29] =	ssyncadd.s32 $0xFFFFFFFF  }
0xb5: {  	_ =	strace $0x90000048  }
0xb6: {  	_ =	sfence  }
0xb7: {  	s30 =	sld [smem:$0x0];
	_ =	sdelay $0x2  }
0xb8: {  	s31 =	sshll.u32 s1, $0xD;
	s1 =	sshrl.u32 s1, $0x2  }
0xb9: {  	s3 =	sand.u32 $0x4000, s31;
	s1 =	sadd.s32 s1, s30  }
0xba: {  	s0 =	sor.u32 s3, s0;
	s1 =	sshll.u32 s1, $0x11  }
0xbb: {  	s0 =	sor.u32 s1, s0  }
0xbc: {  	s0 =	sadd.s32 $0x8F2B, s0  }
0xbd: {  	[sflag:s0] =	ssyncadd.remote.s32 $0x1  }
0xbe: {  	_ =	sfence.sel $0xFFFF  }
0xbf: {  	[dreg:$0x0] =	wrdreg $0xFFFFFFFF;
	(pc) =	sbr.abs _section_cstart, $3  }
0xc0: {  	[dreg:$0x1] =	wrdreg $0xFFFFFFFF  }
0xc1: {  	_ =	task.clear_ibuf [dreg:s7], $0x2FFFF;
	_ =	strace $0x9FFFFFFF  }
0xc2: {  	(tm) =	ssettm $0x7FFFFFFF  }
0xc3: {  	_ =	shalt  }
tec
execute0_lowered:
.L_overlay_start_1:
0x0: {  	(tag) =	ssettag $0x1  }
0x1: {  	s5 =	rddreg [dreg:$0x0];
	s1 =	srdreg.scid  }
0x2: {  	s0 =	stileid.u32;
	s2 =	rddreg [dreg:$0x1];
	s3 =	simm.s32 $0x0  }
0x3: {  	s4 =	sand.u32 $0x1, s1;
	s6 =	sshll.u32 s0, $0x1;
	s1 =	rddreg [dreg:$0x2]  }
0x4: {  	[smem:$0x7FF] =	sst s3;
	s11 =	smul.u32 $0x9C, s0;
	p0 =	slt.u32 s0, $0x2  }
0x5: {  	s29 =	sadd.s32 $0xBC40, s5;
	s6 =	sor.u32 s4, s6;
	s26 =	smul.u32 $0x4E, s4  }
0x6: {  	_ =	strace $0x80000047;
	s8 =	ssub.s32 $0x2, s4;
	s7 =	smul.u32 $0x4E2, s6  }
0x7: {  	s4 =	simm.s32 $0x4F;
	s9 =	smul.u32 $0x4E, s6;
	s10 =	sshrl.u32 s8, $0x1  }
0x8: {  	s6 =	smin.u32 s6, $0x4;
	s4 =	simm.s32 @!p0 $0x4E;
	s8 =	ssub.s32 s8, s10  }
0x9: {  	s11 =	sadd.s32 s11, s6;
	s7 =	sadd.s32 s7, s5;
	s6 =	sadd.s32 s6, s9  }
0xa: {  	s28 =	sadd.s32 s26, s11;
	s11 =	simm.s32 $0x0;
	s6 =	smin.u32 s6, $0x975  }
0xb: {  	s9 =	smax.u32 s28, $0x975;
	s5 =	sadd.s32 $0x15A00, s7;
	s30 =	sshll.u32 s6, $0x4  }
0xc: {  	s31 =	sshll.u32 s9, $0x7;
	s6 =	smax.u32 s8, $0x1;
	s8 =	simm.s32 $0x2780  }
0xd: {  	v0 =	vimm.f32 $1.000000000e+00;
	s9 =	simm.s32 $0x1;
	s7 =	sadd.s32 $0xFFFB45C0, s31;
	s10 =	sadd.s32 s30, s29  }
.LBB2_1:
0xe: {  	[tilespmem:s8], [sflag:$0x1] =	stream.linear.gather [hbm4b:s2+s3], $0x2710, $0x38;
	[tilespmem:$0x4E90] =	vst v63  }
0xf: {  	_ =	swait.ge [sflag:s9], $0x2710  }
0x10: {  	[sflag:s9] =	ssyncset.done $0x0  }
0x11: {  	[sflag:s9] =	ssyncadd.s32 $0xFFFFD8F0  }
0x12: {  	[tilespmem:s3], [sflag:$0x1] =	stream.linear.gather [hbm4b:s10+s3], $0x2780, $0x38;
	[tilespmem:$0x4E90] =	vst v63  }
0x13: {  	_ =	swait.ge [sflag:s9], $0x2780  }
0x14: {  	[sflag:s9] =	ssyncset.done $0x0  }
0x15: {  	s12 =	smov.u32 s7;
	s13 =	smov.u32 s4;
	[sflag:s9] =	ssyncadd.s32 $0xFFFFD880  }
.LBB2_2:
0x16: {  	v1 =	vld [tilespmem:s12+$0xFFFFFFC0];
	_ =	sdelay $0x7  }
0x17: {  	[tilespmem:v1+s8+$0x0] =	vst.idx.add.f32.msk $0xffff, v0  }
0x18: {  	v1 =	vld [tilespmem:s12+$0xFFFFFFD0];
	_ =	sdelay $0x7  }
0x19: {  	[tilespmem:v1+s8+$0x0] =	vst.idx.add.f32.msk $0xffff, v0  }
0x1a: {  	v1 =	vld [tilespmem:s12+$0xFFFFFFE0];
	_ =	sdelay $0x7  }
0x1b: {  	[tilespmem:v1+s8+$0x0] =	vst.idx.add.f32.msk $0xffff, v0  }
0x1c: {  	v1 =	vld [tilespmem:s12+$0xFFFFFFF0];
	_ =	sdelay $0x7  }
0x1d: {  	[tilespmem:v1+s8+$0x0] =	vst.idx.add.f32.msk $0xffff, v0  }
0x1e: {  	v1 =	vld [tilespmem:s12+$0x0];
	_ =	sdelay $0x7  }
0x1f: {  	[tilespmem:v1+s8+$0x0] =	vst.idx.add.f32.msk $0xffff, v0  }
0x20: {  	v1 =	vld [tilespmem:s12+$0x10];
	_ =	sdelay $0x7  }
0x21: {  	[tilespmem:v1+s8+$0x0] =	vst.idx.add.f32.msk $0xffff, v0  }
0x22: {  	v1 =	vld [tilespmem:s12+$0x20];
	_ =	sdelay $0x7  }
0x23: {  	[tilespmem:v1+s8+$0x0] =	vst.idx.add.f32.msk $0xffff, v0  }
0x24: {  	v1 =	vld [tilespmem:s12+$0x30];
	_ =	sdelay $0x2  }
0x25: {  	p0 =	sne.s32 s13, $0x1  }
.Ltmp0:
0x26: {  	_ = 	snop;
	(pc) =	sbr.rel @p0 .LBB2_2-.Ltmp0, $2  }
0x27: {  	_ =	sdelay $0x2  }
0x28: {  	s13 =	sadd.s32 $0xFFFFFFFF, s13;
	s12 =	sadd.s32 $0x80, s12;
	[tilespmem:v1+s8+$0x0] =	vst.idx.add.f32.msk $0xffff, v0  }
0x29: {  	s11 =	sadd.s32 $0x1, s11  }
0x2a: {  	p0 =	sne.s32 s11, s6  }
.Ltmp1:
0x2b: {  	_ = 	snop;
	(pc) =	sbr.rel @p0 .LBB2_1-.Ltmp1, $4  }
0x2c: {  	[hbm4b:s5+s3] =	stream.linear.scatter [tilespmem:s8], [sflag:$0x1], $0x2710, $0x38;
	[tilespmem:$0x4E90] =	vst v63  }
0x2d: {  	_ =	swait.ge [sflag:s9], $0x2710  }
0x2e: {  	[sflag:s9] =	ssyncset.done $0x0  }
0x2f: {  	[sflag:s9] =	ssyncadd.s32 $0xFFFFD8F0  }
0x30: {  	_ =	sfence.sel $0x180000  }
0x31: {  	[bflag:$0x0] =	sbarrier.arrive $0xFFFF  }
0x32: {  	p0 =	sne.s32 s0, $0x0;
	_ =	strace $0x90000047  }
0x33: {  	s0 =	sadd.s32 @!p0 $0x100000, s1;
	[bflag:$0x2] =	sbarrier.arrive $0xFFFF  }
0x34: {  	[sflag:s0] =	ssyncadd.tile.s32 @!p0 $0x1;
	_ =	shalt  }
.Lfunc_end2:
_tile_overlayer_lowered:
.L_overlay_start_2:
0x35: {  	(tag) =	ssettag $0x2  }
0x36: {  	s0 =	rddreg [dreg:$0x0];
	s2 =	stileid.u32  }
0x37: {  	s1 =	rddreg [dreg:$0x1];
	p0 =	sne.s32 s2, $0x0  }
0x38: {  	s3 =	rddreg [dreg:$0x2];
	[bflag:$0x3] =	sbarrier.arrive $0xFFFF;
	s2 =	simm.s32 @!p0 $0x1C01  }
0x39: {  	[timem:s3], [sflag:s2] =	dma.local @!p0 [hbm:s0], s1  }
0x3a: {  	s0 =	simm.s32 @!p0 $0x1  }
0x3b: {  	_ =	swait.ge @!p0 [sflag:s0], s1  }
0x3c: {  	s1 =	ssub.s32 @!p0 $0x0, s1;
	[sflag:s0] =	ssyncset.done @!p0 $0x0  }
0x3d: {  	[sflag:s0] =	ssyncadd.s32 @!p0 s1  }
0x3e: {  	[bflag:$0x3] =	sbarrier.arrive $0xFFFF  }
0x3f: {  	_ =	shalt  }

</sc_bundles>
